<compile_context>
chip_gen: v7x
topology: tpu7x:2x2x1
jax: 0.10.2.dev20260603
libtpu: 0.0.44.dev20260713+nightly
codegen_flags: <defaults>
</compile_context>

<pallas_src>
import functools

import jax
import jax.numpy as jnp
from jax import lax
from jax.experimental import pallas as pl
from jax.experimental.pallas import tpu as pltpu
from jax.experimental.pallas import tpu_sc as plsc

N_TOTAL = 32768
D = 1024
LANES = 16
NC, NS = 2, 16
NW = NC * NS
B_PER_W = N_TOTAL // NW
CHUNK = 16
NBUF = 6
AHEAD = 3
NCHUNK = B_PER_W // CHUNK

_mesh = plsc.VectorSubcoreMesh(core_axis_name="c", subcore_axis_name="s")

_GATHER_DNUMS = lax.GatherDimensionNumbers(
    offset_dims=(), collapsed_slice_dims=(0,), start_index_map=(0,)
)


def _lane_shuffle(x, perm):
    return lax.gather(
        x, perm[:, None], _GATHER_DNUMS, (1,),
        mode=lax.GatherScatterMode.PROMISE_IN_BOUNDS,
    )


def _lane_sum(x):
    for sh in (8, 4, 2, 1):
        perm = jnp.arange(LANES, dtype=jnp.int32) ^ sh
        x = x + _lane_shuffle(x, perm)
    return x


def _rsqrt16(t):
    t = jnp.maximum(t, jnp.float32(1e-24))
    i = lax.bitcast_convert_type(t, jnp.int32)
    y = lax.bitcast_convert_type(jnp.int32(0x5F3759DF) - (i >> 1), jnp.float32)
    for _ in range(3):
        y = y * (jnp.float32(1.5) - jnp.float32(0.5) * t * y * y)
    return y


@functools.partial(
    pl.kernel,
    mesh=_mesh,
    out_type=jax.ShapeDtypeStruct((N_TOTAL, D), jnp.float32),
    scratch_types=[
        pltpu.VMEM((B_PER_W,), jnp.int32),
        pltpu.VMEM((NBUF, CHUNK, D), jnp.float32),
        pltpu.SemaphoreType.DMA((NBUF,)),
        pltpu.SemaphoreType.DMA((NBUF,)),
    ],
)
def _gather_normalize(idx_hbm, table_hbm, out_hbm, idx_v, rows, gsem, osem):
    wid = lax.axis_index("s") * NC + lax.axis_index("c")
    base = wid * B_PER_W
    pltpu.sync_copy(idx_hbm.at[pl.ds(base, B_PER_W)], idx_v)

    def start_gather(j, b):
        pltpu.async_copy(
            table_hbm.at[idx_v.at[pl.ds(j * CHUNK, CHUNK)]],
            rows.at[b], gsem.at[b],
        )

    def start_scatter(j, b):
        pltpu.async_copy(
            rows.at[b], out_hbm.at[pl.ds(base + j * CHUNK, CHUNK)], osem.at[b]
        )

    def wait_gather(b):
        pltpu.make_async_copy(
            table_hbm.at[idx_v.at[pl.ds(0, CHUNK)]], rows.at[b], gsem.at[b]
        ).wait()

    def wait_scatter(b):
        pltpu.make_async_copy(
            rows.at[b], out_hbm.at[pl.ds(0, CHUNK)], osem.at[b]
        ).wait()

    lane_iota = jnp.arange(LANES, dtype=jnp.int32)

    def normalize_chunk(b):
        def p1(r, z):
            accs = [jnp.zeros((LANES,), jnp.float32) for _ in range(4)]
            for j in range(D // LANES):
                s = rows[b, r, pl.ds(j * LANES, LANES)]
                accs[j % 4] = accs[j % 4] + s * s
            acc = _lane_sum((accs[0] + accs[1]) + (accs[2] + accs[3]))
            return jnp.where(lane_iota == r, acc, z)

        z = lax.fori_loop(0, CHUNK, p1, jnp.zeros((LANES,), jnp.float32))
        y = _rsqrt16(z)

        def p2(r, _):
            s = _lane_shuffle(y, jnp.full((LANES,), r, jnp.int32))
            for j in range(D // LANES):
                sl = pl.ds(j * LANES, LANES)
                rows[b, r, sl] = rows[b, r, sl] * s
            return 0

        lax.fori_loop(0, CHUNK, p2, 0)

    for j in range(AHEAD):
        start_gather(j, j)

    def chunk_body(i, _):
        b = lax.rem(i, NBUF)
        wait_gather(b)
        normalize_chunk(b)
        start_scatter(i, b)
        j = i + AHEAD
        bj = lax.rem(j, NBUF)

        @pl.when(j < NCHUNK)
        def _():
            @pl.when(j >= NBUF)
            def _():
                wait_scatter(bj)
            start_gather(j, bj)
        return 0

    lax.fori_loop(0, NCHUNK, chunk_body, 0)

    for b in range(NBUF):
        wait_scatter(b)


def kernel(positions, positional_embeddings):
    idx = positions.reshape(-1).astype(jnp.int32)
    out = _gather_normalize(idx, positional_embeddings)
    return out.reshape(positions.shape + (D,))

# --- scband reference (transcript-rebuilt; emitter-appended) ---
"""Pipeline reference for scband-learned-sinusoidal-embeddings-15418932593306 (READ-ONLY COPY).

The authoritative reference and input builder live on the scoring server;
editing this copy changes nothing except your own understanding.
"""

import jax, jax.numpy as jnp
import numpy as np
import math

N_CTX = 8192
N_STATE = 1024
BATCH = 4
SEQ = 8192

def _build_sinusoidal(n_ctx, n_state):
    position = jnp.arange(0, n_ctx, dtype=jnp.float32)[:, None]
    div_term = jnp.exp(jnp.arange(0, n_state, 2, dtype=jnp.float32) * -(math.log(10000.0) / n_state))
    features = jnp.zeros((n_ctx, n_state), dtype=jnp.float32)
    features = features.at[:, 0::2].set(jnp.sin(position * div_term))
    features = features.at[:, 1::2].set(jnp.cos(position * div_term))
    return features

def setup_inputs(seed: int = 0) -> dict:
    key = jax.random.key(seed)
    positions = jax.random.randint(jax.random.fold_in(key, 1), (BATCH, SEQ), 0, N_CTX)
    # positional_embeddings parameter initialized as a clone of the sinusoidal buffer
    positional_embeddings = _build_sinusoidal(N_CTX, N_STATE)
    return {"positions": positions, "positional_embeddings": positional_embeddings}

def reference(positions, positional_embeddings):
    # gather: positional_embeddings[positions]
    emb = jnp.take(positional_embeddings, positions, axis=0)
    # F.normalize(emb, p=2, dim=-1): x / max(||x||_2, eps)
    norm = jnp.sqrt(jnp.sum(emb * emb, axis=-1, keepdims=True))
    return emb / jnp.maximum(norm, 1e-12)

if __name__ == "__main__":
    import jax
    _d = setup_inputs()
    print(jax.jit(kernel)(*tuple(_d.values())))

</pallas_src>

<mosaic_0001>
#map = affine_map<(d0, d1) -> (0)>
#map1 = affine_map<(d0, d1) -> (0, 0)>
module attributes {stable_mosaic.version = 14 : i64} {
  func.func @_gather_normalize(%arg0: i32, %arg1: i32, %arg2: memref<32768xi32, #tpu.memory_space<hbm>>, %arg3: memref<8192x1024xf32, #tpu.memory_space<hbm>>, %arg4: memref<32768x1024xf32, #tpu.memory_space<hbm>>, %arg5: memref<1024xi32, #tpu.memory_space<vmem>>, %arg6: memref<6x16x1024xf32, #tpu.memory_space<vmem>>, %arg7: memref<6x!tpu.dma_semaphore, #tpu.memory_space<semaphore_mem>>, %arg8: memref<6x!tpu.dma_semaphore, #tpu.memory_space<semaphore_mem>>) attributes {dimension_semantics = [#tpu.dimension_semantics<core_parallel>, #tpu.dimension_semantics<subcore_parallel>], iteration_bounds = array<i64: 2, 16>, scalar_prefetch = 0 : i64, scratch_operands = 4 : i64, tpu.core_type = #tpu.core_type<sc_vector_subcore>, window_params = [{transform_indices = #map}, {transform_indices = #map1}, {transform_indices = #map1}]} {
    %mul3A = arith.constant 2 : i32
    %mul3A_0 = arith.muli %arg1, %mul3A : i32
    %add3A = arith.addi %mul3A_0, %arg0 : i32
    %mul3A_1 = arith.constant 1024 : i32
    %mul3A_2 = arith.muli %add3A, %mul3A_1 : i32
    "tpu.region"() ({
      %run_scoped3A = tpu.sem_alloc : memref<!tpu.dma_semaphore, #tpu.memory_space<semaphore_mem>>
      %dma_start3A_154 = tpu.memref_slice %arg2[%mul3A_2] : memref<32768xi32, #tpu.memory_space<hbm>> -> memref<1024xi32, #tpu.memory_space<hbm>>
      %dma_start3A_155 = tpu.memref_slice %arg2[%mul3A_2] : memref<32768xi32, #tpu.memory_space<hbm>> -> memref<1024xi32, #tpu.memory_space<hbm>>
      tpu.enqueue_dma source(%dma_start3A_155 : memref<1024xi32, #tpu.memory_space<hbm>>) target(%arg5 : memref<1024xi32, #tpu.memory_space<vmem>>) target_semaphore(%run_scoped3A : memref<!tpu.dma_semaphore, #tpu.memory_space<semaphore_mem>>)
      %dma_wait3A_156 = tpu.memref_slice %arg2[%mul3A_2] : memref<32768xi32, #tpu.memory_space<hbm>> -> memref<1024xi32, #tpu.memory_space<hbm>>
      %dma_wait3A_157 = tpu.memref_slice %arg2[%mul3A_2] : memref<32768xi32, #tpu.memory_space<hbm>> -> memref<1024xi32, #tpu.memory_space<hbm>>
      tpu.wait_dma2 semaphore(%run_scoped3A : memref<!tpu.dma_semaphore, #tpu.memory_space<semaphore_mem>>) src(%dma_wait3A_157 : memref<1024xi32, #tpu.memory_space<hbm>>) dst(%arg5 : memref<1024xi32, #tpu.memory_space<vmem>>)
      tpu.yield
    }) : () -> ()
    %iota3A = tpu.iota {dimensions = array<i32: 0>} : vector<16xi32>
    %dma_start3A = arith.constant 0 : i32
    %dma_start3A_3 = arith.constant 0 : i32
    %dma_start3A_4 = arith.constant 0 : i32
    %dma_start3A_5 = arith.constant 0 : i32
    %dma_start3A_6 = tpu.memref_slice %arg6[%dma_start3A, %dma_start3A_4, %dma_start3A_5] : memref<6x16x1024xf32, #tpu.memory_space<vmem>> -> memref<1x16x1024xf32, #tpu.memory_space<vmem>>
    %dma_start3A_7 = tpu.memref_squeeze %dma_start3A_6 : memref<1x16x1024xf32, #tpu.memory_space<vmem>> -> memref<16x1024xf32, #tpu.memory_space<vmem>>
    %dma_start3A_8 = arith.constant 0 : i32
    %dma_start3A_9 = tpu.memref_slice %arg5[%dma_start3A_8] : memref<1024xi32, #tpu.memory_space<vmem>> -> memref<16xi32, #tpu.memory_space<vmem>>
    %dma_start3A_10 = arith.constant 0 : i32
    %dma_start3A_11 = arith.constant 0 : i32
    %dma_start3A_12 = tpu.memref_slice %arg3[%dma_start3A_10, %dma_start3A_11] : memref<8192x1024xf32, #tpu.memory_space<hbm>> -> memref<8192x1024xf32, #tpu.memory_space<hbm>>
    %dma_start3A_13 = tpu.memref_slice %arg7[%dma_start3A_3] : memref<6x!tpu.dma_semaphore, #tpu.memory_space<semaphore_mem>> -> memref<1x!tpu.dma_semaphore, #tpu.memory_space<semaphore_mem>>
    %dma_start3A_14 = tpu.memref_squeeze %dma_start3A_13 : memref<1x!tpu.dma_semaphore, #tpu.memory_space<semaphore_mem>> -> memref<!tpu.dma_semaphore, #tpu.memory_space<semaphore_mem>>
    tpu.enqueue_indirect_dma source(%dma_start3A_12 : memref<8192x1024xf32, #tpu.memory_space<hbm>>) target(%dma_start3A_7 : memref<16x1024xf32, #tpu.memory_space<vmem>>) offsets(%dma_start3A_9 : memref<16xi32, #tpu.memory_space<vmem>>) semaphore(%dma_start3A_14 : memref<!tpu.dma_semaphore, #tpu.memory_space<semaphore_mem>>)
    %dma_start3A_15 = arith.constant 1 : i32
    %dma_start3A_16 = arith.constant 1 : i32
    %dma_start3A_17 = arith.constant 0 : i32
    %dma_start3A_18 = arith.constant 0 : i32
    %dma_start3A_19 = tpu.memref_slice %arg6[%dma_start3A_15, %dma_start3A_17, %dma_start3A_18] : memref<6x16x1024xf32, #tpu.memory_space<vmem>> -> memref<1x16x1024xf32, #tpu.memory_space<vmem>>
    %dma_start3A_20 = tpu.memref_squeeze %dma_start3A_19 : memref<1x16x1024xf32, #tpu.memory_space<vmem>> -> memref<16x1024xf32, #tpu.memory_space<vmem>>
    %dma_start3A_21 = arith.constant 16 : i32
    %dma_start3A_22 = tpu.memref_slice %arg5[%dma_start3A_21] : memref<1024xi32, #tpu.memory_space<vmem>> -> memref<16xi32, #tpu.memory_space<vmem>>
    %dma_start3A_23 = arith.constant 0 : i32
    %dma_start3A_24 = arith.constant 0 : i32
    %dma_start3A_25 = tpu.memref_slice %arg3[%dma_start3A_23, %dma_start3A_24] : memref<8192x1024xf32, #tpu.memory_space<hbm>> -> memref<8192x1024xf32, #tpu.memory_space<hbm>>
    %dma_start3A_26 = tpu.memref_slice %arg7[%dma_start3A_16] : memref<6x!tpu.dma_semaphore, #tpu.memory_space<semaphore_mem>> -> memref<1x!tpu.dma_semaphore, #tpu.memory_space<semaphore_mem>>
    %dma_start3A_27 = tpu.memref_squeeze %dma_start3A_26 : memref<1x!tpu.dma_semaphore, #tpu.memory_space<semaphore_mem>> -> memref<!tpu.dma_semaphore, #tpu.memory_space<semaphore_mem>>
    tpu.enqueue_indirect_dma source(%dma_start3A_25 : memref<8192x1024xf32, #tpu.memory_space<hbm>>) target(%dma_start3A_20 : memref<16x1024xf32, #tpu.memory_space<vmem>>) offsets(%dma_start3A_22 : memref<16xi32, #tpu.memory_space<vmem>>) semaphore(%dma_start3A_27 : memref<!tpu.dma_semaphore, #tpu.memory_space<semaphore_mem>>)
    %dma_start3A_28 = arith.constant 2 : i32
    %dma_start3A_29 = arith.constant 2 : i32
    %dma_start3A_30 = arith.constant 0 : i32
    %dma_start3A_31 = arith.constant 0 : i32
    %dma_start3A_32 = tpu.memref_slice %arg6[%dma_start3A_28, %dma_start3A_30, %dma_start3A_31] : memref<6x16x1024xf32, #tpu.memory_space<vmem>> -> memref<1x16x1024xf32, #tpu.memory_space<vmem>>
    %dma_start3A_33 = tpu.memref_squeeze %dma_start3A_32 : memref<1x16x1024xf32, #tpu.memory_space<vmem>> -> memref<16x1024xf32, #tpu.memory_space<vmem>>
    %dma_start3A_34 = arith.constant 32 : i32
    %dma_start3A_35 = tpu.memref_slice %arg5[%dma_start3A_34] : memref<1024xi32, #tpu.memory_space<vmem>> -> memref<16xi32, #tpu.memory_space<vmem>>
    %dma_start3A_36 = arith.constant 0 : i32
    %dma_start3A_37 = arith.constant 0 : i32
    %dma_start3A_38 = tpu.memref_slice %arg3[%dma_start3A_36, %dma_start3A_37] : memref<8192x1024xf32, #tpu.memory_space<hbm>> -> memref<8192x1024xf32, #tpu.memory_space<hbm>>
    %dma_start3A_39 = tpu.memref_slice %arg7[%dma_start3A_29] : memref<6x!tpu.dma_semaphore, #tpu.memory_space<semaphore_mem>> -> memref<1x!tpu.dma_semaphore, #tpu.memory_space<semaphore_mem>>
    %dma_start3A_40 = tpu.memref_squeeze %dma_start3A_39 : memref<1x!tpu.dma_semaphore, #tpu.memory_space<semaphore_mem>> -> memref<!tpu.dma_semaphore, #tpu.memory_space<semaphore_mem>>
    tpu.enqueue_indirect_dma source(%dma_start3A_38 : memref<8192x1024xf32, #tpu.memory_space<hbm>>) target(%dma_start3A_33 : memref<16x1024xf32, #tpu.memory_space<vmem>>) offsets(%dma_start3A_35 : memref<16xi32, #tpu.memory_space<vmem>>) semaphore(%dma_start3A_40 : memref<!tpu.dma_semaphore, #tpu.memory_space<semaphore_mem>>)
    %scan3A = arith.constant 0 : i32
    %scan3A_41 = arith.constant 0 : i32
    %scan3A_42 = arith.constant 64 : i32
    %scan3A_43 = arith.addi %scan3A_41, %scan3A_42 : i32
    %scan3A_44 = arith.constant 1 : i32
    %scan3A_45 = scf.for %scan3A_154 = %scan3A_41 to %scan3A_43 step %scan3A_44 iter_args(%scan3A_155 = %scan3A) -> (i32)  : i32 {
      %rem3A = arith.constant 6 : i32
      %rem3A_156 = arith.remsi %scan3A_154, %rem3A : i32
      %dma_wait3A_157 = arith.constant 0 : i32
      %dma_wait3A_158 = arith.constant 0 : i32
      %dma_wait3A_159 = tpu.memref_slice %arg6[%rem3A_156, %dma_wait3A_157, %dma_wait3A_158] : memref<6x16x1024xf32, #tpu.memory_space<vmem>> -> memref<1x16x1024xf32, #tpu.memory_space<vmem>>
      %dma_wait3A_160 = tpu.memref_squeeze %dma_wait3A_159 : memref<1x16x1024xf32, #tpu.memory_space<vmem>> -> memref<16x1024xf32, #tpu.memory_space<vmem>>
      %dma_wait3A_161 = arith.constant 0 : i32
      %dma_wait3A_162 = tpu.memref_slice %arg5[%dma_wait3A_161] : memref<1024xi32, #tpu.memory_space<vmem>> -> memref<16xi32, #tpu.memory_space<vmem>>
      %dma_wait3A_163 = arith.constant 0 : i32
      %dma_wait3A_164 = arith.constant 0 : i32
      %dma_wait3A_165 = tpu.memref_slice %arg3[%dma_wait3A_163, %dma_wait3A_164] : memref<8192x1024xf32, #tpu.memory_space<hbm>> -> memref<8192x1024xf32, #tpu.memory_space<hbm>>
      %dma_wait3A_166 = tpu.memref_slice %arg7[%rem3A_156] : memref<6x!tpu.dma_semaphore, #tpu.memory_space<semaphore_mem>> -> memref<1x!tpu.dma_semaphore, #tpu.memory_space<semaphore_mem>>
      %dma_wait3A_167 = tpu.memref_squeeze %dma_wait3A_166 : memref<1x!tpu.dma_semaphore, #tpu.memory_space<semaphore_mem>> -> memref<!tpu.dma_semaphore, #tpu.memory_space<semaphore_mem>>
      tpu.wait_indirect_dma semaphore(%dma_wait3A_167 : memref<!tpu.dma_semaphore, #tpu.memory_space<semaphore_mem>>) src(%dma_wait3A_165 : memref<8192x1024xf32, #tpu.memory_space<hbm>>) dst(%dma_wait3A_160 : memref<16x1024xf32, #tpu.memory_space<vmem>>)
      %broadcast_in_dim3A = arith.constant 0.000000e+00 : f32
      %broadcast_in_dim3A_168 = vector.broadcast %broadcast_in_dim3A : f32 to vector<16xf32>
      %scan3A_169 = arith.constant 0 : i32
      %scan3A_170 = arith.constant 16 : i32
      %scan3A_171 = arith.addi %scan3A_169, %scan3A_170 : i32
      %scan3A_172 = arith.constant 1 : i32
      %scan3A_173 = scf.for %scan3A_240 = %scan3A_169 to %scan3A_171 step %scan3A_172 iter_args(%scan3A_241 = %broadcast_in_dim3A_168) -> (vector<16xf32>)  : i32 {
        %broadcast_in_dim3A_242 = arith.constant 0.000000e+00 : f32
        %broadcast_in_dim3A_243 = vector.broadcast %broadcast_in_dim3A_242 : f32 to vector<16xf32>
        %broadcast_in_dim3A_244 = arith.constant 0.000000e+00 : f32
        %broadcast_in_dim3A_245 = vector.broadcast %broadcast_in_dim3A_244 : f32 to vector<16xf32>
        %broadcast_in_dim3A_246 = arith.constant 0.000000e+00 : f32
        %broadcast_in_dim3A_247 = vector.broadcast %broadcast_in_dim3A_246 : f32 to vector<16xf32>
        %broadcast_in_dim3A_248 = arith.constant 0.000000e+00 : f32
        %broadcast_in_dim3A_249 = vector.broadcast %broadcast_in_dim3A_248 : f32 to vector<16xf32>
        %get3A = arith.index_cast %rem3A_156 : i32 to index
        %get3A_250 = arith.index_cast %scan3A_240 : i32 to index
        %get3A_251 = arith.constant 0 : index
        %get3A_252 = tpu.vector_load %arg6[%get3A, %get3A_250, %get3A_251] {strides = array<i32>} : memref<6x16x1024xf32, #tpu.memory_space<vmem>>, vector<1x1x16xf32>,
        %get3A_253 = vector.shape_cast %get3A_252 : vector<1x1x16xf32> to vector<16xf32>
        %mul3A_254 = arith.mulf %get3A_253, %get3A_253 : vector<16xf32>
        %add3A_255 = arith.addf %broadcast_in_dim3A_243, %mul3A_254 : vector<16xf32>
        %get3A_256 = arith.index_cast %rem3A_156 : i32 to index
        %get3A_257 = arith.index_cast %scan3A_240 : i32 to index
        %get3A_258 = arith.constant 16 : index
        %get3A_259 = tpu.vector_load %arg6[%get3A_256, %get3A_257, %get3A_258] {strides = array<i32>} : memref<6x16x1024xf32, #tpu.memory_space<vmem>>, vector<1x1x16xf32>,
        %get3A_260 = vector.shape_cast %get3A_259 : vector<1x1x16xf32> to vector<16xf32>
        %mul3A_261 = arith.mulf %get3A_260, %get3A_260 : vector<16xf32>
        %add3A_262 = arith.addf %broadcast_in_dim3A_245, %mul3A_261 : vector<16xf32>
        %get3A_263 = arith.index_cast %rem3A_156 : i32 to index
        %get3A_264 = arith.index_cast %scan3A_240 : i32 to index
        %get3A_265 = arith.constant 32 : index
        %get3A_266 = tpu.vector_load %arg6[%get3A_263, %get3A_264, %get3A_265] {strides = array<i32>} : memref<6x16x1024xf32, #tpu.memory_space<vmem>>, vector<1x1x16xf32>,
        %get3A_267 = vector.shape_cast %get3A_266 : vector<1x1x16xf32> to vector<16xf32>
        %mul3A_268 = arith.mulf %get3A_267, %get3A_267 : vector<16xf32>
        %add3A_269 = arith.addf %broadcast_in_dim3A_247, %mul3A_268 : vector<16xf32>
        %get3A_270 = arith.index_cast %rem3A_156 : i32 to index
        %get3A_271 = arith.index_cast %scan3A_240 : i32 to index
        %get3A_272 = arith.constant 48 : index
        %get3A_273 = tpu.vector_load %arg6[%get3A_270, %get3A_271, %get3A_272] {strides = array<i32>} : memref<6x16x1024xf32, #tpu.memory_space<vmem>>, vector<1x1x16xf32>,
        %get3A_274 = vector.shape_cast %get3A_273 : vector<1x1x16xf32> to vector<16xf32>
        %mul3A_275 = arith.mulf %get3A_274, %get3A_274 : vector<16xf32>
        %add3A_276 = arith.addf %broadcast_in_dim3A_249, %mul3A_275 : vector<16xf32>
        %get3A_277 = arith.index_cast %rem3A_156 : i32 to index
        %get3A_278 = arith.index_cast %scan3A_240 : i32 to index
        %get3A_279 = arith.constant 64 : index
        %get3A_280 = tpu.vector_load %arg6[%get3A_277, %get3A_278, %get3A_279] {strides = array<i32>} : memref<6x16x1024xf32, #tpu.memory_space<vmem>>, vector<1x1x16xf32>,
        %get3A_281 = vector.shape_cast %get3A_280 : vector<1x1x16xf32> to vector<16xf32>
        %mul3A_282 = arith.mulf %get3A_281, %get3A_281 : vector<16xf32>
        %add3A_283 = arith.addf %add3A_255, %mul3A_282 : vector<16xf32>
        %get3A_284 = arith.index_cast %rem3A_156 : i32 to index
        %get3A_285 = arith.index_cast %scan3A_240 : i32 to index
        %get3A_286 = arith.constant 80 : index
        %get3A_287 = tpu.vector_load %arg6[%get3A_284, %get3A_285, %get3A_286] {strides = array<i32>} : memref<6x16x1024xf32, #tpu.memory_space<vmem>>, vector<1x1x16xf32>,
        %get3A_288 = vector.shape_cast %get3A_287 : vector<1x1x16xf32> to vector<16xf32>
        %mul3A_289 = arith.mulf %get3A_288, %get3A_288 : vector<16xf32>
        %add3A_290 = arith.addf %add3A_262, %mul3A_289 : vector<16xf32>
        %get3A_291 = arith.index_cast %rem3A_156 : i32 to index
        %get3A_292 = arith.index_cast %scan3A_240 : i32 to index
        %get3A_293 = arith.constant 96 : index
        %get3A_294 = tpu.vector_load %arg6[%get3A_291, %get3A_292, %get3A_293] {strides = array<i32>} : memref<6x16x1024xf32, #tpu.memory_space<vmem>>, vector<1x1x16xf32>,
        %get3A_295 = vector.shape_cast %get3A_294 : vector<1x1x16xf32> to vector<16xf32>
        %mul3A_296 = arith.mulf %get3A_295, %get3A_295 : vector<16xf32>
        %add3A_297 = arith.addf %add3A_269, %mul3A_296 : vector<16xf32>
        %get3A_298 = arith.index_cast %rem3A_156 : i32 to index
        %get3A_299 = arith.index_cast %scan3A_240 : i32 to index
        %get3A_300 = arith.constant 112 : index
        %get3A_301 = tpu.vector_load %arg6[%get3A_298, %get3A_299, %get3A_300] {strides = array<i32>} : memref<6x16x1024xf32, #tpu.memory_space<vmem>>, vector<1x1x16xf32>,
        %get3A_302 = vector.shape_cast %get3A_301 : vector<1x1x16xf32> to vector<16xf32>
        %mul3A_303 = arith.mulf %get3A_302, %get3A_302 : vector<16xf32>
        %add3A_304 = arith.addf %add3A_276, %mul3A_303 : vector<16xf32>
        %get3A_305 = arith.index_cast %rem3A_156 : i32 to index
        %get3A_306 = arith.index_cast %scan3A_240 : i32 to index
        %get3A_307 = arith.constant 128 : index
        %get3A_308 = tpu.vector_load %arg6[%get3A_305, %get3A_306, %get3A_307] {strides = array<i32>} : memref<6x16x1024xf32, #tpu.memory_space<vmem>>, vector<1x1x16xf32>,
        %get3A_309 = vector.shape_cast %get3A_308 : vector<1x1x16xf32> to vector<16xf32>
        %mul3A_310 = arith.mulf %get3A_309, %get3A_309 : vector<16xf32>
        %add3A_311 = arith.addf %add3A_283, %mul3A_310 : vector<16xf32>
        %get3A_312 = arith.index_cast %rem3A_156 : i32 to index
        %get3A_313 = arith.index_cast %scan3A_240 : i32 to index
        %get3A_314 = arith.constant 144 : index
        %get3A_315 = tpu.vector_load %arg6[%get3A_312, %get3A_313, %get3A_314] {strides = array<i32>} : memref<6x16x1024xf32, #tpu.memory_space<vmem>>, vector<1x1x16xf32>,
        %get3A_316 = vector.shape_cast %get3A_315 : vector<1x1x16xf32> to vector<16xf32>
        %mul3A_317 = arith.mulf %get3A_316, %get3A_316 : vector<16xf32>
        %add3A_318 = arith.addf %add3A_290, %mul3A_317 : vector<16xf32>
        %get3A_319 = arith.index_cast %rem3A_156 : i32 to index
        %get3A_320 = arith.index_cast %scan3A_240 : i32 to index
        %get3A_321 = arith.constant 160 : index
        %get3A_322 = tpu.vector_load %arg6[%get3A_319, %get3A_320, %get3A_321] {strides = array<i32>} : memref<6x16x1024xf32, #tpu.memory_space<vmem>>, vector<1x1x16xf32>,
        %get3A_323 = vector.shape_cast %get3A_322 : vector<1x1x16xf32> to vector<16xf32>
        %mul3A_324 = arith.mulf %get3A_323, %get3A_323 : vector<16xf32>
        %add3A_325 = arith.addf %add3A_297, %mul3A_324 : vector<16xf32>
        %get3A_326 = arith.index_cast %rem3A_156 : i32 to index
        %get3A_327 = arith.index_cast %scan3A_240 : i32 to index
        %get3A_328 = arith.constant 176 : index
        %get3A_329 = tpu.vector_load %arg6[%get3A_326, %get3A_327, %get3A_328] {strides = array<i32>} : memref<6x16x1024xf32, #tpu.memory_space<vmem>>, vector<1x1x16xf32>,
        %get3A_330 = vector.shape_cast %get3A_329 : vector<1x1x16xf32> to vector<16xf32>
        %mul3A_331 = arith.mulf %get3A_330, %get3A_330 : vector<16xf32>
        %add3A_332 = arith.addf %add3A_304, %mul3A_331 : vector<16xf32>
        %get3A_333 = arith.index_cast %rem3A_156 : i32 to index
        %get3A_334 = arith.index_cast %scan3A_240 : i32 to index
        %get3A_335 = arith.constant 192 : index
        %get3A_336 = tpu.vector_load %arg6[%get3A_333, %get3A_334, %get3A_335] {strides = array<i32>} : memref<6x16x1024xf32, #tpu.memory_space<vmem>>, vector<1x1x16xf32>,
        %get3A_337 = vector.shape_cast %get3A_336 : vector<1x1x16xf32> to vector<16xf32>
        %mul3A_338 = arith.mulf %get3A_337, %get3A_337 : vector<16xf32>
        %add3A_339 = arith.addf %add3A_311, %mul3A_338 : vector<16xf32>
        %get3A_340 = arith.index_cast %rem3A_156 : i32 to index
        %get3A_341 = arith.index_cast %scan3A_240 : i32 to index
        %get3A_342 = arith.constant 208 : index
        %get3A_343 = tpu.vector_load %arg6[%get3A_340, %get3A_341, %get3A_342] {strides = array<i32>} : memref<6x16x1024xf32, #tpu.memory_space<vmem>>, vector<1x1x16xf32>,
        %get3A_344 = vector.shape_cast %get3A_343 : vector<1x1x16xf32> to vector<16xf32>
        %mul3A_345 = arith.mulf %get3A_344, %get3A_344 : vector<16xf32>
        %add3A_346 = arith.addf %add3A_318, %mul3A_345 : vector<16xf32>
        %get3A_347 = arith.index_cast %rem3A_156 : i32 to index
        %get3A_348 = arith.index_cast %scan3A_240 : i32 to index
        %get3A_349 = arith.constant 224 : index
        %get3A_350 = tpu.vector_load %arg6[%get3A_347, %get3A_348, %get3A_349] {strides = array<i32>} : memref<6x16x1024xf32, #tpu.memory_space<vmem>>, vector<1x1x16xf32>,
        %get3A_351 = vector.shape_cast %get3A_350 : vector<1x1x16xf32> to vector<16xf32>
        %mul3A_352 = arith.mulf %get3A_351, %get3A_351 : vector<16xf32>
        %add3A_353 = arith.addf %add3A_325, %mul3A_352 : vector<16xf32>
        %get3A_354 = arith.index_cast %rem3A_156 : i32 to index
        %get3A_355 = arith.index_cast %scan3A_240 : i32 to index
        %get3A_356 = arith.constant 240 : index
        %get3A_357 = tpu.vector_load %arg6[%get3A_354, %get3A_355, %get3A_356] {strides = array<i32>} : memref<6x16x1024xf32, #tpu.memory_space<vmem>>, vector<1x1x16xf32>,
        %get3A_358 = vector.shape_cast %get3A_357 : vector<1x1x16xf32> to vector<16xf32>
        %mul3A_359 = arith.mulf %get3A_358, %get3A_358 : vector<16xf32>
        %add3A_360 = arith.addf %add3A_332, %mul3A_359 : vector<16xf32>
        %get3A_361 = arith.index_cast %rem3A_156 : i32 to index
        %get3A_362 = arith.index_cast %scan3A_240 : i32 to index
        %get3A_363 = arith.constant 256 : index
        %get3A_364 = tpu.vector_load %arg6[%get3A_361, %get3A_362, %get3A_363] {strides = array<i32>} : memref<6x16x1024xf32, #tpu.memory_space<vmem>>, vector<1x1x16xf32>,
        %get3A_365 = vector.shape_cast %get3A_364 : vector<1x1x16xf32> to vector<16xf32>
        %mul3A_366 = arith.mulf %get3A_365, %get3A_365 : vector<16xf32>
        %add3A_367 = arith.addf %add3A_339, %mul3A_366 : vector<16xf32>
        %get3A_368 = arith.index_cast %rem3A_156 : i32 to index
        %get3A_369 = arith.index_cast %scan3A_240 : i32 to index
        %get3A_370 = arith.constant 272 : index
        %get3A_371 = tpu.vector_load %arg6[%get3A_368, %get3A_369, %get3A_370] {strides = array<i32>} : memref<6x16x1024xf32, #tpu.memory_space<vmem>>, vector<1x1x16xf32>,
        %get3A_372 = vector.shape_cast %get3A_371 : vector<1x1x16xf32> to vector<16xf32>
        %mul3A_373 = arith.mulf %get3A_372, %get3A_372 : vector<16xf32>
        %add3A_374 = arith.addf %add3A_346, %mul3A_373 : vector<16xf32>
        %get3A_375 = arith.index_cast %rem3A_156 : i32 to index
        %get3A_376 = arith.index_cast %scan3A_240 : i32 to index
        %get3A_377 = arith.constant 288 : index
        %get3A_378 = tpu.vector_load %arg6[%get3A_375, %get3A_376, %get3A_377] {strides = array<i32>} : memref<6x16x1024xf32, #tpu.memory_space<vmem>>, vector<1x1x16xf32>,
        %get3A_379 = vector.shape_cast %get3A_378 : vector<1x1x16xf32> to vector<16xf32>
        %mul3A_380 = arith.mulf %get3A_379, %get3A_379 : vector<16xf32>
        %add3A_381 = arith.addf %add3A_353, %mul3A_380 : vector<16xf32>
        %get3A_382 = arith.index_cast %rem3A_156 : i32 to index
        %get3A_383 = arith.index_cast %scan3A_240 : i32 to index
        %get3A_384 = arith.constant 304 : index
        %get3A_385 = tpu.vector_load %arg6[%get3A_382, %get3A_383, %get3A_384] {strides = array<i32>} : memref<6x16x1024xf32, #tpu.memory_space<vmem>>, vector<1x1x16xf32>,
        %get3A_386 = vector.shape_cast %get3A_385 : vector<1x1x16xf32> to vector<16xf32>
        %mul3A_387 = arith.mulf %get3A_386, %get3A_386 : vector<16xf32>
        %add3A_388 = arith.addf %add3A_360, %mul3A_387 : vector<16xf32>
        %get3A_389 = arith.index_cast %rem3A_156 : i32 to index
        %get3A_390 = arith.index_cast %scan3A_240 : i32 to index
        %get3A_391 = arith.constant 320 : index
        %get3A_392 = tpu.vector_load %arg6[%get3A_389, %get3A_390, %get3A_391] {strides = array<i32>} : memref<6x16x1024xf32, #tpu.memory_space<vmem>>, vector<1x1x16xf32>,
        %get3A_393 = vector.shape_cast %get3A_392 : vector<1x1x16xf32> to vector<16xf32>
        %mul3A_394 = arith.mulf %get3A_393, %get3A_393 : vector<16xf32>
        %add3A_395 = arith.addf %add3A_367, %mul3A_394 : vector<16xf32>
        %get3A_396 = arith.index_cast %rem3A_156 : i32 to index
        %get3A_397 = arith.index_cast %scan3A_240 : i32 to index
        %get3A_398 = arith.constant 336 : index
        %get3A_399 = tpu.vector_load %arg6[%get3A_396, %get3A_397, %get3A_398] {strides = array<i32>} : memref<6x16x1024xf32, #tpu.memory_space<vmem>>, vector<1x1x16xf32>,
        %get3A_400 = vector.shape_cast %get3A_399 : vector<1x1x16xf32> to vector<16xf32>
        %mul3A_401 = arith.mulf %get3A_400, %get3A_400 : vector<16xf32>
        %add3A_402 = arith.addf %add3A_374, %mul3A_401 : vector<16xf32>
        %get3A_403 = arith.index_cast %rem3A_156 : i32 to index
        %get3A_404 = arith.index_cast %scan3A_240 : i32 to index
        %get3A_405 = arith.constant 352 : index
        %get3A_406 = tpu.vector_load %arg6[%get3A_403, %get3A_404, %get3A_405] {strides = array<i32>} : memref<6x16x1024xf32, #tpu.memory_space<vmem>>, vector<1x1x16xf32>,
        %get3A_407 = vector.shape_cast %get3A_406 : vector<1x1x16xf32> to vector<16xf32>
        %mul3A_408 = arith.mulf %get3A_407, %get3A_407 : vector<16xf32>
        %add3A_409 = arith.addf %add3A_381, %mul3A_408 : vector<16xf32>
        %get3A_410 = arith.index_cast %rem3A_156 : i32 to index
        %get3A_411 = arith.index_cast %scan3A_240 : i32 to index
        %get3A_412 = arith.constant 368 : index
        %get3A_413 = tpu.vector_load %arg6[%get3A_410, %get3A_411, %get3A_412] {strides = array<i32>} : memref<6x16x1024xf32, #tpu.memory_space<vmem>>, vector<1x1x16xf32>,
        %get3A_414 = vector.shape_cast %get3A_413 : vector<1x1x16xf32> to vector<16xf32>
        %mul3A_415 = arith.mulf %get3A_414, %get3A_414 : vector<16xf32>
        %add3A_416 = arith.addf %add3A_388, %mul3A_415 : vector<16xf32>
        %get3A_417 = arith.index_cast %rem3A_156 : i32 to index
        %get3A_418 = arith.index_cast %scan3A_240 : i32 to index
        %get3A_419 = arith.constant 384 : index
        %get3A_420 = tpu.vector_load %arg6[%get3A_417, %get3A_418, %get3A_419] {strides = array<i32>} : memref<6x16x1024xf32, #tpu.memory_space<vmem>>, vector<1x1x16xf32>,
        %get3A_421 = vector.shape_cast %get3A_420 : vector<1x1x16xf32> to vector<16xf32>
        %mul3A_422 = arith.mulf %get3A_421, %get3A_421 : vector<16xf32>
        %add3A_423 = arith.addf %add3A_395, %mul3A_422 : vector<16xf32>
        %get3A_424 = arith.index_cast %rem3A_156 : i32 to index
        %get3A_425 = arith.index_cast %scan3A_240 : i32 to index
        %get3A_426 = arith.constant 400 : index
        %get3A_427 = tpu.vector_load %arg6[%get3A_424, %get3A_425, %get3A_426] {strides = array<i32>} : memref<6x16x1024xf32, #tpu.memory_space<vmem>>, vector<1x1x16xf32>,
        %get3A_428 = vector.shape_cast %get3A_427 : vector<1x1x16xf32> to vector<16xf32>
        %mul3A_429 = arith.mulf %get3A_428, %get3A_428 : vector<16xf32>
        %add3A_430 = arith.addf %add3A_402, %mul3A_429 : vector<16xf32>
        %get3A_431 = arith.index_cast %rem3A_156 : i32 to index
        %get3A_432 = arith.index_cast %scan3A_240 : i32 to index
        %get3A_433 = arith.constant 416 : index
        %get3A_434 = tpu.vector_load %arg6[%get3A_431, %get3A_432, %get3A_433] {strides = array<i32>} : memref<6x16x1024xf32, #tpu.memory_space<vmem>>, vector<1x1x16xf32>,
        %get3A_435 = vector.shape_cast %get3A_434 : vector<1x1x16xf32> to vector<16xf32>
        %mul3A_436 = arith.mulf %get3A_435, %get3A_435 : vector<16xf32>
        %add3A_437 = arith.addf %add3A_409, %mul3A_436 : vector<16xf32>
        %get3A_438 = arith.index_cast %rem3A_156 : i32 to index
        %get3A_439 = arith.index_cast %scan3A_240 : i32 to index
        %get3A_440 = arith.constant 432 : index
        %get3A_441 = tpu.vector_load %arg6[%get3A_438, %get3A_439, %get3A_440] {strides = array<i32>} : memref<6x16x1024xf32, #tpu.memory_space<vmem>>, vector<1x1x16xf32>,
        %get3A_442 = vector.shape_cast %get3A_441 : vector<1x1x16xf32> to vector<16xf32>
        %mul3A_443 = arith.mulf %get3A_442, %get3A_442 : vector<16xf32>
        %add3A_444 = arith.addf %add3A_416, %mul3A_443 : vector<16xf32>
        %get3A_445 = arith.index_cast %rem3A_156 : i32 to index
        %get3A_446 = arith.index_cast %scan3A_240 : i32 to index
        %get3A_447 = arith.constant 448 : index
        %get3A_448 = tpu.vector_load %arg6[%get3A_445, %get3A_446, %get3A_447] {strides = array<i32>} : memref<6x16x1024xf32, #tpu.memory_space<vmem>>, vector<1x1x16xf32>,
        %get3A_449 = vector.shape_cast %get3A_448 : vector<1x1x16xf32> to vector<16xf32>
        %mul3A_450 = arith.mulf %get3A_449, %get3A_449 : vector<16xf32>
        %add3A_451 = arith.addf %add3A_423, %mul3A_450 : vector<16xf32>
        %get3A_452 = arith.index_cast %rem3A_156 : i32 to index
        %get3A_453 = arith.index_cast %scan3A_240 : i32 to index
        %get3A_454 = arith.constant 464 : index
        %get3A_455 = tpu.vector_load %arg6[%get3A_452, %get3A_453, %get3A_454] {strides = array<i32>} : memref<6x16x1024xf32, #tpu.memory_space<vmem>>, vector<1x1x16xf32>,
        %get3A_456 = vector.shape_cast %get3A_455 : vector<1x1x16xf32> to vector<16xf32>
        %mul3A_457 = arith.mulf %get3A_456, %get3A_456 : vector<16xf32>
        %add3A_458 = arith.addf %add3A_430, %mul3A_457 : vector<16xf32>
        %get3A_459 = arith.index_cast %rem3A_156 : i32 to index
        %get3A_460 = arith.index_cast %scan3A_240 : i32 to index
        %get3A_461 = arith.constant 480 : index
        %get3A_462 = tpu.vector_load %arg6[%get3A_459, %get3A_460, %get3A_461] {strides = array<i32>} : memref<6x16x1024xf32, #tpu.memory_space<vmem>>, vector<1x1x16xf32>,
        %get3A_463 = vector.shape_cast %get3A_462 : vector<1x1x16xf32> to vector<16xf32>
        %mul3A_464 = arith.mulf %get3A_463, %get3A_463 : vector<16xf32>
        %add3A_465 = arith.addf %add3A_437, %mul3A_464 : vector<16xf32>
        %get3A_466 = arith.index_cast %rem3A_156 : i32 to index
        %get3A_467 = arith.index_cast %scan3A_240 : i32 to index
        %get3A_468 = arith.constant 496 : index
        %get3A_469 = tpu.vector_load %arg6[%get3A_466, %get3A_467, %get3A_468] {strides = array<i32>} : memref<6x16x1024xf32, #tpu.memory_space<vmem>>, vector<1x1x16xf32>,
        %get3A_470 = vector.shape_cast %get3A_469 : vector<1x1x16xf32> to vector<16xf32>
        %mul3A_471 = arith.mulf %get3A_470, %get3A_470 : vector<16xf32>
        %add3A_472 = arith.addf %add3A_444, %mul3A_471 : vector<16xf32>
        %get3A_473 = arith.index_cast %rem3A_156 : i32 to index
        %get3A_474 = arith.index_cast %scan3A_240 : i32 to index
        %get3A_475 = arith.constant 512 : index
        %get3A_476 = tpu.vector_load %arg6[%get3A_473, %get3A_474, %get3A_475] {strides = array<i32>} : memref<6x16x1024xf32, #tpu.memory_space<vmem>>, vector<1x1x16xf32>,
        %get3A_477 = vector.shape_cast %get3A_476 : vector<1x1x16xf32> to vector<16xf32>
        %mul3A_478 = arith.mulf %get3A_477, %get3A_477 : vector<16xf32>
        %add3A_479 = arith.addf %add3A_451, %mul3A_478 : vector<16xf32>
        %get3A_480 = arith.index_cast %rem3A_156 : i32 to index
        %get3A_481 = arith.index_cast %scan3A_240 : i32 to index
        %get3A_482 = arith.constant 528 : index
        %get3A_483 = tpu.vector_load %arg6[%get3A_480, %get3A_481, %get3A_482] {strides = array<i32>} : memref<6x16x1024xf32, #tpu.memory_space<vmem>>, vector<1x1x16xf32>,
        %get3A_484 = vector.shape_cast %get3A_483 : vector<1x1x16xf32> to vector<16xf32>
        %mul3A_485 = arith.mulf %get3A_484, %get3A_484 : vector<16xf32>
        %add3A_486 = arith.addf %add3A_458, %mul3A_485 : vector<16xf32>
        %get3A_487 = arith.index_cast %rem3A_156 : i32 to index
        %get3A_488 = arith.index_cast %scan3A_240 : i32 to index
        %get3A_489 = arith.constant 544 : index
        %get3A_490 = tpu.vector_load %arg6[%get3A_487, %get3A_488, %get3A_489] {strides = array<i32>} : memref<6x16x1024xf32, #tpu.memory_space<vmem>>, vector<1x1x16xf32>,
        %get3A_491 = vector.shape_cast %get3A_490 : vector<1x1x16xf32> to vector<16xf32>
        %mul3A_492 = arith.mulf %get3A_491, %get3A_491 : vector<16xf32>
        %add3A_493 = arith.addf %add3A_465, %mul3A_492 : vector<16xf32>
        %get3A_494 = arith.index_cast %rem3A_156 : i32 to index
        %get3A_495 = arith.index_cast %scan3A_240 : i32 to index
        %get3A_496 = arith.constant 560 : index
        %get3A_497 = tpu.vector_load %arg6[%get3A_494, %get3A_495, %get3A_496] {strides = array<i32>} : memref<6x16x1024xf32, #tpu.memory_space<vmem>>, vector<1x1x16xf32>,
        %get3A_498 = vector.shape_cast %get3A_497 : vector<1x1x16xf32> to vector<16xf32>
        %mul3A_499 = arith.mulf %get3A_498, %get3A_498 : vector<16xf32>
        %add3A_500 = arith.addf %add3A_472, %mul3A_499 : vector<16xf32>
        %get3A_501 = arith.index_cast %rem3A_156 : i32 to index
        %get3A_502 = arith.index_cast %scan3A_240 : i32 to index
        %get3A_503 = arith.constant 576 : index
        %get3A_504 = tpu.vector_load %arg6[%get3A_501, %get3A_502, %get3A_503] {strides = array<i32>} : memref<6x16x1024xf32, #tpu.memory_space<vmem>>, vector<1x1x16xf32>,
        %get3A_505 = vector.shape_cast %get3A_504 : vector<1x1x16xf32> to vector<16xf32>
        %mul3A_506 = arith.mulf %get3A_505, %get3A_505 : vector<16xf32>
        %add3A_507 = arith.addf %add3A_479, %mul3A_506 : vector<16xf32>
        %get3A_508 = arith.index_cast %rem3A_156 : i32 to index
        %get3A_509 = arith.index_cast %scan3A_240 : i32 to index
        %get3A_510 = arith.constant 592 : index
        %get3A_511 = tpu.vector_load %arg6[%get3A_508, %get3A_509, %get3A_510] {strides = array<i32>} : memref<6x16x1024xf32, #tpu.memory_space<vmem>>, vector<1x1x16xf32>,
        %get3A_512 = vector.shape_cast %get3A_511 : vector<1x1x16xf32> to vector<16xf32>
        %mul3A_513 = arith.mulf %get3A_512, %get3A_512 : vector<16xf32>
        %add3A_514 = arith.addf %add3A_486, %mul3A_513 : vector<16xf32>
        %get3A_515 = arith.index_cast %rem3A_156 : i32 to index
        %get3A_516 = arith.index_cast %scan3A_240 : i32 to index
        %get3A_517 = arith.constant 608 : index
        %get3A_518 = tpu.vector_load %arg6[%get3A_515, %get3A_516, %get3A_517] {strides = array<i32>} : memref<6x16x1024xf32, #tpu.memory_space<vmem>>, vector<1x1x16xf32>,
        %get3A_519 = vector.shape_cast %get3A_518 : vector<1x1x16xf32> to vector<16xf32>
        %mul3A_520 = arith.mulf %get3A_519, %get3A_519 : vector<16xf32>
        %add3A_521 = arith.addf %add3A_493, %mul3A_520 : vector<16xf32>
        %get3A_522 = arith.index_cast %rem3A_156 : i32 to index
        %get3A_523 = arith.index_cast %scan3A_240 : i32 to index
        %get3A_524 = arith.constant 624 : index
        %get3A_525 = tpu.vector_load %arg6[%get3A_522, %get3A_523, %get3A_524] {strides = array<i32>} : memref<6x16x1024xf32, #tpu.memory_space<vmem>>, vector<1x1x16xf32>,
        %get3A_526 = vector.shape_cast %get3A_525 : vector<1x1x16xf32> to vector<16xf32>
        %mul3A_527 = arith.mulf %get3A_526, %get3A_526 : vector<16xf32>
        %add3A_528 = arith.addf %add3A_500, %mul3A_527 : vector<16xf32>
        %get3A_529 = arith.index_cast %rem3A_156 : i32 to index
        %get3A_530 = arith.index_cast %scan3A_240 : i32 to index
        %get3A_531 = arith.constant 640 : index
        %get3A_532 = tpu.vector_load %arg6[%get3A_529, %get3A_530, %get3A_531] {strides = array<i32>} : memref<6x16x1024xf32, #tpu.memory_space<vmem>>, vector<1x1x16xf32>,
        %get3A_533 = vector.shape_cast %get3A_532 : vector<1x1x16xf32> to vector<16xf32>
        %mul3A_534 = arith.mulf %get3A_533, %get3A_533 : vector<16xf32>
        %add3A_535 = arith.addf %add3A_507, %mul3A_534 : vector<16xf32>
        %get3A_536 = arith.index_cast %rem3A_156 : i32 to index
        %get3A_537 = arith.index_cast %scan3A_240 : i32 to index
        %get3A_538 = arith.constant 656 : index
        %get3A_539 = tpu.vector_load %arg6[%get3A_536, %get3A_537, %get3A_538] {strides = array<i32>} : memref<6x16x1024xf32, #tpu.memory_space<vmem>>, vector<1x1x16xf32>,
        %get3A_540 = vector.shape_cast %get3A_539 : vector<1x1x16xf32> to vector<16xf32>
        %mul3A_541 = arith.mulf %get3A_540, %get3A_540 : vector<16xf32>
        %add3A_542 = arith.addf %add3A_514, %mul3A_541 : vector<16xf32>
        %get3A_543 = arith.index_cast %rem3A_156 : i32 to index
        %get3A_544 = arith.index_cast %scan3A_240 : i32 to index
        %get3A_545 = arith.constant 672 : index
        %get3A_546 = tpu.vector_load %arg6[%get3A_543, %get3A_544, %get3A_545] {strides = array<i32>} : memref<6x16x1024xf32, #tpu.memory_space<vmem>>, vector<1x1x16xf32>,
        %get3A_547 = vector.shape_cast %get3A_546 : vector<1x1x16xf32> to vector<16xf32>
        %mul3A_548 = arith.mulf %get3A_547, %get3A_547 : vector<16xf32>
        %add3A_549 = arith.addf %add3A_521, %mul3A_548 : vector<16xf32>
        %get3A_550 = arith.index_cast %rem3A_156 : i32 to index
        %get3A_551 = arith.index_cast %scan3A_240 : i32 to index
        %get3A_552 = arith.constant 688 : index
        %get3A_553 = tpu.vector_load %arg6[%get3A_550, %get3A_551, %get3A_552] {strides = array<i32>} : memref<6x16x1024xf32, #tpu.memory_space<vmem>>, vector<1x1x16xf32>,
        %get3A_554 = vector.shape_cast %get3A_553 : vector<1x1x16xf32> to vector<16xf32>
        %mul3A_555 = arith.mulf %get3A_554, %get3A_554 : vector<16xf32>
        %add3A_556 = arith.addf %add3A_528, %mul3A_555 : vector<16xf32>
        %get3A_557 = arith.index_cast %rem3A_156 : i32 to index
        %get3A_558 = arith.index_cast %scan3A_240 : i32 to index
        %get3A_559 = arith.constant 704 : index
        %get3A_560 = tpu.vector_load %arg6[%get3A_557, %get3A_558, %get3A_559] {strides = array<i32>} : memref<6x16x1024xf32, #tpu.memory_space<vmem>>, vector<1x1x16xf32>,
        %get3A_561 = vector.shape_cast %get3A_560 : vector<1x1x16xf32> to vector<16xf32>
        %mul3A_562 = arith.mulf %get3A_561, %get3A_561 : vector<16xf32>
        %add3A_563 = arith.addf %add3A_535, %mul3A_562 : vector<16xf32>
        %get3A_564 = arith.index_cast %rem3A_156 : i32 to index
        %get3A_565 = arith.index_cast %scan3A_240 : i32 to index
        %get3A_566 = arith.constant 720 : index
        %get3A_567 = tpu.vector_load %arg6[%get3A_564, %get3A_565, %get3A_566] {strides = array<i32>} : memref<6x16x1024xf32, #tpu.memory_space<vmem>>, vector<1x1x16xf32>,
        %get3A_568 = vector.shape_cast %get3A_567 : vector<1x1x16xf32> to vector<16xf32>
        %mul3A_569 = arith.mulf %get3A_568, %get3A_568 : vector<16xf32>
        %add3A_570 = arith.addf %add3A_542, %mul3A_569 : vector<16xf32>
        %get3A_571 = arith.index_cast %rem3A_156 : i32 to index
        %get3A_572 = arith.index_cast %scan3A_240 : i32 to index
        %get3A_573 = arith.constant 736 : index
        %get3A_574 = tpu.vector_load %arg6[%get3A_571, %get3A_572, %get3A_573] {strides = array<i32>} : memref<6x16x1024xf32, #tpu.memory_space<vmem>>, vector<1x1x16xf32>,
        %get3A_575 = vector.shape_cast %get3A_574 : vector<1x1x16xf32> to vector<16xf32>
        %mul3A_576 = arith.mulf %get3A_575, %get3A_575 : vector<16xf32>
        %add3A_577 = arith.addf %add3A_549, %mul3A_576 : vector<16xf32>
        %get3A_578 = arith.index_cast %rem3A_156 : i32 to index
        %get3A_579 = arith.index_cast %scan3A_240 : i32 to index
        %get3A_580 = arith.constant 752 : index
        %get3A_581 = tpu.vector_load %arg6[%get3A_578, %get3A_579, %get3A_580] {strides = array<i32>} : memref<6x16x1024xf32, #tpu.memory_space<vmem>>, vector<1x1x16xf32>,
        %get3A_582 = vector.shape_cast %get3A_581 : vector<1x1x16xf32> to vector<16xf32>
        %mul3A_583 = arith.mulf %get3A_582, %get3A_582 : vector<16xf32>
        %add3A_584 = arith.addf %add3A_556, %mul3A_583 : vector<16xf32>
        %get3A_585 = arith.index_cast %rem3A_156 : i32 to index
        %get3A_586 = arith.index_cast %scan3A_240 : i32 to index
        %get3A_587 = arith.constant 768 : index
        %get3A_588 = tpu.vector_load %arg6[%get3A_585, %get3A_586, %get3A_587] {strides = array<i32>} : memref<6x16x1024xf32, #tpu.memory_space<vmem>>, vector<1x1x16xf32>,
        %get3A_589 = vector.shape_cast %get3A_588 : vector<1x1x16xf32> to vector<16xf32>
        %mul3A_590 = arith.mulf %get3A_589, %get3A_589 : vector<16xf32>
        %add3A_591 = arith.addf %add3A_563, %mul3A_590 : vector<16xf32>
        %get3A_592 = arith.index_cast %rem3A_156 : i32 to index
        %get3A_593 = arith.index_cast %scan3A_240 : i32 to index
        %get3A_594 = arith.constant 784 : index
        %get3A_595 = tpu.vector_load %arg6[%get3A_592, %get3A_593, %get3A_594] {strides = array<i32>} : memref<6x16x1024xf32, #tpu.memory_space<vmem>>, vector<1x1x16xf32>,
        %get3A_596 = vector.shape_cast %get3A_595 : vector<1x1x16xf32> to vector<16xf32>
        %mul3A_597 = arith.mulf %get3A_596, %get3A_596 : vector<16xf32>
        %add3A_598 = arith.addf %add3A_570, %mul3A_597 : vector<16xf32>
        %get3A_599 = arith.index_cast %rem3A_156 : i32 to index
        %get3A_600 = arith.index_cast %scan3A_240 : i32 to index
        %get3A_601 = arith.constant 800 : index
        %get3A_602 = tpu.vector_load %arg6[%get3A_599, %get3A_600, %get3A_601] {strides = array<i32>} : memref<6x16x1024xf32, #tpu.memory_space<vmem>>, vector<1x1x16xf32>,
        %get3A_603 = vector.shape_cast %get3A_602 : vector<1x1x16xf32> to vector<16xf32>
        %mul3A_604 = arith.mulf %get3A_603, %get3A_603 : vector<16xf32>
        %add3A_605 = arith.addf %add3A_577, %mul3A_604 : vector<16xf32>
        %get3A_606 = arith.index_cast %rem3A_156 : i32 to index
        %get3A_607 = arith.index_cast %scan3A_240 : i32 to index
        %get3A_608 = arith.constant 816 : index
        %get3A_609 = tpu.vector_load %arg6[%get3A_606, %get3A_607, %get3A_608] {strides = array<i32>} : memref<6x16x1024xf32, #tpu.memory_space<vmem>>, vector<1x1x16xf32>,
        %get3A_610 = vector.shape_cast %get3A_609 : vector<1x1x16xf32> to vector<16xf32>
        %mul3A_611 = arith.mulf %get3A_610, %get3A_610 : vector<16xf32>
        %add3A_612 = arith.addf %add3A_584, %mul3A_611 : vector<16xf32>
        %get3A_613 = arith.index_cast %rem3A_156 : i32 to index
        %get3A_614 = arith.index_cast %scan3A_240 : i32 to index
        %get3A_615 = arith.constant 832 : index
        %get3A_616 = tpu.vector_load %arg6[%get3A_613, %get3A_614, %get3A_615] {strides = array<i32>} : memref<6x16x1024xf32, #tpu.memory_space<vmem>>, vector<1x1x16xf32>,
        %get3A_617 = vector.shape_cast %get3A_616 : vector<1x1x16xf32> to vector<16xf32>
        %mul3A_618 = arith.mulf %get3A_617, %get3A_617 : vector<16xf32>
        %add3A_619 = arith.addf %add3A_591, %mul3A_618 : vector<16xf32>
        %get3A_620 = arith.index_cast %rem3A_156 : i32 to index
        %get3A_621 = arith.index_cast %scan3A_240 : i32 to index
        %get3A_622 = arith.constant 848 : index
        %get3A_623 = tpu.vector_load %arg6[%get3A_620, %get3A_621, %get3A_622] {strides = array<i32>} : memref<6x16x1024xf32, #tpu.memory_space<vmem>>, vector<1x1x16xf32>,
        %get3A_624 = vector.shape_cast %get3A_623 : vector<1x1x16xf32> to vector<16xf32>
        %mul3A_625 = arith.mulf %get3A_624, %get3A_624 : vector<16xf32>
        %add3A_626 = arith.addf %add3A_598, %mul3A_625 : vector<16xf32>
        %get3A_627 = arith.index_cast %rem3A_156 : i32 to index
        %get3A_628 = arith.index_cast %scan3A_240 : i32 to index
        %get3A_629 = arith.constant 864 : index
        %get3A_630 = tpu.vector_load %arg6[%get3A_627, %get3A_628, %get3A_629] {strides = array<i32>} : memref<6x16x1024xf32, #tpu.memory_space<vmem>>, vector<1x1x16xf32>,
        %get3A_631 = vector.shape_cast %get3A_630 : vector<1x1x16xf32> to vector<16xf32>
        %mul3A_632 = arith.mulf %get3A_631, %get3A_631 : vector<16xf32>
        %add3A_633 = arith.addf %add3A_605, %mul3A_632 : vector<16xf32>
        %get3A_634 = arith.index_cast %rem3A_156 : i32 to index
        %get3A_635 = arith.index_cast %scan3A_240 : i32 to index
        %get3A_636 = arith.constant 880 : index
        %get3A_637 = tpu.vector_load %arg6[%get3A_634, %get3A_635, %get3A_636] {strides = array<i32>} : memref<6x16x1024xf32, #tpu.memory_space<vmem>>, vector<1x1x16xf32>,
        %get3A_638 = vector.shape_cast %get3A_637 : vector<1x1x16xf32> to vector<16xf32>
        %mul3A_639 = arith.mulf %get3A_638, %get3A_638 : vector<16xf32>
        %add3A_640 = arith.addf %add3A_612, %mul3A_639 : vector<16xf32>
        %get3A_641 = arith.index_cast %rem3A_156 : i32 to index
        %get3A_642 = arith.index_cast %scan3A_240 : i32 to index
        %get3A_643 = arith.constant 896 : index
        %get3A_644 = tpu.vector_load %arg6[%get3A_641, %get3A_642, %get3A_643] {strides = array<i32>} : memref<6x16x1024xf32, #tpu.memory_space<vmem>>, vector<1x1x16xf32>,
        %get3A_645 = vector.shape_cast %get3A_644 : vector<1x1x16xf32> to vector<16xf32>
        %mul3A_646 = arith.mulf %get3A_645, %get3A_645 : vector<16xf32>
        %add3A_647 = arith.addf %add3A_619, %mul3A_646 : vector<16xf32>
        %get3A_648 = arith.index_cast %rem3A_156 : i32 to index
        %get3A_649 = arith.index_cast %scan3A_240 : i32 to index
        %get3A_650 = arith.constant 912 : index
        %get3A_651 = tpu.vector_load %arg6[%get3A_648, %get3A_649, %get3A_650] {strides = array<i32>} : memref<6x16x1024xf32, #tpu.memory_space<vmem>>, vector<1x1x16xf32>,
        %get3A_652 = vector.shape_cast %get3A_651 : vector<1x1x16xf32> to vector<16xf32>
        %mul3A_653 = arith.mulf %get3A_652, %get3A_652 : vector<16xf32>
        %add3A_654 = arith.addf %add3A_626, %mul3A_653 : vector<16xf32>
        %get3A_655 = arith.index_cast %rem3A_156 : i32 to index
        %get3A_656 = arith.index_cast %scan3A_240 : i32 to index
        %get3A_657 = arith.constant 928 : index
        %get3A_658 = tpu.vector_load %arg6[%get3A_655, %get3A_656, %get3A_657] {strides = array<i32>} : memref<6x16x1024xf32, #tpu.memory_space<vmem>>, vector<1x1x16xf32>,
        %get3A_659 = vector.shape_cast %get3A_658 : vector<1x1x16xf32> to vector<16xf32>
        %mul3A_660 = arith.mulf %get3A_659, %get3A_659 : vector<16xf32>
        %add3A_661 = arith.addf %add3A_633, %mul3A_660 : vector<16xf32>
        %get3A_662 = arith.index_cast %rem3A_156 : i32 to index
        %get3A_663 = arith.index_cast %scan3A_240 : i32 to index
        %get3A_664 = arith.constant 944 : index
        %get3A_665 = tpu.vector_load %arg6[%get3A_662, %get3A_663, %get3A_664] {strides = array<i32>} : memref<6x16x1024xf32, #tpu.memory_space<vmem>>, vector<1x1x16xf32>,
        %get3A_666 = vector.shape_cast %get3A_665 : vector<1x1x16xf32> to vector<16xf32>
        %mul3A_667 = arith.mulf %get3A_666, %get3A_666 : vector<16xf32>
        %add3A_668 = arith.addf %add3A_640, %mul3A_667 : vector<16xf32>
        %get3A_669 = arith.index_cast %rem3A_156 : i32 to index
        %get3A_670 = arith.index_cast %scan3A_240 : i32 to index
        %get3A_671 = arith.constant 960 : index
        %get3A_672 = tpu.vector_load %arg6[%get3A_669, %get3A_670, %get3A_671] {strides = array<i32>} : memref<6x16x1024xf32, #tpu.memory_space<vmem>>, vector<1x1x16xf32>,
        %get3A_673 = vector.shape_cast %get3A_672 : vector<1x1x16xf32> to vector<16xf32>
        %mul3A_674 = arith.mulf %get3A_673, %get3A_673 : vector<16xf32>
        %add3A_675 = arith.addf %add3A_647, %mul3A_674 : vector<16xf32>
        %get3A_676 = arith.index_cast %rem3A_156 : i32 to index
        %get3A_677 = arith.index_cast %scan3A_240 : i32 to index
        %get3A_678 = arith.constant 976 : index
        %get3A_679 = tpu.vector_load %arg6[%get3A_676, %get3A_677, %get3A_678] {strides = array<i32>} : memref<6x16x1024xf32, #tpu.memory_space<vmem>>, vector<1x1x16xf32>,
        %get3A_680 = vector.shape_cast %get3A_679 : vector<1x1x16xf32> to vector<16xf32>
        %mul3A_681 = arith.mulf %get3A_680, %get3A_680 : vector<16xf32>
        %add3A_682 = arith.addf %add3A_654, %mul3A_681 : vector<16xf32>
        %get3A_683 = arith.index_cast %rem3A_156 : i32 to index
        %get3A_684 = arith.index_cast %scan3A_240 : i32 to index
        %get3A_685 = arith.constant 992 : index
        %get3A_686 = tpu.vector_load %arg6[%get3A_683, %get3A_684, %get3A_685] {strides = array<i32>} : memref<6x16x1024xf32, #tpu.memory_space<vmem>>, vector<1x1x16xf32>,
        %get3A_687 = vector.shape_cast %get3A_686 : vector<1x1x16xf32> to vector<16xf32>
        %mul3A_688 = arith.mulf %get3A_687, %get3A_687 : vector<16xf32>
        %add3A_689 = arith.addf %add3A_661, %mul3A_688 : vector<16xf32>
        %get3A_690 = arith.index_cast %rem3A_156 : i32 to index
        %get3A_691 = arith.index_cast %scan3A_240 : i32 to index
        %get3A_692 = arith.constant 1008 : index
        %get3A_693 = tpu.vector_load %arg6[%get3A_690, %get3A_691, %get3A_692] {strides = array<i32>} : memref<6x16x1024xf32, #tpu.memory_space<vmem>>, vector<1x1x16xf32>,
        %get3A_694 = vector.shape_cast %get3A_693 : vector<1x1x16xf32> to vector<16xf32>
        %mul3A_695 = arith.mulf %get3A_694, %get3A_694 : vector<16xf32>
        %add3A_696 = arith.addf %add3A_668, %mul3A_695 : vector<16xf32>
        %add3A_697 = arith.addf %add3A_675, %add3A_682 : vector<16xf32>
        %add3A_698 = arith.addf %add3A_689, %add3A_696 : vector<16xf32>
        %add3A_699 = arith.addf %add3A_697, %add3A_698 : vector<16xf32>
        %iota3A_700 = tpu.iota {dimensions = array<i32: 0>} : vector<16xi32>
        %xor3A = arith.constant 8 : i32
        %xor3A_701 = vector.broadcast %xor3A : i32 to vector<16xi32>
        %xor3A_702 = arith.xori %iota3A_700, %xor3A_701 : vector<16xi32>
        %broadcast_in_dim3A_703 = vector.shape_cast %xor3A_702 : vector<16xi32> to vector<16x1xi32>
        %gather3A = vector.shape_cast %broadcast_in_dim3A_703 : vector<16x1xi32> to vector<16xi32>
        %gather3A_704 = tpu.dynamic_gather %add3A_699[%gather3A] in [0] : vector<16xf32>, vector<16xi32> -> vector<16xf32>
        %add3A_705 = arith.addf %add3A_699, %gather3A_704 : vector<16xf32>
        %iota3A_706 = tpu.iota {dimensions = array<i32: 0>} : vector<16xi32>
        %xor3A_707 = arith.constant 4 : i32
        %xor3A_708 = vector.broadcast %xor3A_707 : i32 to vector<16xi32>
        %xor3A_709 = arith.xori %iota3A_706, %xor3A_708 : vector<16xi32>
        %broadcast_in_dim3A_710 = vector.shape_cast %xor3A_709 : vector<16xi32> to vector<16x1xi32>
        %gather3A_711 = vector.shape_cast %broadcast_in_dim3A_710 : vector<16x1xi32> to vector<16xi32>
        %gather3A_712 = tpu.dynamic_gather %add3A_705[%gather3A_711] in [0] : vector<16xf32>, vector<16xi32> -> vector<16xf32>
        %add3A_713 = arith.addf %add3A_705, %gather3A_712 : vector<16xf32>
        %iota3A_714 = tpu.iota {dimensions = array<i32: 0>} : vector<16xi32>
        %xor3A_715 = arith.constant 2 : i32
        %xor3A_716 = vector.broadcast %xor3A_715 : i32 to vector<16xi32>
        %xor3A_717 = arith.xori %iota3A_714, %xor3A_716 : vector<16xi32>
        %broadcast_in_dim3A_718 = vector.shape_cast %xor3A_717 : vector<16xi32> to vector<16x1xi32>
        %gather3A_719 = vector.shape_cast %broadcast_in_dim3A_718 : vector<16x1xi32> to vector<16xi32>
        %gather3A_720 = tpu.dynamic_gather %add3A_713[%gather3A_719] in [0] : vector<16xf32>, vector<16xi32> -> vector<16xf32>
        %add3A_721 = arith.addf %add3A_713, %gather3A_720 : vector<16xf32>
        %iota3A_722 = tpu.iota {dimensions = array<i32: 0>} : vector<16xi32>
        %xor3A_723 = arith.constant 1 : i32
        %xor3A_724 = vector.broadcast %xor3A_723 : i32 to vector<16xi32>
        %xor3A_725 = arith.xori %iota3A_722, %xor3A_724 : vector<16xi32>
        %broadcast_in_dim3A_726 = vector.shape_cast %xor3A_725 : vector<16xi32> to vector<16x1xi32>
        %gather3A_727 = vector.shape_cast %broadcast_in_dim3A_726 : vector<16x1xi32> to vector<16xi32>
        %gather3A_728 = tpu.dynamic_gather %add3A_721[%gather3A_727] in [0] : vector<16xf32>, vector<16xi32> -> vector<16xf32>
        %add3A_729 = arith.addf %add3A_721, %gather3A_728 : vector<16xf32>
        %eq3A = vector.broadcast %scan3A_240 : i32 to vector<16xi32>
        %eq3A_730 = arith.cmpi eq, %iota3A, %eq3A : vector<16xi32>
        %select_n3A = arith.select %eq3A_730, %add3A_729, %scan3A_241 : vector<16xi1>, vector<16xf32>
        scf.yield %select_n3A : vector<16xf32>
      }
      %scan3A_174 = arith.constant 16 : i32
      %max3A = arith.constant 1.000000e-24 : f32
      %max3A_175 = vector.broadcast %max3A : f32 to vector<16xf32>
      %max3A_176 = arith.maximumf %scan3A_173, %max3A_175 : vector<16xf32>
      %bitcast_convert_type3A = tpu.bitcast %max3A_176 : vector<16xf32> -> vector<16xi32>
      %shift_right_arithmetic3A = arith.constant 1 : i32
      %shift_right_arithmetic3A_177 = vector.broadcast %shift_right_arithmetic3A : i32 to vector<16xi32>
      %shift_right_arithmetic3A_178 = arith.shrsi %bitcast_convert_type3A, %shift_right_arithmetic3A_177 : vector<16xi32>
      %sub3A = arith.constant 1597463007 : i32
      %sub3A_179 = vector.broadcast %sub3A : i32 to vector<16xi32>
      %sub3A_180 = arith.subi %sub3A_179, %shift_right_arithmetic3A_178 : vector<16xi32>
      %bitcast_convert_type3A_181 = tpu.bitcast %sub3A_180 : vector<16xi32> -> vector<16xf32>
      %mul3A_182 = arith.constant 5.000000e-01 : f32
      %mul3A_183 = vector.broadcast %mul3A_182 : f32 to vector<16xf32>
      %mul3A_184 = arith.mulf %mul3A_183, %max3A_176 : vector<16xf32>
      %mul3A_185 = arith.mulf %mul3A_184, %bitcast_convert_type3A_181 : vector<16xf32>
      %mul3A_186 = arith.mulf %mul3A_185, %bitcast_convert_type3A_181 : vector<16xf32>
      %sub3A_187 = arith.constant 1.500000e+00 : f32
      %sub3A_188 = vector.broadcast %sub3A_187 : f32 to vector<16xf32>
      %sub3A_189 = arith.subf %sub3A_188, %mul3A_186 : vector<16xf32>
      %mul3A_190 = arith.mulf %bitcast_convert_type3A_181, %sub3A_189 : vector<16xf32>
      %mul3A_191 = arith.constant 5.000000e-01 : f32
      %mul3A_192 = vector.broadcast %mul3A_191 : f32 to vector<16xf32>
      %mul3A_193 = arith.mulf %mul3A_192, %max3A_176 : vector<16xf32>
      %mul3A_194 = arith.mulf %mul3A_193, %mul3A_190 : vector<16xf32>
      %mul3A_195 = arith.mulf %mul3A_194, %mul3A_190 : vector<16xf32>
      %sub3A_196 = arith.constant 1.500000e+00 : f32
      %sub3A_197 = vector.broadcast %sub3A_196 : f32 to vector<16xf32>
      %sub3A_198 = arith.subf %sub3A_197, %mul3A_195 : vector<16xf32>
      %mul3A_199 = arith.mulf %mul3A_190, %sub3A_198 : vector<16xf32>
      %mul3A_200 = arith.constant 5.000000e-01 : f32
      %mul3A_201 = vector.broadcast %mul3A_200 : f32 to vector<16xf32>
      %mul3A_202 = arith.mulf %mul3A_201, %max3A_176 : vector<16xf32>
      %mul3A_203 = arith.mulf %mul3A_202, %mul3A_199 : vector<16xf32>
      %mul3A_204 = arith.mulf %mul3A_203, %mul3A_199 : vector<16xf32>
      %sub3A_205 = arith.constant 1.500000e+00 : f32
      %sub3A_206 = vector.broadcast %sub3A_205 : f32 to vector<16xf32>
      %sub3A_207 = arith.subf %sub3A_206, %mul3A_204 : vector<16xf32>
      %mul3A_208 = arith.mulf %mul3A_199, %sub3A_207 : vector<16xf32>
      %scan3A_209 = arith.constant 0 : i32
      %scan3A_210 = arith.constant 0 : i32
      %scan3A_211 = arith.constant 16 : i32
      %scan3A_212 = arith.addi %scan3A_210, %scan3A_211 : i32
      %scan3A_213 = arith.constant 1 : i32
      %scan3A_214 = scf.for %scan3A_240 = %scan3A_210 to %scan3A_212 step %scan3A_213 iter_args(%scan3A_241 = %scan3A_209) -> (i32)  : i32 {
        %broadcast_in_dim3A_242 = vector.broadcast %scan3A_240 : i32 to vector<16xi32>
        %broadcast_in_dim3A_243 = vector.shape_cast %broadcast_in_dim3A_242 : vector<16xi32> to vector<16x1xi32>
        %gather3A = vector.shape_cast %broadcast_in_dim3A_243 : vector<16x1xi32> to vector<16xi32>
        %gather3A_244 = tpu.dynamic_gather %mul3A_208[%gather3A] in [0] : vector<16xf32>, vector<16xi32> -> vector<16xf32>
        %get3A = arith.index_cast %rem3A_156 : i32 to index
        %get3A_245 = arith.index_cast %scan3A_240 : i32 to index
        %get3A_246 = arith.constant 0 : index
        %get3A_247 = tpu.vector_load %arg6[%get3A, %get3A_245, %get3A_246] {strides = array<i32>} : memref<6x16x1024xf32, #tpu.memory_space<vmem>>, vector<1x1x16xf32>,
        %get3A_248 = vector.shape_cast %get3A_247 : vector<1x1x16xf32> to vector<16xf32>
        %mul3A_249 = arith.mulf %get3A_248, %gather3A_244 : vector<16xf32>
        %swap3A = arith.index_cast %rem3A_156 : i32 to index
        %swap3A_250 = arith.index_cast %scan3A_240 : i32 to index
        %swap3A_251 = arith.constant 0 : index
        %swap3A_252 = tpu.vector_load %arg6[%swap3A, %swap3A_250, %swap3A_251] {strides = array<i32>} : memref<6x16x1024xf32, #tpu.memory_space<vmem>>, vector<1x1x16xf32>,
        %swap3A_253 = vector.shape_cast %swap3A_252 : vector<1x1x16xf32> to vector<16xf32>
        %swap3A_254 = vector.shape_cast %mul3A_249 : vector<16xf32> to vector<1x1x16xf32>
        tpu.vector_store %arg6[%swap3A, %swap3A_250, %swap3A_251], %swap3A_254 {strides = array<i32>} : memref<6x16x1024xf32, #tpu.memory_space<vmem>>, vector<1x1x16xf32>,
        %get3A_255 = arith.index_cast %rem3A_156 : i32 to index
        %get3A_256 = arith.index_cast %scan3A_240 : i32 to index
        %get3A_257 = arith.constant 16 : index
        %get3A_258 = tpu.vector_load %arg6[%get3A_255, %get3A_256, %get3A_257] {strides = array<i32>} : memref<6x16x1024xf32, #tpu.memory_space<vmem>>, vector<1x1x16xf32>,
        %get3A_259 = vector.shape_cast %get3A_258 : vector<1x1x16xf32> to vector<16xf32>
        %mul3A_260 = arith.mulf %get3A_259, %gather3A_244 : vector<16xf32>
        %swap3A_261 = arith.index_cast %rem3A_156 : i32 to index
        %swap3A_262 = arith.index_cast %scan3A_240 : i32 to index
        %swap3A_263 = arith.constant 16 : index
        %swap3A_264 = tpu.vector_load %arg6[%swap3A_261, %swap3A_262, %swap3A_263] {strides = array<i32>} : memref<6x16x1024xf32, #tpu.memory_space<vmem>>, vector<1x1x16xf32>,
        %swap3A_265 = vector.shape_cast %swap3A_264 : vector<1x1x16xf32> to vector<16xf32>
        %swap3A_266 = vector.shape_cast %mul3A_260 : vector<16xf32> to vector<1x1x16xf32>
        tpu.vector_store %arg6[%swap3A_261, %swap3A_262, %swap3A_263], %swap3A_266 {strides = array<i32>} : memref<6x16x1024xf32, #tpu.memory_space<vmem>>, vector<1x1x16xf32>,
        %get3A_267 = arith.index_cast %rem3A_156 : i32 to index
        %get3A_268 = arith.index_cast %scan3A_240 : i32 to index
        %get3A_269 = arith.constant 32 : index
        %get3A_270 = tpu.vector_load %arg6[%get3A_267, %get3A_268, %get3A_269] {strides = array<i32>} : memref<6x16x1024xf32, #tpu.memory_space<vmem>>, vector<1x1x16xf32>,
        %get3A_271 = vector.shape_cast %get3A_270 : vector<1x1x16xf32> to vector<16xf32>
        %mul3A_272 = arith.mulf %get3A_271, %gather3A_244 : vector<16xf32>
        %swap3A_273 = arith.index_cast %rem3A_156 : i32 to index
        %swap3A_274 = arith.index_cast %scan3A_240 : i32 to index
        %swap3A_275 = arith.constant 32 : index
        %swap3A_276 = tpu.vector_load %arg6[%swap3A_273, %swap3A_274, %swap3A_275] {strides = array<i32>} : memref<6x16x1024xf32, #tpu.memory_space<vmem>>, vector<1x1x16xf32>,
        %swap3A_277 = vector.shape_cast %swap3A_276 : vector<1x1x16xf32> to vector<16xf32>
        %swap3A_278 = vector.shape_cast %mul3A_272 : vector<16xf32> to vector<1x1x16xf32>
        tpu.vector_store %arg6[%swap3A_273, %swap3A_274, %swap3A_275], %swap3A_278 {strides = array<i32>} : memref<6x16x1024xf32, #tpu.memory_space<vmem>>, vector<1x1x16xf32>,
        %get3A_279 = arith.index_cast %rem3A_156 : i32 to index
        %get3A_280 = arith.index_cast %scan3A_240 : i32 to index
        %get3A_281 = arith.constant 48 : index
        %get3A_282 = tpu.vector_load %arg6[%get3A_279, %get3A_280, %get3A_281] {strides = array<i32>} : memref<6x16x1024xf32, #tpu.memory_space<vmem>>, vector<1x1x16xf32>,
        %get3A_283 = vector.shape_cast %get3A_282 : vector<1x1x16xf32> to vector<16xf32>
        %mul3A_284 = arith.mulf %get3A_283, %gather3A_244 : vector<16xf32>
        %swap3A_285 = arith.index_cast %rem3A_156 : i32 to index
        %swap3A_286 = arith.index_cast %scan3A_240 : i32 to index
        %swap3A_287 = arith.constant 48 : index
        %swap3A_288 = tpu.vector_load %arg6[%swap3A_285, %swap3A_286, %swap3A_287] {strides = array<i32>} : memref<6x16x1024xf32, #tpu.memory_space<vmem>>, vector<1x1x16xf32>,
        %swap3A_289 = vector.shape_cast %swap3A_288 : vector<1x1x16xf32> to vector<16xf32>
        %swap3A_290 = vector.shape_cast %mul3A_284 : vector<16xf32> to vector<1x1x16xf32>
        tpu.vector_store %arg6[%swap3A_285, %swap3A_286, %swap3A_287], %swap3A_290 {strides = array<i32>} : memref<6x16x1024xf32, #tpu.memory_space<vmem>>, vector<1x1x16xf32>,
        %get3A_291 = arith.index_cast %rem3A_156 : i32 to index
        %get3A_292 = arith.index_cast %scan3A_240 : i32 to index
        %get3A_293 = arith.constant 64 : index
        %get3A_294 = tpu.vector_load %arg6[%get3A_291, %get3A_292, %get3A_293] {strides = array<i32>} : memref<6x16x1024xf32, #tpu.memory_space<vmem>>, vector<1x1x16xf32>,
        %get3A_295 = vector.shape_cast %get3A_294 : vector<1x1x16xf32> to vector<16xf32>
        %mul3A_296 = arith.mulf %get3A_295, %gather3A_244 : vector<16xf32>
        %swap3A_297 = arith.index_cast %rem3A_156 : i32 to index
        %swap3A_298 = arith.index_cast %scan3A_240 : i32 to index
        %swap3A_299 = arith.constant 64 : index
        %swap3A_300 = tpu.vector_load %arg6[%swap3A_297, %swap3A_298, %swap3A_299] {strides = array<i32>} : memref<6x16x1024xf32, #tpu.memory_space<vmem>>, vector<1x1x16xf32>,
        %swap3A_301 = vector.shape_cast %swap3A_300 : vector<1x1x16xf32> to vector<16xf32>
        %swap3A_302 = vector.shape_cast %mul3A_296 : vector<16xf32> to vector<1x1x16xf32>
        tpu.vector_store %arg6[%swap3A_297, %swap3A_298, %swap3A_299], %swap3A_302 {strides = array<i32>} : memref<6x16x1024xf32, #tpu.memory_space<vmem>>, vector<1x1x16xf32>,
        %get3A_303 = arith.index_cast %rem3A_156 : i32 to index
        %get3A_304 = arith.index_cast %scan3A_240 : i32 to index
        %get3A_305 = arith.constant 80 : index
        %get3A_306 = tpu.vector_load %arg6[%get3A_303, %get3A_304, %get3A_305] {strides = array<i32>} : memref<6x16x1024xf32, #tpu.memory_space<vmem>>, vector<1x1x16xf32>,
        %get3A_307 = vector.shape_cast %get3A_306 : vector<1x1x16xf32> to vector<16xf32>
        %mul3A_308 = arith.mulf %get3A_307, %gather3A_244 : vector<16xf32>
        %swap3A_309 = arith.index_cast %rem3A_156 : i32 to index
        %swap3A_310 = arith.index_cast %scan3A_240 : i32 to index
        %swap3A_311 = arith.constant 80 : index
        %swap3A_312 = tpu.vector_load %arg6[%swap3A_309, %swap3A_310, %swap3A_311] {strides = array<i32>} : memref<6x16x1024xf32, #tpu.memory_space<vmem>>, vector<1x1x16xf32>,
        %swap3A_313 = vector.shape_cast %swap3A_312 : vector<1x1x16xf32> to vector<16xf32>
        %swap3A_314 = vector.shape_cast %mul3A_308 : vector<16xf32> to vector<1x1x16xf32>
        tpu.vector_store %arg6[%swap3A_309, %swap3A_310, %swap3A_311], %swap3A_314 {strides = array<i32>} : memref<6x16x1024xf32, #tpu.memory_space<vmem>>, vector<1x1x16xf32>,
        %get3A_315 = arith.index_cast %rem3A_156 : i32 to index
        %get3A_316 = arith.index_cast %scan3A_240 : i32 to index
        %get3A_317 = arith.constant 96 : index
        %get3A_318 = tpu.vector_load %arg6[%get3A_315, %get3A_316, %get3A_317] {strides = array<i32>} : memref<6x16x1024xf32, #tpu.memory_space<vmem>>, vector<1x1x16xf32>,
        %get3A_319 = vector.shape_cast %get3A_318 : vector<1x1x16xf32> to vector<16xf32>
        %mul3A_320 = arith.mulf %get3A_319, %gather3A_244 : vector<16xf32>
        %swap3A_321 = arith.index_cast %rem3A_156 : i32 to index
        %swap3A_322 = arith.index_cast %scan3A_240 : i32 to index
        %swap3A_323 = arith.constant 96 : index
        %swap3A_324 = tpu.vector_load %arg6[%swap3A_321, %swap3A_322, %swap3A_323] {strides = array<i32>} : memref<6x16x1024xf32, #tpu.memory_space<vmem>>, vector<1x1x16xf32>,
        %swap3A_325 = vector.shape_cast %swap3A_324 : vector<1x1x16xf32> to vector<16xf32>
        %swap3A_326 = vector.shape_cast %mul3A_320 : vector<16xf32> to vector<1x1x16xf32>
        tpu.vector_store %arg6[%swap3A_321, %swap3A_322, %swap3A_323], %swap3A_326 {strides = array<i32>} : memref<6x16x1024xf32, #tpu.memory_space<vmem>>, vector<1x1x16xf32>,
        %get3A_327 = arith.index_cast %rem3A_156 : i32 to index
        %get3A_328 = arith.index_cast %scan3A_240 : i32 to index
        %get3A_329 = arith.constant 112 : index
        %get3A_330 = tpu.vector_load %arg6[%get3A_327, %get3A_328, %get3A_329] {strides = array<i32>} : memref<6x16x1024xf32, #tpu.memory_space<vmem>>, vector<1x1x16xf32>,
        %get3A_331 = vector.shape_cast %get3A_330 : vector<1x1x16xf32> to vector<16xf32>
        %mul3A_332 = arith.mulf %get3A_331, %gather3A_244 : vector<16xf32>
        %swap3A_333 = arith.index_cast %rem3A_156 : i32 to index
        %swap3A_334 = arith.index_cast %scan3A_240 : i32 to index
        %swap3A_335 = arith.constant 112 : index
        %swap3A_336 = tpu.vector_load %arg6[%swap3A_333, %swap3A_334, %swap3A_335] {strides = array<i32>} : memref<6x16x1024xf32, #tpu.memory_space<vmem>>, vector<1x1x16xf32>,
        %swap3A_337 = vector.shape_cast %swap3A_336 : vector<1x1x16xf32> to vector<16xf32>
        %swap3A_338 = vector.shape_cast %mul3A_332 : vector<16xf32> to vector<1x1x16xf32>
        tpu.vector_store %arg6[%swap3A_333, %swap3A_334, %swap3A_335], %swap3A_338 {strides = array<i32>} : memref<6x16x1024xf32, #tpu.memory_space<vmem>>, vector<1x1x16xf32>,
        %get3A_339 = arith.index_cast %rem3A_156 : i32 to index
        %get3A_340 = arith.index_cast %scan3A_240 : i32 to index
        %get3A_341 = arith.constant 128 : index
        %get3A_342 = tpu.vector_load %arg6[%get3A_339, %get3A_340, %get3A_341] {strides = array<i32>} : memref<6x16x1024xf32, #tpu.memory_space<vmem>>, vector<1x1x16xf32>,
        %get3A_343 = vector.shape_cast %get3A_342 : vector<1x1x16xf32> to vector<16xf32>
        %mul3A_344 = arith.mulf %get3A_343, %gather3A_244 : vector<16xf32>
        %swap3A_345 = arith.index_cast %rem3A_156 : i32 to index
        %swap3A_346 = arith.index_cast %scan3A_240 : i32 to index
        %swap3A_347 = arith.constant 128 : index
        %swap3A_348 = tpu.vector_load %arg6[%swap3A_345, %swap3A_346, %swap3A_347] {strides = array<i32>} : memref<6x16x1024xf32, #tpu.memory_space<vmem>>, vector<1x1x16xf32>,
        %swap3A_349 = vector.shape_cast %swap3A_348 : vector<1x1x16xf32> to vector<16xf32>
        %swap3A_350 = vector.shape_cast %mul3A_344 : vector<16xf32> to vector<1x1x16xf32>
        tpu.vector_store %arg6[%swap3A_345, %swap3A_346, %swap3A_347], %swap3A_350 {strides = array<i32>} : memref<6x16x1024xf32, #tpu.memory_space<vmem>>, vector<1x1x16xf32>,
        %get3A_351 = arith.index_cast %rem3A_156 : i32 to index
        %get3A_352 = arith.index_cast %scan3A_240 : i32 to index
        %get3A_353 = arith.constant 144 : index
        %get3A_354 = tpu.vector_load %arg6[%get3A_351, %get3A_352, %get3A_353] {strides = array<i32>} : memref<6x16x1024xf32, #tpu.memory_space<vmem>>, vector<1x1x16xf32>,
        %get3A_355 = vector.shape_cast %get3A_354 : vector<1x1x16xf32> to vector<16xf32>
        %mul3A_356 = arith.mulf %get3A_355, %gather3A_244 : vector<16xf32>
        %swap3A_357 = arith.index_cast %rem3A_156 : i32 to index
        %swap3A_358 = arith.index_cast %scan3A_240 : i32 to index
        %swap3A_359 = arith.constant 144 : index
        %swap3A_360 = tpu.vector_load %arg6[%swap3A_357, %swap3A_358, %swap3A_359] {strides = array<i32>} : memref<6x16x1024xf32, #tpu.memory_space<vmem>>, vector<1x1x16xf32>,
        %swap3A_361 = vector.shape_cast %swap3A_360 : vector<1x1x16xf32> to vector<16xf32>
        %swap3A_362 = vector.shape_cast %mul3A_356 : vector<16xf32> to vector<1x1x16xf32>
        tpu.vector_store %arg6[%swap3A_357, %swap3A_358, %swap3A_359], %swap3A_362 {strides = array<i32>} : memref<6x16x1024xf32, #tpu.memory_space<vmem>>, vector<1x1x16xf32>,
        %get3A_363 = arith.index_cast %rem3A_156 : i32 to index
        %get3A_364 = arith.index_cast %scan3A_240 : i32 to index
        %get3A_365 = arith.constant 160 : index
        %get3A_366 = tpu.vector_load %arg6[%get3A_363, %get3A_364, %get3A_365] {strides = array<i32>} : memref<6x16x1024xf32, #tpu.memory_space<vmem>>, vector<1x1x16xf32>,
        %get3A_367 = vector.shape_cast %get3A_366 : vector<1x1x16xf32> to vector<16xf32>
        %mul3A_368 = arith.mulf %get3A_367, %gather3A_244 : vector<16xf32>
        %swap3A_369 = arith.index_cast %rem3A_156 : i32 to index
        %swap3A_370 = arith.index_cast %scan3A_240 : i32 to index
        %swap3A_371 = arith.constant 160 : index
        %swap3A_372 = tpu.vector_load %arg6[%swap3A_369, %swap3A_370, %swap3A_371] {strides = array<i32>} : memref<6x16x1024xf32, #tpu.memory_space<vmem>>, vector<1x1x16xf32>,
        %swap3A_373 = vector.shape_cast %swap3A_372 : vector<1x1x16xf32> to vector<16xf32>
        %swap3A_374 = vector.shape_cast %mul3A_368 : vector<16xf32> to vector<1x1x16xf32>
        tpu.vector_store %arg6[%swap3A_369, %swap3A_370, %swap3A_371], %swap3A_374 {strides = array<i32>} : memref<6x16x1024xf32, #tpu.memory_space<vmem>>, vector<1x1x16xf32>,
        %get3A_375 = arith.index_cast %rem3A_156 : i32 to index
        %get3A_376 = arith.index_cast %scan3A_240 : i32 to index
        %get3A_377 = arith.constant 176 : index
        %get3A_378 = tpu.vector_load %arg6[%get3A_375, %get3A_376, %get3A_377] {strides = array<i32>} : memref<6x16x1024xf32, #tpu.memory_space<vmem>>, vector<1x1x16xf32>,
        %get3A_379 = vector.shape_cast %get3A_378 : vector<1x1x16xf32> to vector<16xf32>
        %mul3A_380 = arith.mulf %get3A_379, %gather3A_244 : vector<16xf32>
        %swap3A_381 = arith.index_cast %rem3A_156 : i32 to index
        %swap3A_382 = arith.index_cast %scan3A_240 : i32 to index
        %swap3A_383 = arith.constant 176 : index
        %swap3A_384 = tpu.vector_load %arg6[%swap3A_381, %swap3A_382, %swap3A_383] {strides = array<i32>} : memref<6x16x1024xf32, #tpu.memory_space<vmem>>, vector<1x1x16xf32>,
        %swap3A_385 = vector.shape_cast %swap3A_384 : vector<1x1x16xf32> to vector<16xf32>
        %swap3A_386 = vector.shape_cast %mul3A_380 : vector<16xf32> to vector<1x1x16xf32>
        tpu.vector_store %arg6[%swap3A_381, %swap3A_382, %swap3A_383], %swap3A_386 {strides = array<i32>} : memref<6x16x1024xf32, #tpu.memory_space<vmem>>, vector<1x1x16xf32>,
        %get3A_387 = arith.index_cast %rem3A_156 : i32 to index
        %get3A_388 = arith.index_cast %scan3A_240 : i32 to index
        %get3A_389 = arith.constant 192 : index
        %get3A_390 = tpu.vector_load %arg6[%get3A_387, %get3A_388, %get3A_389] {strides = array<i32>} : memref<6x16x1024xf32, #tpu.memory_space<vmem>>, vector<1x1x16xf32>,
        %get3A_391 = vector.shape_cast %get3A_390 : vector<1x1x16xf32> to vector<16xf32>
        %mul3A_392 = arith.mulf %get3A_391, %gather3A_244 : vector<16xf32>
        %swap3A_393 = arith.index_cast %rem3A_156 : i32 to index
        %swap3A_394 = arith.index_cast %scan3A_240 : i32 to index
        %swap3A_395 = arith.constant 192 : index
        %swap3A_396 = tpu.vector_load %arg6[%swap3A_393, %swap3A_394, %swap3A_395] {strides = array<i32>} : memref<6x16x1024xf32, #tpu.memory_space<vmem>>, vector<1x1x16xf32>,
        %swap3A_397 = vector.shape_cast %swap3A_396 : vector<1x1x16xf32> to vector<16xf32>
        %swap3A_398 = vector.shape_cast %mul3A_392 : vector<16xf32> to vector<1x1x16xf32>
        tpu.vector_store %arg6[%swap3A_393, %swap3A_394, %swap3A_395], %swap3A_398 {strides = array<i32>} : memref<6x16x1024xf32, #tpu.memory_space<vmem>>, vector<1x1x16xf32>,
        %get3A_399 = arith.index_cast %rem3A_156 : i32 to index
        %get3A_400 = arith.index_cast %scan3A_240 : i32 to index
        %get3A_401 = arith.constant 208 : index
        %get3A_402 = tpu.vector_load %arg6[%get3A_399, %get3A_400, %get3A_401] {strides = array<i32>} : memref<6x16x1024xf32, #tpu.memory_space<vmem>>, vector<1x1x16xf32>,
        %get3A_403 = vector.shape_cast %get3A_402 : vector<1x1x16xf32> to vector<16xf32>
        %mul3A_404 = arith.mulf %get3A_403, %gather3A_244 : vector<16xf32>
        %swap3A_405 = arith.index_cast %rem3A_156 : i32 to index
        %swap3A_406 = arith.index_cast %scan3A_240 : i32 to index
        %swap3A_407 = arith.constant 208 : index
        %swap3A_408 = tpu.vector_load %arg6[%swap3A_405, %swap3A_406, %swap3A_407] {strides = array<i32>} : memref<6x16x1024xf32, #tpu.memory_space<vmem>>, vector<1x1x16xf32>,
        %swap3A_409 = vector.shape_cast %swap3A_408 : vector<1x1x16xf32> to vector<16xf32>
        %swap3A_410 = vector.shape_cast %mul3A_404 : vector<16xf32> to vector<1x1x16xf32>
        tpu.vector_store %arg6[%swap3A_405, %swap3A_406, %swap3A_407], %swap3A_410 {strides = array<i32>} : memref<6x16x1024xf32, #tpu.memory_space<vmem>>, vector<1x1x16xf32>,
        %get3A_411 = arith.index_cast %rem3A_156 : i32 to index
        %get3A_412 = arith.index_cast %scan3A_240 : i32 to index
        %get3A_413 = arith.constant 224 : index
        %get3A_414 = tpu.vector_load %arg6[%get3A_411, %get3A_412, %get3A_413] {strides = array<i32>} : memref<6x16x1024xf32, #tpu.memory_space<vmem>>, vector<1x1x16xf32>,
        %get3A_415 = vector.shape_cast %get3A_414 : vector<1x1x16xf32> to vector<16xf32>
        %mul3A_416 = arith.mulf %get3A_415, %gather3A_244 : vector<16xf32>
        %swap3A_417 = arith.index_cast %rem3A_156 : i32 to index
        %swap3A_418 = arith.index_cast %scan3A_240 : i32 to index
        %swap3A_419 = arith.constant 224 : index
        %swap3A_420 = tpu.vector_load %arg6[%swap3A_417, %swap3A_418, %swap3A_419] {strides = array<i32>} : memref<6x16x1024xf32, #tpu.memory_space<vmem>>, vector<1x1x16xf32>,
        %swap3A_421 = vector.shape_cast %swap3A_420 : vector<1x1x16xf32> to vector<16xf32>
        %swap3A_422 = vector.shape_cast %mul3A_416 : vector<16xf32> to vector<1x1x16xf32>
        tpu.vector_store %arg6[%swap3A_417, %swap3A_418, %swap3A_419], %swap3A_422 {strides = array<i32>} : memref<6x16x1024xf32, #tpu.memory_space<vmem>>, vector<1x1x16xf32>,
        %get3A_423 = arith.index_cast %rem3A_156 : i32 to index
        %get3A_424 = arith.index_cast %scan3A_240 : i32 to index
        %get3A_425 = arith.constant 240 : index
        %get3A_426 = tpu.vector_load %arg6[%get3A_423, %get3A_424, %get3A_425] {strides = array<i32>} : memref<6x16x1024xf32, #tpu.memory_space<vmem>>, vector<1x1x16xf32>,
        %get3A_427 = vector.shape_cast %get3A_426 : vector<1x1x16xf32> to vector<16xf32>
        %mul3A_428 = arith.mulf %get3A_427, %gather3A_244 : vector<16xf32>
        %swap3A_429 = arith.index_cast %rem3A_156 : i32 to index
        %swap3A_430 = arith.index_cast %scan3A_240 : i32 to index
        %swap3A_431 = arith.constant 240 : index
        %swap3A_432 = tpu.vector_load %arg6[%swap3A_429, %swap3A_430, %swap3A_431] {strides = array<i32>} : memref<6x16x1024xf32, #tpu.memory_space<vmem>>, vector<1x1x16xf32>,
        %swap3A_433 = vector.shape_cast %swap3A_432 : vector<1x1x16xf32> to vector<16xf32>
        %swap3A_434 = vector.shape_cast %mul3A_428 : vector<16xf32> to vector<1x1x16xf32>
        tpu.vector_store %arg6[%swap3A_429, %swap3A_430, %swap3A_431], %swap3A_434 {strides = array<i32>} : memref<6x16x1024xf32, #tpu.memory_space<vmem>>, vector<1x1x16xf32>,
        %get3A_435 = arith.index_cast %rem3A_156 : i32 to index
        %get3A_436 = arith.index_cast %scan3A_240 : i32 to index
        %get3A_437 = arith.constant 256 : index
        %get3A_438 = tpu.vector_load %arg6[%get3A_435, %get3A_436, %get3A_437] {strides = array<i32>} : memref<6x16x1024xf32, #tpu.memory_space<vmem>>, vector<1x1x16xf32>,
        %get3A_439 = vector.shape_cast %get3A_438 : vector<1x1x16xf32> to vector<16xf32>
        %mul3A_440 = arith.mulf %get3A_439, %gather3A_244 : vector<16xf32>
        %swap3A_441 = arith.index_cast %rem3A_156 : i32 to index
        %swap3A_442 = arith.index_cast %scan3A_240 : i32 to index
        %swap3A_443 = arith.constant 256 : index
        %swap3A_444 = tpu.vector_load %arg6[%swap3A_441, %swap3A_442, %swap3A_443] {strides = array<i32>} : memref<6x16x1024xf32, #tpu.memory_space<vmem>>, vector<1x1x16xf32>,
        %swap3A_445 = vector.shape_cast %swap3A_444 : vector<1x1x16xf32> to vector<16xf32>
        %swap3A_446 = vector.shape_cast %mul3A_440 : vector<16xf32> to vector<1x1x16xf32>
        tpu.vector_store %arg6[%swap3A_441, %swap3A_442, %swap3A_443], %swap3A_446 {strides = array<i32>} : memref<6x16x1024xf32, #tpu.memory_space<vmem>>, vector<1x1x16xf32>,
        %get3A_447 = arith.index_cast %rem3A_156 : i32 to index
        %get3A_448 = arith.index_cast %scan3A_240 : i32 to index
        %get3A_449 = arith.constant 272 : index
        %get3A_450 = tpu.vector_load %arg6[%get3A_447, %get3A_448, %get3A_449] {strides = array<i32>} : memref<6x16x1024xf32, #tpu.memory_space<vmem>>, vector<1x1x16xf32>,
        %get3A_451 = vector.shape_cast %get3A_450 : vector<1x1x16xf32> to vector<16xf32>
        %mul3A_452 = arith.mulf %get3A_451, %gather3A_244 : vector<16xf32>
        %swap3A_453 = arith.index_cast %rem3A_156 : i32 to index
        %swap3A_454 = arith.index_cast %scan3A_240 : i32 to index
        %swap3A_455 = arith.constant 272 : index
        %swap3A_456 = tpu.vector_load %arg6[%swap3A_453, %swap3A_454, %swap3A_455] {strides = array<i32>} : memref<6x16x1024xf32, #tpu.memory_space<vmem>>, vector<1x1x16xf32>,
        %swap3A_457 = vector.shape_cast %swap3A_456 : vector<1x1x16xf32> to vector<16xf32>
        %swap3A_458 = vector.shape_cast %mul3A_452 : vector<16xf32> to vector<1x1x16xf32>
        tpu.vector_store %arg6[%swap3A_453, %swap3A_454, %swap3A_455], %swap3A_458 {strides = array<i32>} : memref<6x16x1024xf32, #tpu.memory_space<vmem>>, vector<1x1x16xf32>,
        %get3A_459 = arith.index_cast %rem3A_156 : i32 to index
        %get3A_460 = arith.index_cast %scan3A_240 : i32 to index
        %get3A_461 = arith.constant 288 : index
        %get3A_462 = tpu.vector_load %arg6[%get3A_459, %get3A_460, %get3A_461] {strides = array<i32>} : memref<6x16x1024xf32, #tpu.memory_space<vmem>>, vector<1x1x16xf32>,
        %get3A_463 = vector.shape_cast %get3A_462 : vector<1x1x16xf32> to vector<16xf32>
        %mul3A_464 = arith.mulf %get3A_463, %gather3A_244 : vector<16xf32>
        %swap3A_465 = arith.index_cast %rem3A_156 : i32 to index
        %swap3A_466 = arith.index_cast %scan3A_240 : i32 to index
        %swap3A_467 = arith.constant 288 : index
        %swap3A_468 = tpu.vector_load %arg6[%swap3A_465, %swap3A_466, %swap3A_467] {strides = array<i32>} : memref<6x16x1024xf32, #tpu.memory_space<vmem>>, vector<1x1x16xf32>,
        %swap3A_469 = vector.shape_cast %swap3A_468 : vector<1x1x16xf32> to vector<16xf32>
        %swap3A_470 = vector.shape_cast %mul3A_464 : vector<16xf32> to vector<1x1x16xf32>
        tpu.vector_store %arg6[%swap3A_465, %swap3A_466, %swap3A_467], %swap3A_470 {strides = array<i32>} : memref<6x16x1024xf32, #tpu.memory_space<vmem>>, vector<1x1x16xf32>,
        %get3A_471 = arith.index_cast %rem3A_156 : i32 to index
        %get3A_472 = arith.index_cast %scan3A_240 : i32 to index
        %get3A_473 = arith.constant 304 : index
        %get3A_474 = tpu.vector_load %arg6[%get3A_471, %get3A_472, %get3A_473] {strides = array<i32>} : memref<6x16x1024xf32, #tpu.memory_space<vmem>>, vector<1x1x16xf32>,
        %get3A_475 = vector.shape_cast %get3A_474 : vector<1x1x16xf32> to vector<16xf32>
        %mul3A_476 = arith.mulf %get3A_475, %gather3A_244 : vector<16xf32>
        %swap3A_477 = arith.index_cast %rem3A_156 : i32 to index
        %swap3A_478 = arith.index_cast %scan3A_240 : i32 to index
        %swap3A_479 = arith.constant 304 : index
        %swap3A_480 = tpu.vector_load %arg6[%swap3A_477, %swap3A_478, %swap3A_479] {strides = array<i32>} : memref<6x16x1024xf32, #tpu.memory_space<vmem>>, vector<1x1x16xf32>,
        %swap3A_481 = vector.shape_cast %swap3A_480 : vector<1x1x16xf32> to vector<16xf32>
        %swap3A_482 = vector.shape_cast %mul3A_476 : vector<16xf32> to vector<1x1x16xf32>
        tpu.vector_store %arg6[%swap3A_477, %swap3A_478, %swap3A_479], %swap3A_482 {strides = array<i32>} : memref<6x16x1024xf32, #tpu.memory_space<vmem>>, vector<1x1x16xf32>,
        %get3A_483 = arith.index_cast %rem3A_156 : i32 to index
        %get3A_484 = arith.index_cast %scan3A_240 : i32 to index
        %get3A_485 = arith.constant 320 : index
        %get3A_486 = tpu.vector_load %arg6[%get3A_483, %get3A_484, %get3A_485] {strides = array<i32>} : memref<6x16x1024xf32, #tpu.memory_space<vmem>>, vector<1x1x16xf32>,
        %get3A_487 = vector.shape_cast %get3A_486 : vector<1x1x16xf32> to vector<16xf32>
        %mul3A_488 = arith.mulf %get3A_487, %gather3A_244 : vector<16xf32>
        %swap3A_489 = arith.index_cast %rem3A_156 : i32 to index
        %swap3A_490 = arith.index_cast %scan3A_240 : i32 to index
        %swap3A_491 = arith.constant 320 : index
        %swap3A_492 = tpu.vector_load %arg6[%swap3A_489, %swap3A_490, %swap3A_491] {strides = array<i32>} : memref<6x16x1024xf32, #tpu.memory_space<vmem>>, vector<1x1x16xf32>,
        %swap3A_493 = vector.shape_cast %swap3A_492 : vector<1x1x16xf32> to vector<16xf32>
        %swap3A_494 = vector.shape_cast %mul3A_488 : vector<16xf32> to vector<1x1x16xf32>
        tpu.vector_store %arg6[%swap3A_489, %swap3A_490, %swap3A_491], %swap3A_494 {strides = array<i32>} : memref<6x16x1024xf32, #tpu.memory_space<vmem>>, vector<1x1x16xf32>,
        %get3A_495 = arith.index_cast %rem3A_156 : i32 to index
        %get3A_496 = arith.index_cast %scan3A_240 : i32 to index
        %get3A_497 = arith.constant 336 : index
        %get3A_498 = tpu.vector_load %arg6[%get3A_495, %get3A_496, %get3A_497] {strides = array<i32>} : memref<6x16x1024xf32, #tpu.memory_space<vmem>>, vector<1x1x16xf32>,
        %get3A_499 = vector.shape_cast %get3A_498 : vector<1x1x16xf32> to vector<16xf32>
        %mul3A_500 = arith.mulf %get3A_499, %gather3A_244 : vector<16xf32>
        %swap3A_501 = arith.index_cast %rem3A_156 : i32 to index
        %swap3A_502 = arith.index_cast %scan3A_240 : i32 to index
        %swap3A_503 = arith.constant 336 : index
        %swap3A_504 = tpu.vector_load %arg6[%swap3A_501, %swap3A_502, %swap3A_503] {strides = array<i32>} : memref<6x16x1024xf32, #tpu.memory_space<vmem>>, vector<1x1x16xf32>,
        %swap3A_505 = vector.shape_cast %swap3A_504 : vector<1x1x16xf32> to vector<16xf32>
        %swap3A_506 = vector.shape_cast %mul3A_500 : vector<16xf32> to vector<1x1x16xf32>
        tpu.vector_store %arg6[%swap3A_501, %swap3A_502, %swap3A_503], %swap3A_506 {strides = array<i32>} : memref<6x16x1024xf32, #tpu.memory_space<vmem>>, vector<1x1x16xf32>,
        %get3A_507 = arith.index_cast %rem3A_156 : i32 to index
        %get3A_508 = arith.index_cast %scan3A_240 : i32 to index
        %get3A_509 = arith.constant 352 : index
        %get3A_510 = tpu.vector_load %arg6[%get3A_507, %get3A_508, %get3A_509] {strides = array<i32>} : memref<6x16x1024xf32, #tpu.memory_space<vmem>>, vector<1x1x16xf32>,
        %get3A_511 = vector.shape_cast %get3A_510 : vector<1x1x16xf32> to vector<16xf32>
        %mul3A_512 = arith.mulf %get3A_511, %gather3A_244 : vector<16xf32>
        %swap3A_513 = arith.index_cast %rem3A_156 : i32 to index
        %swap3A_514 = arith.index_cast %scan3A_240 : i32 to index
        %swap3A_515 = arith.constant 352 : index
        %swap3A_516 = tpu.vector_load %arg6[%swap3A_513, %swap3A_514, %swap3A_515] {strides = array<i32>} : memref<6x16x1024xf32, #tpu.memory_space<vmem>>, vector<1x1x16xf32>,
        %swap3A_517 = vector.shape_cast %swap3A_516 : vector<1x1x16xf32> to vector<16xf32>
        %swap3A_518 = vector.shape_cast %mul3A_512 : vector<16xf32> to vector<1x1x16xf32>
        tpu.vector_store %arg6[%swap3A_513, %swap3A_514, %swap3A_515], %swap3A_518 {strides = array<i32>} : memref<6x16x1024xf32, #tpu.memory_space<vmem>>, vector<1x1x16xf32>,
        %get3A_519 = arith.index_cast %rem3A_156 : i32 to index
        %get3A_520 = arith.index_cast %scan3A_240 : i32 to index
        %get3A_521 = arith.constant 368 : index
        %get3A_522 = tpu.vector_load %arg6[%get3A_519, %get3A_520, %get3A_521] {strides = array<i32>} : memref<6x16x1024xf32, #tpu.memory_space<vmem>>, vector<1x1x16xf32>,
        %get3A_523 = vector.shape_cast %get3A_522 : vector<1x1x16xf32> to vector<16xf32>
        %mul3A_524 = arith.mulf %get3A_523, %gather3A_244 : vector<16xf32>
        %swap3A_525 = arith.index_cast %rem3A_156 : i32 to index
        %swap3A_526 = arith.index_cast %scan3A_240 : i32 to index
        %swap3A_527 = arith.constant 368 : index
        %swap3A_528 = tpu.vector_load %arg6[%swap3A_525, %swap3A_526, %swap3A_527] {strides = array<i32>} : memref<6x16x1024xf32, #tpu.memory_space<vmem>>, vector<1x1x16xf32>,
        %swap3A_529 = vector.shape_cast %swap3A_528 : vector<1x1x16xf32> to vector<16xf32>
        %swap3A_530 = vector.shape_cast %mul3A_524 : vector<16xf32> to vector<1x1x16xf32>
        tpu.vector_store %arg6[%swap3A_525, %swap3A_526, %swap3A_527], %swap3A_530 {strides = array<i32>} : memref<6x16x1024xf32, #tpu.memory_space<vmem>>, vector<1x1x16xf32>,
        %get3A_531 = arith.index_cast %rem3A_156 : i32 to index
        %get3A_532 = arith.index_cast %scan3A_240 : i32 to index
        %get3A_533 = arith.constant 384 : index
        %get3A_534 = tpu.vector_load %arg6[%get3A_531, %get3A_532, %get3A_533] {strides = array<i32>} : memref<6x16x1024xf32, #tpu.memory_space<vmem>>, vector<1x1x16xf32>,
        %get3A_535 = vector.shape_cast %get3A_534 : vector<1x1x16xf32> to vector<16xf32>
        %mul3A_536 = arith.mulf %get3A_535, %gather3A_244 : vector<16xf32>
        %swap3A_537 = arith.index_cast %rem3A_156 : i32 to index
        %swap3A_538 = arith.index_cast %scan3A_240 : i32 to index
        %swap3A_539 = arith.constant 384 : index
        %swap3A_540 = tpu.vector_load %arg6[%swap3A_537, %swap3A_538, %swap3A_539] {strides = array<i32>} : memref<6x16x1024xf32, #tpu.memory_space<vmem>>, vector<1x1x16xf32>,
        %swap3A_541 = vector.shape_cast %swap3A_540 : vector<1x1x16xf32> to vector<16xf32>
        %swap3A_542 = vector.shape_cast %mul3A_536 : vector<16xf32> to vector<1x1x16xf32>
        tpu.vector_store %arg6[%swap3A_537, %swap3A_538, %swap3A_539], %swap3A_542 {strides = array<i32>} : memref<6x16x1024xf32, #tpu.memory_space<vmem>>, vector<1x1x16xf32>,
        %get3A_543 = arith.index_cast %rem3A_156 : i32 to index
        %get3A_544 = arith.index_cast %scan3A_240 : i32 to index
        %get3A_545 = arith.constant 400 : index
        %get3A_546 = tpu.vector_load %arg6[%get3A_543, %get3A_544, %get3A_545] {strides = array<i32>} : memref<6x16x1024xf32, #tpu.memory_space<vmem>>, vector<1x1x16xf32>,
        %get3A_547 = vector.shape_cast %get3A_546 : vector<1x1x16xf32> to vector<16xf32>
        %mul3A_548 = arith.mulf %get3A_547, %gather3A_244 : vector<16xf32>
        %swap3A_549 = arith.index_cast %rem3A_156 : i32 to index
        %swap3A_550 = arith.index_cast %scan3A_240 : i32 to index
        %swap3A_551 = arith.constant 400 : index
        %swap3A_552 = tpu.vector_load %arg6[%swap3A_549, %swap3A_550, %swap3A_551] {strides = array<i32>} : memref<6x16x1024xf32, #tpu.memory_space<vmem>>, vector<1x1x16xf32>,
        %swap3A_553 = vector.shape_cast %swap3A_552 : vector<1x1x16xf32> to vector<16xf32>
        %swap3A_554 = vector.shape_cast %mul3A_548 : vector<16xf32> to vector<1x1x16xf32>
        tpu.vector_store %arg6[%swap3A_549, %swap3A_550, %swap3A_551], %swap3A_554 {strides = array<i32>} : memref<6x16x1024xf32, #tpu.memory_space<vmem>>, vector<1x1x16xf32>,
        %get3A_555 = arith.index_cast %rem3A_156 : i32 to index
        %get3A_556 = arith.index_cast %scan3A_240 : i32 to index
        %get3A_557 = arith.constant 416 : index
        %get3A_558 = tpu.vector_load %arg6[%get3A_555, %get3A_556, %get3A_557] {strides = array<i32>} : memref<6x16x1024xf32, #tpu.memory_space<vmem>>, vector<1x1x16xf32>,
        %get3A_559 = vector.shape_cast %get3A_558 : vector<1x1x16xf32> to vector<16xf32>
        %mul3A_560 = arith.mulf %get3A_559, %gather3A_244 : vector<16xf32>
        %swap3A_561 = arith.index_cast %rem3A_156 : i32 to index
        %swap3A_562 = arith.index_cast %scan3A_240 : i32 to index
        %swap3A_563 = arith.constant 416 : index
        %swap3A_564 = tpu.vector_load %arg6[%swap3A_561, %swap3A_562, %swap3A_563] {strides = array<i32>} : memref<6x16x1024xf32, #tpu.memory_space<vmem>>, vector<1x1x16xf32>,
        %swap3A_565 = vector.shape_cast %swap3A_564 : vector<1x1x16xf32> to vector<16xf32>
        %swap3A_566 = vector.shape_cast %mul3A_560 : vector<16xf32> to vector<1x1x16xf32>
        tpu.vector_store %arg6[%swap3A_561, %swap3A_562, %swap3A_563], %swap3A_566 {strides = array<i32>} : memref<6x16x1024xf32, #tpu.memory_space<vmem>>, vector<1x1x16xf32>,
        %get3A_567 = arith.index_cast %rem3A_156 : i32 to index
        %get3A_568 = arith.index_cast %scan3A_240 : i32 to index
        %get3A_569 = arith.constant 432 : index
        %get3A_570 = tpu.vector_load %arg6[%get3A_567, %get3A_568, %get3A_569] {strides = array<i32>} : memref<6x16x1024xf32, #tpu.memory_space<vmem>>, vector<1x1x16xf32>,
        %get3A_571 = vector.shape_cast %get3A_570 : vector<1x1x16xf32> to vector<16xf32>
        %mul3A_572 = arith.mulf %get3A_571, %gather3A_244 : vector<16xf32>
        %swap3A_573 = arith.index_cast %rem3A_156 : i32 to index
        %swap3A_574 = arith.index_cast %scan3A_240 : i32 to index
        %swap3A_575 = arith.constant 432 : index
        %swap3A_576 = tpu.vector_load %arg6[%swap3A_573, %swap3A_574, %swap3A_575] {strides = array<i32>} : memref<6x16x1024xf32, #tpu.memory_space<vmem>>, vector<1x1x16xf32>,
        %swap3A_577 = vector.shape_cast %swap3A_576 : vector<1x1x16xf32> to vector<16xf32>
        %swap3A_578 = vector.shape_cast %mul3A_572 : vector<16xf32> to vector<1x1x16xf32>
        tpu.vector_store %arg6[%swap3A_573, %swap3A_574, %swap3A_575], %swap3A_578 {strides = array<i32>} : memref<6x16x1024xf32, #tpu.memory_space<vmem>>, vector<1x1x16xf32>,
        %get3A_579 = arith.index_cast %rem3A_156 : i32 to index
        %get3A_580 = arith.index_cast %scan3A_240 : i32 to index
        %get3A_581 = arith.constant 448 : index
        %get3A_582 = tpu.vector_load %arg6[%get3A_579, %get3A_580, %get3A_581] {strides = array<i32>} : memref<6x16x1024xf32, #tpu.memory_space<vmem>>, vector<1x1x16xf32>,
        %get3A_583 = vector.shape_cast %get3A_582 : vector<1x1x16xf32> to vector<16xf32>
        %mul3A_584 = arith.mulf %get3A_583, %gather3A_244 : vector<16xf32>
        %swap3A_585 = arith.index_cast %rem3A_156 : i32 to index
        %swap3A_586 = arith.index_cast %scan3A_240 : i32 to index
        %swap3A_587 = arith.constant 448 : index
        %swap3A_588 = tpu.vector_load %arg6[%swap3A_585, %swap3A_586, %swap3A_587] {strides = array<i32>} : memref<6x16x1024xf32, #tpu.memory_space<vmem>>, vector<1x1x16xf32>,
        %swap3A_589 = vector.shape_cast %swap3A_588 : vector<1x1x16xf32> to vector<16xf32>
        %swap3A_590 = vector.shape_cast %mul3A_584 : vector<16xf32> to vector<1x1x16xf32>
        tpu.vector_store %arg6[%swap3A_585, %swap3A_586, %swap3A_587], %swap3A_590 {strides = array<i32>} : memref<6x16x1024xf32, #tpu.memory_space<vmem>>, vector<1x1x16xf32>,
        %get3A_591 = arith.index_cast %rem3A_156 : i32 to index
        %get3A_592 = arith.index_cast %scan3A_240 : i32 to index
        %get3A_593 = arith.constant 464 : index
        %get3A_594 = tpu.vector_load %arg6[%get3A_591, %get3A_592, %get3A_593] {strides = array<i32>} : memref<6x16x1024xf32, #tpu.memory_space<vmem>>, vector<1x1x16xf32>,
        %get3A_595 = vector.shape_cast %get3A_594 : vector<1x1x16xf32> to vector<16xf32>
        %mul3A_596 = arith.mulf %get3A_595, %gather3A_244 : vector<16xf32>
        %swap3A_597 = arith.index_cast %rem3A_156 : i32 to index
        %swap3A_598 = arith.index_cast %scan3A_240 : i32 to index
        %swap3A_599 = arith.constant 464 : index
        %swap3A_600 = tpu.vector_load %arg6[%swap3A_597, %swap3A_598, %swap3A_599] {strides = array<i32>} : memref<6x16x1024xf32, #tpu.memory_space<vmem>>, vector<1x1x16xf32>,
        %swap3A_601 = vector.shape_cast %swap3A_600 : vector<1x1x16xf32> to vector<16xf32>
        %swap3A_602 = vector.shape_cast %mul3A_596 : vector<16xf32> to vector<1x1x16xf32>
        tpu.vector_store %arg6[%swap3A_597, %swap3A_598, %swap3A_599], %swap3A_602 {strides = array<i32>} : memref<6x16x1024xf32, #tpu.memory_space<vmem>>, vector<1x1x16xf32>,
        %get3A_603 = arith.index_cast %rem3A_156 : i32 to index
        %get3A_604 = arith.index_cast %scan3A_240 : i32 to index
        %get3A_605 = arith.constant 480 : index
        %get3A_606 = tpu.vector_load %arg6[%get3A_603, %get3A_604, %get3A_605] {strides = array<i32>} : memref<6x16x1024xf32, #tpu.memory_space<vmem>>, vector<1x1x16xf32>,
        %get3A_607 = vector.shape_cast %get3A_606 : vector<1x1x16xf32> to vector<16xf32>
        %mul3A_608 = arith.mulf %get3A_607, %gather3A_244 : vector<16xf32>
        %swap3A_609 = arith.index_cast %rem3A_156 : i32 to index
        %swap3A_610 = arith.index_cast %scan3A_240 : i32 to index
        %swap3A_611 = arith.constant 480 : index
        %swap3A_612 = tpu.vector_load %arg6[%swap3A_609, %swap3A_610, %swap3A_611] {strides = array<i32>} : memref<6x16x1024xf32, #tpu.memory_space<vmem>>, vector<1x1x16xf32>,
        %swap3A_613 = vector.shape_cast %swap3A_612 : vector<1x1x16xf32> to vector<16xf32>
        %swap3A_614 = vector.shape_cast %mul3A_608 : vector<16xf32> to vector<1x1x16xf32>
        tpu.vector_store %arg6[%swap3A_609, %swap3A_610, %swap3A_611], %swap3A_614 {strides = array<i32>} : memref<6x16x1024xf32, #tpu.memory_space<vmem>>, vector<1x1x16xf32>,
        %get3A_615 = arith.index_cast %rem3A_156 : i32 to index
        %get3A_616 = arith.index_cast %scan3A_240 : i32 to index
        %get3A_617 = arith.constant 496 : index
        %get3A_618 = tpu.vector_load %arg6[%get3A_615, %get3A_616, %get3A_617] {strides = array<i32>} : memref<6x16x1024xf32, #tpu.memory_space<vmem>>, vector<1x1x16xf32>,
        %get3A_619 = vector.shape_cast %get3A_618 : vector<1x1x16xf32> to vector<16xf32>
        %mul3A_620 = arith.mulf %get3A_619, %gather3A_244 : vector<16xf32>
        %swap3A_621 = arith.index_cast %rem3A_156 : i32 to index
        %swap3A_622 = arith.index_cast %scan3A_240 : i32 to index
        %swap3A_623 = arith.constant 496 : index
        %swap3A_624 = tpu.vector_load %arg6[%swap3A_621, %swap3A_622, %swap3A_623] {strides = array<i32>} : memref<6x16x1024xf32, #tpu.memory_space<vmem>>, vector<1x1x16xf32>,
        %swap3A_625 = vector.shape_cast %swap3A_624 : vector<1x1x16xf32> to vector<16xf32>
        %swap3A_626 = vector.shape_cast %mul3A_620 : vector<16xf32> to vector<1x1x16xf32>
        tpu.vector_store %arg6[%swap3A_621, %swap3A_622, %swap3A_623], %swap3A_626 {strides = array<i32>} : memref<6x16x1024xf32, #tpu.memory_space<vmem>>, vector<1x1x16xf32>,
        %get3A_627 = arith.index_cast %rem3A_156 : i32 to index
        %get3A_628 = arith.index_cast %scan3A_240 : i32 to index
        %get3A_629 = arith.constant 512 : index
        %get3A_630 = tpu.vector_load %arg6[%get3A_627, %get3A_628, %get3A_629] {strides = array<i32>} : memref<6x16x1024xf32, #tpu.memory_space<vmem>>, vector<1x1x16xf32>,
        %get3A_631 = vector.shape_cast %get3A_630 : vector<1x1x16xf32> to vector<16xf32>
        %mul3A_632 = arith.mulf %get3A_631, %gather3A_244 : vector<16xf32>
        %swap3A_633 = arith.index_cast %rem3A_156 : i32 to index
        %swap3A_634 = arith.index_cast %scan3A_240 : i32 to index
        %swap3A_635 = arith.constant 512 : index
        %swap3A_636 = tpu.vector_load %arg6[%swap3A_633, %swap3A_634, %swap3A_635] {strides = array<i32>} : memref<6x16x1024xf32, #tpu.memory_space<vmem>>, vector<1x1x16xf32>,
        %swap3A_637 = vector.shape_cast %swap3A_636 : vector<1x1x16xf32> to vector<16xf32>
        %swap3A_638 = vector.shape_cast %mul3A_632 : vector<16xf32> to vector<1x1x16xf32>
        tpu.vector_store %arg6[%swap3A_633, %swap3A_634, %swap3A_635], %swap3A_638 {strides = array<i32>} : memref<6x16x1024xf32, #tpu.memory_space<vmem>>, vector<1x1x16xf32>,
        %get3A_639 = arith.index_cast %rem3A_156 : i32 to index
        %get3A_640 = arith.index_cast %scan3A_240 : i32 to index
        %get3A_641 = arith.constant 528 : index
        %get3A_642 = tpu.vector_load %arg6[%get3A_639, %get3A_640, %get3A_641] {strides = array<i32>} : memref<6x16x1024xf32, #tpu.memory_space<vmem>>, vector<1x1x16xf32>,
        %get3A_643 = vector.shape_cast %get3A_642 : vector<1x1x16xf32> to vector<16xf32>
        %mul3A_644 = arith.mulf %get3A_643, %gather3A_244 : vector<16xf32>
        %swap3A_645 = arith.index_cast %rem3A_156 : i32 to index
        %swap3A_646 = arith.index_cast %scan3A_240 : i32 to index
        %swap3A_647 = arith.constant 528 : index
        %swap3A_648 = tpu.vector_load %arg6[%swap3A_645, %swap3A_646, %swap3A_647] {strides = array<i32>} : memref<6x16x1024xf32, #tpu.memory_space<vmem>>, vector<1x1x16xf32>,
        %swap3A_649 = vector.shape_cast %swap3A_648 : vector<1x1x16xf32> to vector<16xf32>
        %swap3A_650 = vector.shape_cast %mul3A_644 : vector<16xf32> to vector<1x1x16xf32>
        tpu.vector_store %arg6[%swap3A_645, %swap3A_646, %swap3A_647], %swap3A_650 {strides = array<i32>} : memref<6x16x1024xf32, #tpu.memory_space<vmem>>, vector<1x1x16xf32>,
        %get3A_651 = arith.index_cast %rem3A_156 : i32 to index
        %get3A_652 = arith.index_cast %scan3A_240 : i32 to index
        %get3A_653 = arith.constant 544 : index
        %get3A_654 = tpu.vector_load %arg6[%get3A_651, %get3A_652, %get3A_653] {strides = array<i32>} : memref<6x16x1024xf32, #tpu.memory_space<vmem>>, vector<1x1x16xf32>,
        %get3A_655 = vector.shape_cast %get3A_654 : vector<1x1x16xf32> to vector<16xf32>
        %mul3A_656 = arith.mulf %get3A_655, %gather3A_244 : vector<16xf32>
        %swap3A_657 = arith.index_cast %rem3A_156 : i32 to index
        %swap3A_658 = arith.index_cast %scan3A_240 : i32 to index
        %swap3A_659 = arith.constant 544 : index
        %swap3A_660 = tpu.vector_load %arg6[%swap3A_657, %swap3A_658, %swap3A_659] {strides = array<i32>} : memref<6x16x1024xf32, #tpu.memory_space<vmem>>, vector<1x1x16xf32>,
        %swap3A_661 = vector.shape_cast %swap3A_660 : vector<1x1x16xf32> to vector<16xf32>
        %swap3A_662 = vector.shape_cast %mul3A_656 : vector<16xf32> to vector<1x1x16xf32>
        tpu.vector_store %arg6[%swap3A_657, %swap3A_658, %swap3A_659], %swap3A_662 {strides = array<i32>} : memref<6x16x1024xf32, #tpu.memory_space<vmem>>, vector<1x1x16xf32>,
        %get3A_663 = arith.index_cast %rem3A_156 : i32 to index
        %get3A_664 = arith.index_cast %scan3A_240 : i32 to index
        %get3A_665 = arith.constant 560 : index
        %get3A_666 = tpu.vector_load %arg6[%get3A_663, %get3A_664, %get3A_665] {strides = array<i32>} : memref<6x16x1024xf32, #tpu.memory_space<vmem>>, vector<1x1x16xf32>,
        %get3A_667 = vector.shape_cast %get3A_666 : vector<1x1x16xf32> to vector<16xf32>
        %mul3A_668 = arith.mulf %get3A_667, %gather3A_244 : vector<16xf32>
        %swap3A_669 = arith.index_cast %rem3A_156 : i32 to index
        %swap3A_670 = arith.index_cast %scan3A_240 : i32 to index
        %swap3A_671 = arith.constant 560 : index
        %swap3A_672 = tpu.vector_load %arg6[%swap3A_669, %swap3A_670, %swap3A_671] {strides = array<i32>} : memref<6x16x1024xf32, #tpu.memory_space<vmem>>, vector<1x1x16xf32>,
        %swap3A_673 = vector.shape_cast %swap3A_672 : vector<1x1x16xf32> to vector<16xf32>
        %swap3A_674 = vector.shape_cast %mul3A_668 : vector<16xf32> to vector<1x1x16xf32>
        tpu.vector_store %arg6[%swap3A_669, %swap3A_670, %swap3A_671], %swap3A_674 {strides = array<i32>} : memref<6x16x1024xf32, #tpu.memory_space<vmem>>, vector<1x1x16xf32>,
        %get3A_675 = arith.index_cast %rem3A_156 : i32 to index
        %get3A_676 = arith.index_cast %scan3A_240 : i32 to index
        %get3A_677 = arith.constant 576 : index
        %get3A_678 = tpu.vector_load %arg6[%get3A_675, %get3A_676, %get3A_677] {strides = array<i32>} : memref<6x16x1024xf32, #tpu.memory_space<vmem>>, vector<1x1x16xf32>,
        %get3A_679 = vector.shape_cast %get3A_678 : vector<1x1x16xf32> to vector<16xf32>
        %mul3A_680 = arith.mulf %get3A_679, %gather3A_244 : vector<16xf32>
        %swap3A_681 = arith.index_cast %rem3A_156 : i32 to index
        %swap3A_682 = arith.index_cast %scan3A_240 : i32 to index
        %swap3A_683 = arith.constant 576 : index
        %swap3A_684 = tpu.vector_load %arg6[%swap3A_681, %swap3A_682, %swap3A_683] {strides = array<i32>} : memref<6x16x1024xf32, #tpu.memory_space<vmem>>, vector<1x1x16xf32>,
        %swap3A_685 = vector.shape_cast %swap3A_684 : vector<1x1x16xf32> to vector<16xf32>
        %swap3A_686 = vector.shape_cast %mul3A_680 : vector<16xf32> to vector<1x1x16xf32>
        tpu.vector_store %arg6[%swap3A_681, %swap3A_682, %swap3A_683], %swap3A_686 {strides = array<i32>} : memref<6x16x1024xf32, #tpu.memory_space<vmem>>, vector<1x1x16xf32>,
        %get3A_687 = arith.index_cast %rem3A_156 : i32 to index
        %get3A_688 = arith.index_cast %scan3A_240 : i32 to index
        %get3A_689 = arith.constant 592 : index
        %get3A_690 = tpu.vector_load %arg6[%get3A_687, %get3A_688, %get3A_689] {strides = array<i32>} : memref<6x16x1024xf32, #tpu.memory_space<vmem>>, vector<1x1x16xf32>,
        %get3A_691 = vector.shape_cast %get3A_690 : vector<1x1x16xf32> to vector<16xf32>
        %mul3A_692 = arith.mulf %get3A_691, %gather3A_244 : vector<16xf32>
        %swap3A_693 = arith.index_cast %rem3A_156 : i32 to index
        %swap3A_694 = arith.index_cast %scan3A_240 : i32 to index
        %swap3A_695 = arith.constant 592 : index
        %swap3A_696 = tpu.vector_load %arg6[%swap3A_693, %swap3A_694, %swap3A_695] {strides = array<i32>} : memref<6x16x1024xf32, #tpu.memory_space<vmem>>, vector<1x1x16xf32>,
        %swap3A_697 = vector.shape_cast %swap3A_696 : vector<1x1x16xf32> to vector<16xf32>
        %swap3A_698 = vector.shape_cast %mul3A_692 : vector<16xf32> to vector<1x1x16xf32>
        tpu.vector_store %arg6[%swap3A_693, %swap3A_694, %swap3A_695], %swap3A_698 {strides = array<i32>} : memref<6x16x1024xf32, #tpu.memory_space<vmem>>, vector<1x1x16xf32>,
        %get3A_699 = arith.index_cast %rem3A_156 : i32 to index
        %get3A_700 = arith.index_cast %scan3A_240 : i32 to index
        %get3A_701 = arith.constant 608 : index
        %get3A_702 = tpu.vector_load %arg6[%get3A_699, %get3A_700, %get3A_701] {strides = array<i32>} : memref<6x16x1024xf32, #tpu.memory_space<vmem>>, vector<1x1x16xf32>,
        %get3A_703 = vector.shape_cast %get3A_702 : vector<1x1x16xf32> to vector<16xf32>
        %mul3A_704 = arith.mulf %get3A_703, %gather3A_244 : vector<16xf32>
        %swap3A_705 = arith.index_cast %rem3A_156 : i32 to index
        %swap3A_706 = arith.index_cast %scan3A_240 : i32 to index
        %swap3A_707 = arith.constant 608 : index
        %swap3A_708 = tpu.vector_load %arg6[%swap3A_705, %swap3A_706, %swap3A_707] {strides = array<i32>} : memref<6x16x1024xf32, #tpu.memory_space<vmem>>, vector<1x1x16xf32>,
        %swap3A_709 = vector.shape_cast %swap3A_708 : vector<1x1x16xf32> to vector<16xf32>
        %swap3A_710 = vector.shape_cast %mul3A_704 : vector<16xf32> to vector<1x1x16xf32>
        tpu.vector_store %arg6[%swap3A_705, %swap3A_706, %swap3A_707], %swap3A_710 {strides = array<i32>} : memref<6x16x1024xf32, #tpu.memory_space<vmem>>, vector<1x1x16xf32>,
        %get3A_711 = arith.index_cast %rem3A_156 : i32 to index
        %get3A_712 = arith.index_cast %scan3A_240 : i32 to index
        %get3A_713 = arith.constant 624 : index
        %get3A_714 = tpu.vector_load %arg6[%get3A_711, %get3A_712, %get3A_713] {strides = array<i32>} : memref<6x16x1024xf32, #tpu.memory_space<vmem>>, vector<1x1x16xf32>,
        %get3A_715 = vector.shape_cast %get3A_714 : vector<1x1x16xf32> to vector<16xf32>
        %mul3A_716 = arith.mulf %get3A_715, %gather3A_244 : vector<16xf32>
        %swap3A_717 = arith.index_cast %rem3A_156 : i32 to index
        %swap3A_718 = arith.index_cast %scan3A_240 : i32 to index
        %swap3A_719 = arith.constant 624 : index
        %swap3A_720 = tpu.vector_load %arg6[%swap3A_717, %swap3A_718, %swap3A_719] {strides = array<i32>} : memref<6x16x1024xf32, #tpu.memory_space<vmem>>, vector<1x1x16xf32>,
        %swap3A_721 = vector.shape_cast %swap3A_720 : vector<1x1x16xf32> to vector<16xf32>
        %swap3A_722 = vector.shape_cast %mul3A_716 : vector<16xf32> to vector<1x1x16xf32>
        tpu.vector_store %arg6[%swap3A_717, %swap3A_718, %swap3A_719], %swap3A_722 {strides = array<i32>} : memref<6x16x1024xf32, #tpu.memory_space<vmem>>, vector<1x1x16xf32>,
        %get3A_723 = arith.index_cast %rem3A_156 : i32 to index
        %get3A_724 = arith.index_cast %scan3A_240 : i32 to index
        %get3A_725 = arith.constant 640 : index
        %get3A_726 = tpu.vector_load %arg6[%get3A_723, %get3A_724, %get3A_725] {strides = array<i32>} : memref<6x16x1024xf32, #tpu.memory_space<vmem>>, vector<1x1x16xf32>,
        %get3A_727 = vector.shape_cast %get3A_726 : vector<1x1x16xf32> to vector<16xf32>
        %mul3A_728 = arith.mulf %get3A_727, %gather3A_244 : vector<16xf32>
        %swap3A_729 = arith.index_cast %rem3A_156 : i32 to index
        %swap3A_730 = arith.index_cast %scan3A_240 : i32 to index
        %swap3A_731 = arith.constant 640 : index
        %swap3A_732 = tpu.vector_load %arg6[%swap3A_729, %swap3A_730, %swap3A_731] {strides = array<i32>} : memref<6x16x1024xf32, #tpu.memory_space<vmem>>, vector<1x1x16xf32>,
        %swap3A_733 = vector.shape_cast %swap3A_732 : vector<1x1x16xf32> to vector<16xf32>
        %swap3A_734 = vector.shape_cast %mul3A_728 : vector<16xf32> to vector<1x1x16xf32>
        tpu.vector_store %arg6[%swap3A_729, %swap3A_730, %swap3A_731], %swap3A_734 {strides = array<i32>} : memref<6x16x1024xf32, #tpu.memory_space<vmem>>, vector<1x1x16xf32>,
        %get3A_735 = arith.index_cast %rem3A_156 : i32 to index
        %get3A_736 = arith.index_cast %scan3A_240 : i32 to index
        %get3A_737 = arith.constant 656 : index
        %get3A_738 = tpu.vector_load %arg6[%get3A_735, %get3A_736, %get3A_737] {strides = array<i32>} : memref<6x16x1024xf32, #tpu.memory_space<vmem>>, vector<1x1x16xf32>,
        %get3A_739 = vector.shape_cast %get3A_738 : vector<1x1x16xf32> to vector<16xf32>
        %mul3A_740 = arith.mulf %get3A_739, %gather3A_244 : vector<16xf32>
        %swap3A_741 = arith.index_cast %rem3A_156 : i32 to index
        %swap3A_742 = arith.index_cast %scan3A_240 : i32 to index
        %swap3A_743 = arith.constant 656 : index
        %swap3A_744 = tpu.vector_load %arg6[%swap3A_741, %swap3A_742, %swap3A_743] {strides = array<i32>} : memref<6x16x1024xf32, #tpu.memory_space<vmem>>, vector<1x1x16xf32>,
        %swap3A_745 = vector.shape_cast %swap3A_744 : vector<1x1x16xf32> to vector<16xf32>
        %swap3A_746 = vector.shape_cast %mul3A_740 : vector<16xf32> to vector<1x1x16xf32>
        tpu.vector_store %arg6[%swap3A_741, %swap3A_742, %swap3A_743], %swap3A_746 {strides = array<i32>} : memref<6x16x1024xf32, #tpu.memory_space<vmem>>, vector<1x1x16xf32>,
        %get3A_747 = arith.index_cast %rem3A_156 : i32 to index
        %get3A_748 = arith.index_cast %scan3A_240 : i32 to index
        %get3A_749 = arith.constant 672 : index
        %get3A_750 = tpu.vector_load %arg6[%get3A_747, %get3A_748, %get3A_749] {strides = array<i32>} : memref<6x16x1024xf32, #tpu.memory_space<vmem>>, vector<1x1x16xf32>,
        %get3A_751 = vector.shape_cast %get3A_750 : vector<1x1x16xf32> to vector<16xf32>
        %mul3A_752 = arith.mulf %get3A_751, %gather3A_244 : vector<16xf32>
        %swap3A_753 = arith.index_cast %rem3A_156 : i32 to index
        %swap3A_754 = arith.index_cast %scan3A_240 : i32 to index
        %swap3A_755 = arith.constant 672 : index
        %swap3A_756 = tpu.vector_load %arg6[%swap3A_753, %swap3A_754, %swap3A_755] {strides = array<i32>} : memref<6x16x1024xf32, #tpu.memory_space<vmem>>, vector<1x1x16xf32>,
        %swap3A_757 = vector.shape_cast %swap3A_756 : vector<1x1x16xf32> to vector<16xf32>
        %swap3A_758 = vector.shape_cast %mul3A_752 : vector<16xf32> to vector<1x1x16xf32>
        tpu.vector_store %arg6[%swap3A_753, %swap3A_754, %swap3A_755], %swap3A_758 {strides = array<i32>} : memref<6x16x1024xf32, #tpu.memory_space<vmem>>, vector<1x1x16xf32>,
        %get3A_759 = arith.index_cast %rem3A_156 : i32 to index
        %get3A_760 = arith.index_cast %scan3A_240 : i32 to index
        %get3A_761 = arith.constant 688 : index
        %get3A_762 = tpu.vector_load %arg6[%get3A_759, %get3A_760, %get3A_761] {strides = array<i32>} : memref<6x16x1024xf32, #tpu.memory_space<vmem>>, vector<1x1x16xf32>,
        %get3A_763 = vector.shape_cast %get3A_762 : vector<1x1x16xf32> to vector<16xf32>
        %mul3A_764 = arith.mulf %get3A_763, %gather3A_244 : vector<16xf32>
        %swap3A_765 = arith.index_cast %rem3A_156 : i32 to index
        %swap3A_766 = arith.index_cast %scan3A_240 : i32 to index
        %swap3A_767 = arith.constant 688 : index
        %swap3A_768 = tpu.vector_load %arg6[%swap3A_765, %swap3A_766, %swap3A_767] {strides = array<i32>} : memref<6x16x1024xf32, #tpu.memory_space<vmem>>, vector<1x1x16xf32>,
        %swap3A_769 = vector.shape_cast %swap3A_768 : vector<1x1x16xf32> to vector<16xf32>
        %swap3A_770 = vector.shape_cast %mul3A_764 : vector<16xf32> to vector<1x1x16xf32>
        tpu.vector_store %arg6[%swap3A_765, %swap3A_766, %swap3A_767], %swap3A_770 {strides = array<i32>} : memref<6x16x1024xf32, #tpu.memory_space<vmem>>, vector<1x1x16xf32>,
        %get3A_771 = arith.index_cast %rem3A_156 : i32 to index
        %get3A_772 = arith.index_cast %scan3A_240 : i32 to index
        %get3A_773 = arith.constant 704 : index
        %get3A_774 = tpu.vector_load %arg6[%get3A_771, %get3A_772, %get3A_773] {strides = array<i32>} : memref<6x16x1024xf32, #tpu.memory_space<vmem>>, vector<1x1x16xf32>,
        %get3A_775 = vector.shape_cast %get3A_774 : vector<1x1x16xf32> to vector<16xf32>
        %mul3A_776 = arith.mulf %get3A_775, %gather3A_244 : vector<16xf32>
        %swap3A_777 = arith.index_cast %rem3A_156 : i32 to index
        %swap3A_778 = arith.index_cast %scan3A_240 : i32 to index
        %swap3A_779 = arith.constant 704 : index
        %swap3A_780 = tpu.vector_load %arg6[%swap3A_777, %swap3A_778, %swap3A_779] {strides = array<i32>} : memref<6x16x1024xf32, #tpu.memory_space<vmem>>, vector<1x1x16xf32>,
        %swap3A_781 = vector.shape_cast %swap3A_780 : vector<1x1x16xf32> to vector<16xf32>
        %swap3A_782 = vector.shape_cast %mul3A_776 : vector<16xf32> to vector<1x1x16xf32>
        tpu.vector_store %arg6[%swap3A_777, %swap3A_778, %swap3A_779], %swap3A_782 {strides = array<i32>} : memref<6x16x1024xf32, #tpu.memory_space<vmem>>, vector<1x1x16xf32>,
        %get3A_783 = arith.index_cast %rem3A_156 : i32 to index
        %get3A_784 = arith.index_cast %scan3A_240 : i32 to index
        %get3A_785 = arith.constant 720 : index
        %get3A_786 = tpu.vector_load %arg6[%get3A_783, %get3A_784, %get3A_785] {strides = array<i32>} : memref<6x16x1024xf32, #tpu.memory_space<vmem>>, vector<1x1x16xf32>,
        %get3A_787 = vector.shape_cast %get3A_786 : vector<1x1x16xf32> to vector<16xf32>
        %mul3A_788 = arith.mulf %get3A_787, %gather3A_244 : vector<16xf32>
        %swap3A_789 = arith.index_cast %rem3A_156 : i32 to index
        %swap3A_790 = arith.index_cast %scan3A_240 : i32 to index
        %swap3A_791 = arith.constant 720 : index
        %swap3A_792 = tpu.vector_load %arg6[%swap3A_789, %swap3A_790, %swap3A_791] {strides = array<i32>} : memref<6x16x1024xf32, #tpu.memory_space<vmem>>, vector<1x1x16xf32>,
        %swap3A_793 = vector.shape_cast %swap3A_792 : vector<1x1x16xf32> to vector<16xf32>
        %swap3A_794 = vector.shape_cast %mul3A_788 : vector<16xf32> to vector<1x1x16xf32>
        tpu.vector_store %arg6[%swap3A_789, %swap3A_790, %swap3A_791], %swap3A_794 {strides = array<i32>} : memref<6x16x1024xf32, #tpu.memory_space<vmem>>, vector<1x1x16xf32>,
        %get3A_795 = arith.index_cast %rem3A_156 : i32 to index
        %get3A_796 = arith.index_cast %scan3A_240 : i32 to index
        %get3A_797 = arith.constant 736 : index
        %get3A_798 = tpu.vector_load %arg6[%get3A_795, %get3A_796, %get3A_797] {strides = array<i32>} : memref<6x16x1024xf32, #tpu.memory_space<vmem>>, vector<1x1x16xf32>,
        %get3A_799 = vector.shape_cast %get3A_798 : vector<1x1x16xf32> to vector<16xf32>
        %mul3A_800 = arith.mulf %get3A_799, %gather3A_244 : vector<16xf32>
        %swap3A_801 = arith.index_cast %rem3A_156 : i32 to index
        %swap3A_802 = arith.index_cast %scan3A_240 : i32 to index
        %swap3A_803 = arith.constant 736 : index
        %swap3A_804 = tpu.vector_load %arg6[%swap3A_801, %swap3A_802, %swap3A_803] {strides = array<i32>} : memref<6x16x1024xf32, #tpu.memory_space<vmem>>, vector<1x1x16xf32>,
        %swap3A_805 = vector.shape_cast %swap3A_804 : vector<1x1x16xf32> to vector<16xf32>
        %swap3A_806 = vector.shape_cast %mul3A_800 : vector<16xf32> to vector<1x1x16xf32>
        tpu.vector_store %arg6[%swap3A_801, %swap3A_802, %swap3A_803], %swap3A_806 {strides = array<i32>} : memref<6x16x1024xf32, #tpu.memory_space<vmem>>, vector<1x1x16xf32>,
        %get3A_807 = arith.index_cast %rem3A_156 : i32 to index
        %get3A_808 = arith.index_cast %scan3A_240 : i32 to index
        %get3A_809 = arith.constant 752 : index
        %get3A_810 = tpu.vector_load %arg6[%get3A_807, %get3A_808, %get3A_809] {strides = array<i32>} : memref<6x16x1024xf32, #tpu.memory_space<vmem>>, vector<1x1x16xf32>,
        %get3A_811 = vector.shape_cast %get3A_810 : vector<1x1x16xf32> to vector<16xf32>
        %mul3A_812 = arith.mulf %get3A_811, %gather3A_244 : vector<16xf32>
        %swap3A_813 = arith.index_cast %rem3A_156 : i32 to index
        %swap3A_814 = arith.index_cast %scan3A_240 : i32 to index
        %swap3A_815 = arith.constant 752 : index
        %swap3A_816 = tpu.vector_load %arg6[%swap3A_813, %swap3A_814, %swap3A_815] {strides = array<i32>} : memref<6x16x1024xf32, #tpu.memory_space<vmem>>, vector<1x1x16xf32>,
        %swap3A_817 = vector.shape_cast %swap3A_816 : vector<1x1x16xf32> to vector<16xf32>
        %swap3A_818 = vector.shape_cast %mul3A_812 : vector<16xf32> to vector<1x1x16xf32>
        tpu.vector_store %arg6[%swap3A_813, %swap3A_814, %swap3A_815], %swap3A_818 {strides = array<i32>} : memref<6x16x1024xf32, #tpu.memory_space<vmem>>, vector<1x1x16xf32>,
        %get3A_819 = arith.index_cast %rem3A_156 : i32 to index
        %get3A_820 = arith.index_cast %scan3A_240 : i32 to index
        %get3A_821 = arith.constant 768 : index
        %get3A_822 = tpu.vector_load %arg6[%get3A_819, %get3A_820, %get3A_821] {strides = array<i32>} : memref<6x16x1024xf32, #tpu.memory_space<vmem>>, vector<1x1x16xf32>,
        %get3A_823 = vector.shape_cast %get3A_822 : vector<1x1x16xf32> to vector<16xf32>
        %mul3A_824 = arith.mulf %get3A_823, %gather3A_244 : vector<16xf32>
        %swap3A_825 = arith.index_cast %rem3A_156 : i32 to index
        %swap3A_826 = arith.index_cast %scan3A_240 : i32 to index
        %swap3A_827 = arith.constant 768 : index
        %swap3A_828 = tpu.vector_load %arg6[%swap3A_825, %swap3A_826, %swap3A_827] {strides = array<i32>} : memref<6x16x1024xf32, #tpu.memory_space<vmem>>, vector<1x1x16xf32>,
        %swap3A_829 = vector.shape_cast %swap3A_828 : vector<1x1x16xf32> to vector<16xf32>
        %swap3A_830 = vector.shape_cast %mul3A_824 : vector<16xf32> to vector<1x1x16xf32>
        tpu.vector_store %arg6[%swap3A_825, %swap3A_826, %swap3A_827], %swap3A_830 {strides = array<i32>} : memref<6x16x1024xf32, #tpu.memory_space<vmem>>, vector<1x1x16xf32>,
        %get3A_831 = arith.index_cast %rem3A_156 : i32 to index
        %get3A_832 = arith.index_cast %scan3A_240 : i32 to index
        %get3A_833 = arith.constant 784 : index
        %get3A_834 = tpu.vector_load %arg6[%get3A_831, %get3A_832, %get3A_833] {strides = array<i32>} : memref<6x16x1024xf32, #tpu.memory_space<vmem>>, vector<1x1x16xf32>,
        %get3A_835 = vector.shape_cast %get3A_834 : vector<1x1x16xf32> to vector<16xf32>
        %mul3A_836 = arith.mulf %get3A_835, %gather3A_244 : vector<16xf32>
        %swap3A_837 = arith.index_cast %rem3A_156 : i32 to index
        %swap3A_838 = arith.index_cast %scan3A_240 : i32 to index
        %swap3A_839 = arith.constant 784 : index
        %swap3A_840 = tpu.vector_load %arg6[%swap3A_837, %swap3A_838, %swap3A_839] {strides = array<i32>} : memref<6x16x1024xf32, #tpu.memory_space<vmem>>, vector<1x1x16xf32>,
        %swap3A_841 = vector.shape_cast %swap3A_840 : vector<1x1x16xf32> to vector<16xf32>
        %swap3A_842 = vector.shape_cast %mul3A_836 : vector<16xf32> to vector<1x1x16xf32>
        tpu.vector_store %arg6[%swap3A_837, %swap3A_838, %swap3A_839], %swap3A_842 {strides = array<i32>} : memref<6x16x1024xf32, #tpu.memory_space<vmem>>, vector<1x1x16xf32>,
        %get3A_843 = arith.index_cast %rem3A_156 : i32 to index
        %get3A_844 = arith.index_cast %scan3A_240 : i32 to index
        %get3A_845 = arith.constant 800 : index
        %get3A_846 = tpu.vector_load %arg6[%get3A_843, %get3A_844, %get3A_845] {strides = array<i32>} : memref<6x16x1024xf32, #tpu.memory_space<vmem>>, vector<1x1x16xf32>,
        %get3A_847 = vector.shape_cast %get3A_846 : vector<1x1x16xf32> to vector<16xf32>
        %mul3A_848 = arith.mulf %get3A_847, %gather3A_244 : vector<16xf32>
        %swap3A_849 = arith.index_cast %rem3A_156 : i32 to index
        %swap3A_850 = arith.index_cast %scan3A_240 : i32 to index
        %swap3A_851 = arith.constant 800 : index
        %swap3A_852 = tpu.vector_load %arg6[%swap3A_849, %swap3A_850, %swap3A_851] {strides = array<i32>} : memref<6x16x1024xf32, #tpu.memory_space<vmem>>, vector<1x1x16xf32>,
        %swap3A_853 = vector.shape_cast %swap3A_852 : vector<1x1x16xf32> to vector<16xf32>
        %swap3A_854 = vector.shape_cast %mul3A_848 : vector<16xf32> to vector<1x1x16xf32>
        tpu.vector_store %arg6[%swap3A_849, %swap3A_850, %swap3A_851], %swap3A_854 {strides = array<i32>} : memref<6x16x1024xf32, #tpu.memory_space<vmem>>, vector<1x1x16xf32>,
        %get3A_855 = arith.index_cast %rem3A_156 : i32 to index
        %get3A_856 = arith.index_cast %scan3A_240 : i32 to index
        %get3A_857 = arith.constant 816 : index
        %get3A_858 = tpu.vector_load %arg6[%get3A_855, %get3A_856, %get3A_857] {strides = array<i32>} : memref<6x16x1024xf32, #tpu.memory_space<vmem>>, vector<1x1x16xf32>,
        %get3A_859 = vector.shape_cast %get3A_858 : vector<1x1x16xf32> to vector<16xf32>
        %mul3A_860 = arith.mulf %get3A_859, %gather3A_244 : vector<16xf32>
        %swap3A_861 = arith.index_cast %rem3A_156 : i32 to index
        %swap3A_862 = arith.index_cast %scan3A_240 : i32 to index
        %swap3A_863 = arith.constant 816 : index
        %swap3A_864 = tpu.vector_load %arg6[%swap3A_861, %swap3A_862, %swap3A_863] {strides = array<i32>} : memref<6x16x1024xf32, #tpu.memory_space<vmem>>, vector<1x1x16xf32>,
        %swap3A_865 = vector.shape_cast %swap3A_864 : vector<1x1x16xf32> to vector<16xf32>
        %swap3A_866 = vector.shape_cast %mul3A_860 : vector<16xf32> to vector<1x1x16xf32>
        tpu.vector_store %arg6[%swap3A_861, %swap3A_862, %swap3A_863], %swap3A_866 {strides = array<i32>} : memref<6x16x1024xf32, #tpu.memory_space<vmem>>, vector<1x1x16xf32>,
        %get3A_867 = arith.index_cast %rem3A_156 : i32 to index
        %get3A_868 = arith.index_cast %scan3A_240 : i32 to index
        %get3A_869 = arith.constant 832 : index
        %get3A_870 = tpu.vector_load %arg6[%get3A_867, %get3A_868, %get3A_869] {strides = array<i32>} : memref<6x16x1024xf32, #tpu.memory_space<vmem>>, vector<1x1x16xf32>,
        %get3A_871 = vector.shape_cast %get3A_870 : vector<1x1x16xf32> to vector<16xf32>
        %mul3A_872 = arith.mulf %get3A_871, %gather3A_244 : vector<16xf32>
        %swap3A_873 = arith.index_cast %rem3A_156 : i32 to index
        %swap3A_874 = arith.index_cast %scan3A_240 : i32 to index
        %swap3A_875 = arith.constant 832 : index
        %swap3A_876 = tpu.vector_load %arg6[%swap3A_873, %swap3A_874, %swap3A_875] {strides = array<i32>} : memref<6x16x1024xf32, #tpu.memory_space<vmem>>, vector<1x1x16xf32>,
        %swap3A_877 = vector.shape_cast %swap3A_876 : vector<1x1x16xf32> to vector<16xf32>
        %swap3A_878 = vector.shape_cast %mul3A_872 : vector<16xf32> to vector<1x1x16xf32>
        tpu.vector_store %arg6[%swap3A_873, %swap3A_874, %swap3A_875], %swap3A_878 {strides = array<i32>} : memref<6x16x1024xf32, #tpu.memory_space<vmem>>, vector<1x1x16xf32>,
        %get3A_879 = arith.index_cast %rem3A_156 : i32 to index
        %get3A_880 = arith.index_cast %scan3A_240 : i32 to index
        %get3A_881 = arith.constant 848 : index
        %get3A_882 = tpu.vector_load %arg6[%get3A_879, %get3A_880, %get3A_881] {strides = array<i32>} : memref<6x16x1024xf32, #tpu.memory_space<vmem>>, vector<1x1x16xf32>,
        %get3A_883 = vector.shape_cast %get3A_882 : vector<1x1x16xf32> to vector<16xf32>
        %mul3A_884 = arith.mulf %get3A_883, %gather3A_244 : vector<16xf32>
        %swap3A_885 = arith.index_cast %rem3A_156 : i32 to index
        %swap3A_886 = arith.index_cast %scan3A_240 : i32 to index
        %swap3A_887 = arith.constant 848 : index
        %swap3A_888 = tpu.vector_load %arg6[%swap3A_885, %swap3A_886, %swap3A_887] {strides = array<i32>} : memref<6x16x1024xf32, #tpu.memory_space<vmem>>, vector<1x1x16xf32>,
        %swap3A_889 = vector.shape_cast %swap3A_888 : vector<1x1x16xf32> to vector<16xf32>
        %swap3A_890 = vector.shape_cast %mul3A_884 : vector<16xf32> to vector<1x1x16xf32>
        tpu.vector_store %arg6[%swap3A_885, %swap3A_886, %swap3A_887], %swap3A_890 {strides = array<i32>} : memref<6x16x1024xf32, #tpu.memory_space<vmem>>, vector<1x1x16xf32>,
        %get3A_891 = arith.index_cast %rem3A_156 : i32 to index
        %get3A_892 = arith.index_cast %scan3A_240 : i32 to index
        %get3A_893 = arith.constant 864 : index
        %get3A_894 = tpu.vector_load %arg6[%get3A_891, %get3A_892, %get3A_893] {strides = array<i32>} : memref<6x16x1024xf32, #tpu.memory_space<vmem>>, vector<1x1x16xf32>,
        %get3A_895 = vector.shape_cast %get3A_894 : vector<1x1x16xf32> to vector<16xf32>
        %mul3A_896 = arith.mulf %get3A_895, %gather3A_244 : vector<16xf32>
        %swap3A_897 = arith.index_cast %rem3A_156 : i32 to index
        %swap3A_898 = arith.index_cast %scan3A_240 : i32 to index
        %swap3A_899 = arith.constant 864 : index
        %swap3A_900 = tpu.vector_load %arg6[%swap3A_897, %swap3A_898, %swap3A_899] {strides = array<i32>} : memref<6x16x1024xf32, #tpu.memory_space<vmem>>, vector<1x1x16xf32>,
        %swap3A_901 = vector.shape_cast %swap3A_900 : vector<1x1x16xf32> to vector<16xf32>
        %swap3A_902 = vector.shape_cast %mul3A_896 : vector<16xf32> to vector<1x1x16xf32>
        tpu.vector_store %arg6[%swap3A_897, %swap3A_898, %swap3A_899], %swap3A_902 {strides = array<i32>} : memref<6x16x1024xf32, #tpu.memory_space<vmem>>, vector<1x1x16xf32>,
        %get3A_903 = arith.index_cast %rem3A_156 : i32 to index
        %get3A_904 = arith.index_cast %scan3A_240 : i32 to index
        %get3A_905 = arith.constant 880 : index
        %get3A_906 = tpu.vector_load %arg6[%get3A_903, %get3A_904, %get3A_905] {strides = array<i32>} : memref<6x16x1024xf32, #tpu.memory_space<vmem>>, vector<1x1x16xf32>,
        %get3A_907 = vector.shape_cast %get3A_906 : vector<1x1x16xf32> to vector<16xf32>
        %mul3A_908 = arith.mulf %get3A_907, %gather3A_244 : vector<16xf32>
        %swap3A_909 = arith.index_cast %rem3A_156 : i32 to index
        %swap3A_910 = arith.index_cast %scan3A_240 : i32 to index
        %swap3A_911 = arith.constant 880 : index
        %swap3A_912 = tpu.vector_load %arg6[%swap3A_909, %swap3A_910, %swap3A_911] {strides = array<i32>} : memref<6x16x1024xf32, #tpu.memory_space<vmem>>, vector<1x1x16xf32>,
        %swap3A_913 = vector.shape_cast %swap3A_912 : vector<1x1x16xf32> to vector<16xf32>
        %swap3A_914 = vector.shape_cast %mul3A_908 : vector<16xf32> to vector<1x1x16xf32>
        tpu.vector_store %arg6[%swap3A_909, %swap3A_910, %swap3A_911], %swap3A_914 {strides = array<i32>} : memref<6x16x1024xf32, #tpu.memory_space<vmem>>, vector<1x1x16xf32>,
        %get3A_915 = arith.index_cast %rem3A_156 : i32 to index
        %get3A_916 = arith.index_cast %scan3A_240 : i32 to index
        %get3A_917 = arith.constant 896 : index
        %get3A_918 = tpu.vector_load %arg6[%get3A_915, %get3A_916, %get3A_917] {strides = array<i32>} : memref<6x16x1024xf32, #tpu.memory_space<vmem>>, vector<1x1x16xf32>,
        %get3A_919 = vector.shape_cast %get3A_918 : vector<1x1x16xf32> to vector<16xf32>
        %mul3A_920 = arith.mulf %get3A_919, %gather3A_244 : vector<16xf32>
        %swap3A_921 = arith.index_cast %rem3A_156 : i32 to index
        %swap3A_922 = arith.index_cast %scan3A_240 : i32 to index
        %swap3A_923 = arith.constant 896 : index
        %swap3A_924 = tpu.vector_load %arg6[%swap3A_921, %swap3A_922, %swap3A_923] {strides = array<i32>} : memref<6x16x1024xf32, #tpu.memory_space<vmem>>, vector<1x1x16xf32>,
        %swap3A_925 = vector.shape_cast %swap3A_924 : vector<1x1x16xf32> to vector<16xf32>
        %swap3A_926 = vector.shape_cast %mul3A_920 : vector<16xf32> to vector<1x1x16xf32>
        tpu.vector_store %arg6[%swap3A_921, %swap3A_922, %swap3A_923], %swap3A_926 {strides = array<i32>} : memref<6x16x1024xf32, #tpu.memory_space<vmem>>, vector<1x1x16xf32>,
        %get3A_927 = arith.index_cast %rem3A_156 : i32 to index
        %get3A_928 = arith.index_cast %scan3A_240 : i32 to index
        %get3A_929 = arith.constant 912 : index
        %get3A_930 = tpu.vector_load %arg6[%get3A_927, %get3A_928, %get3A_929] {strides = array<i32>} : memref<6x16x1024xf32, #tpu.memory_space<vmem>>, vector<1x1x16xf32>,
        %get3A_931 = vector.shape_cast %get3A_930 : vector<1x1x16xf32> to vector<16xf32>
        %mul3A_932 = arith.mulf %get3A_931, %gather3A_244 : vector<16xf32>
        %swap3A_933 = arith.index_cast %rem3A_156 : i32 to index
        %swap3A_934 = arith.index_cast %scan3A_240 : i32 to index
        %swap3A_935 = arith.constant 912 : index
        %swap3A_936 = tpu.vector_load %arg6[%swap3A_933, %swap3A_934, %swap3A_935] {strides = array<i32>} : memref<6x16x1024xf32, #tpu.memory_space<vmem>>, vector<1x1x16xf32>,
        %swap3A_937 = vector.shape_cast %swap3A_936 : vector<1x1x16xf32> to vector<16xf32>
        %swap3A_938 = vector.shape_cast %mul3A_932 : vector<16xf32> to vector<1x1x16xf32>
        tpu.vector_store %arg6[%swap3A_933, %swap3A_934, %swap3A_935], %swap3A_938 {strides = array<i32>} : memref<6x16x1024xf32, #tpu.memory_space<vmem>>, vector<1x1x16xf32>,
        %get3A_939 = arith.index_cast %rem3A_156 : i32 to index
        %get3A_940 = arith.index_cast %scan3A_240 : i32 to index
        %get3A_941 = arith.constant 928 : index
        %get3A_942 = tpu.vector_load %arg6[%get3A_939, %get3A_940, %get3A_941] {strides = array<i32>} : memref<6x16x1024xf32, #tpu.memory_space<vmem>>, vector<1x1x16xf32>,
        %get3A_943 = vector.shape_cast %get3A_942 : vector<1x1x16xf32> to vector<16xf32>
        %mul3A_944 = arith.mulf %get3A_943, %gather3A_244 : vector<16xf32>
        %swap3A_945 = arith.index_cast %rem3A_156 : i32 to index
        %swap3A_946 = arith.index_cast %scan3A_240 : i32 to index
        %swap3A_947 = arith.constant 928 : index
        %swap3A_948 = tpu.vector_load %arg6[%swap3A_945, %swap3A_946, %swap3A_947] {strides = array<i32>} : memref<6x16x1024xf32, #tpu.memory_space<vmem>>, vector<1x1x16xf32>,
        %swap3A_949 = vector.shape_cast %swap3A_948 : vector<1x1x16xf32> to vector<16xf32>
        %swap3A_950 = vector.shape_cast %mul3A_944 : vector<16xf32> to vector<1x1x16xf32>
        tpu.vector_store %arg6[%swap3A_945, %swap3A_946, %swap3A_947], %swap3A_950 {strides = array<i32>} : memref<6x16x1024xf32, #tpu.memory_space<vmem>>, vector<1x1x16xf32>,
        %get3A_951 = arith.index_cast %rem3A_156 : i32 to index
        %get3A_952 = arith.index_cast %scan3A_240 : i32 to index
        %get3A_953 = arith.constant 944 : index
        %get3A_954 = tpu.vector_load %arg6[%get3A_951, %get3A_952, %get3A_953] {strides = array<i32>} : memref<6x16x1024xf32, #tpu.memory_space<vmem>>, vector<1x1x16xf32>,
        %get3A_955 = vector.shape_cast %get3A_954 : vector<1x1x16xf32> to vector<16xf32>
        %mul3A_956 = arith.mulf %get3A_955, %gather3A_244 : vector<16xf32>
        %swap3A_957 = arith.index_cast %rem3A_156 : i32 to index
        %swap3A_958 = arith.index_cast %scan3A_240 : i32 to index
        %swap3A_959 = arith.constant 944 : index
        %swap3A_960 = tpu.vector_load %arg6[%swap3A_957, %swap3A_958, %swap3A_959] {strides = array<i32>} : memref<6x16x1024xf32, #tpu.memory_space<vmem>>, vector<1x1x16xf32>,
        %swap3A_961 = vector.shape_cast %swap3A_960 : vector<1x1x16xf32> to vector<16xf32>
        %swap3A_962 = vector.shape_cast %mul3A_956 : vector<16xf32> to vector<1x1x16xf32>
        tpu.vector_store %arg6[%swap3A_957, %swap3A_958, %swap3A_959], %swap3A_962 {strides = array<i32>} : memref<6x16x1024xf32, #tpu.memory_space<vmem>>, vector<1x1x16xf32>,
        %get3A_963 = arith.index_cast %rem3A_156 : i32 to index
        %get3A_964 = arith.index_cast %scan3A_240 : i32 to index
        %get3A_965 = arith.constant 960 : index
        %get3A_966 = tpu.vector_load %arg6[%get3A_963, %get3A_964, %get3A_965] {strides = array<i32>} : memref<6x16x1024xf32, #tpu.memory_space<vmem>>, vector<1x1x16xf32>,
        %get3A_967 = vector.shape_cast %get3A_966 : vector<1x1x16xf32> to vector<16xf32>
        %mul3A_968 = arith.mulf %get3A_967, %gather3A_244 : vector<16xf32>
        %swap3A_969 = arith.index_cast %rem3A_156 : i32 to index
        %swap3A_970 = arith.index_cast %scan3A_240 : i32 to index
        %swap3A_971 = arith.constant 960 : index
        %swap3A_972 = tpu.vector_load %arg6[%swap3A_969, %swap3A_970, %swap3A_971] {strides = array<i32>} : memref<6x16x1024xf32, #tpu.memory_space<vmem>>, vector<1x1x16xf32>,
        %swap3A_973 = vector.shape_cast %swap3A_972 : vector<1x1x16xf32> to vector<16xf32>
        %swap3A_974 = vector.shape_cast %mul3A_968 : vector<16xf32> to vector<1x1x16xf32>
        tpu.vector_store %arg6[%swap3A_969, %swap3A_970, %swap3A_971], %swap3A_974 {strides = array<i32>} : memref<6x16x1024xf32, #tpu.memory_space<vmem>>, vector<1x1x16xf32>,
        %get3A_975 = arith.index_cast %rem3A_156 : i32 to index
        %get3A_976 = arith.index_cast %scan3A_240 : i32 to index
        %get3A_977 = arith.constant 976 : index
        %get3A_978 = tpu.vector_load %arg6[%get3A_975, %get3A_976, %get3A_977] {strides = array<i32>} : memref<6x16x1024xf32, #tpu.memory_space<vmem>>, vector<1x1x16xf32>,
        %get3A_979 = vector.shape_cast %get3A_978 : vector<1x1x16xf32> to vector<16xf32>
        %mul3A_980 = arith.mulf %get3A_979, %gather3A_244 : vector<16xf32>
        %swap3A_981 = arith.index_cast %rem3A_156 : i32 to index
        %swap3A_982 = arith.index_cast %scan3A_240 : i32 to index
        %swap3A_983 = arith.constant 976 : index
        %swap3A_984 = tpu.vector_load %arg6[%swap3A_981, %swap3A_982, %swap3A_983] {strides = array<i32>} : memref<6x16x1024xf32, #tpu.memory_space<vmem>>, vector<1x1x16xf32>,
        %swap3A_985 = vector.shape_cast %swap3A_984 : vector<1x1x16xf32> to vector<16xf32>
        %swap3A_986 = vector.shape_cast %mul3A_980 : vector<16xf32> to vector<1x1x16xf32>
        tpu.vector_store %arg6[%swap3A_981, %swap3A_982, %swap3A_983], %swap3A_986 {strides = array<i32>} : memref<6x16x1024xf32, #tpu.memory_space<vmem>>, vector<1x1x16xf32>,
        %get3A_987 = arith.index_cast %rem3A_156 : i32 to index
        %get3A_988 = arith.index_cast %scan3A_240 : i32 to index
        %get3A_989 = arith.constant 992 : index
        %get3A_990 = tpu.vector_load %arg6[%get3A_987, %get3A_988, %get3A_989] {strides = array<i32>} : memref<6x16x1024xf32, #tpu.memory_space<vmem>>, vector<1x1x16xf32>,
        %get3A_991 = vector.shape_cast %get3A_990 : vector<1x1x16xf32> to vector<16xf32>
        %mul3A_992 = arith.mulf %get3A_991, %gather3A_244 : vector<16xf32>
        %swap3A_993 = arith.index_cast %rem3A_156 : i32 to index
        %swap3A_994 = arith.index_cast %scan3A_240 : i32 to index
        %swap3A_995 = arith.constant 992 : index
        %swap3A_996 = tpu.vector_load %arg6[%swap3A_993, %swap3A_994, %swap3A_995] {strides = array<i32>} : memref<6x16x1024xf32, #tpu.memory_space<vmem>>, vector<1x1x16xf32>,
        %swap3A_997 = vector.shape_cast %swap3A_996 : vector<1x1x16xf32> to vector<16xf32>
        %swap3A_998 = vector.shape_cast %mul3A_992 : vector<16xf32> to vector<1x1x16xf32>
        tpu.vector_store %arg6[%swap3A_993, %swap3A_994, %swap3A_995], %swap3A_998 {strides = array<i32>} : memref<6x16x1024xf32, #tpu.memory_space<vmem>>, vector<1x1x16xf32>,
        %get3A_999 = arith.index_cast %rem3A_156 : i32 to index
        %get3A_1000 = arith.index_cast %scan3A_240 : i32 to index
        %get3A_1001 = arith.constant 1008 : index
        %get3A_1002 = tpu.vector_load %arg6[%get3A_999, %get3A_1000, %get3A_1001] {strides = array<i32>} : memref<6x16x1024xf32, #tpu.memory_space<vmem>>, vector<1x1x16xf32>,
        %get3A_1003 = vector.shape_cast %get3A_1002 : vector<1x1x16xf32> to vector<16xf32>
        %mul3A_1004 = arith.mulf %get3A_1003, %gather3A_244 : vector<16xf32>
        %swap3A_1005 = arith.index_cast %rem3A_156 : i32 to index
        %swap3A_1006 = arith.index_cast %scan3A_240 : i32 to index
        %swap3A_1007 = arith.constant 1008 : index
        %swap3A_1008 = tpu.vector_load %arg6[%swap3A_1005, %swap3A_1006, %swap3A_1007] {strides = array<i32>} : memref<6x16x1024xf32, #tpu.memory_space<vmem>>, vector<1x1x16xf32>,
        %swap3A_1009 = vector.shape_cast %swap3A_1008 : vector<1x1x16xf32> to vector<16xf32>
        %swap3A_1010 = vector.shape_cast %mul3A_1004 : vector<16xf32> to vector<1x1x16xf32>
        tpu.vector_store %arg6[%swap3A_1005, %swap3A_1006, %swap3A_1007], %swap3A_1010 {strides = array<i32>} : memref<6x16x1024xf32, #tpu.memory_space<vmem>>, vector<1x1x16xf32>,
        %scan3A_1011 = arith.constant 0 : i32
        scf.yield %scan3A_1011 : i32
      }
      %scan3A_215 = arith.constant 16 : i32
      %mul3A_216 = arith.constant 16 : i32
      %mul3A_217 = arith.muli %scan3A_154, %mul3A_216 : i32
      %add3A_218 = arith.addi %mul3A_2, %mul3A_217 : i32
      %dma_start3A_219 = arith.constant 0 : i32
      %dma_start3A_220 = arith.constant 0 : i32
      %dma_start3A_221 = tpu.memref_slice %arg6[%rem3A_156, %dma_start3A_219, %dma_start3A_220] : memref<6x16x1024xf32, #tpu.memory_space<vmem>> -> memref<1x16x1024xf32, #tpu.memory_space<vmem>>
      %dma_start3A_222 = tpu.memref_squeeze %dma_start3A_221 : memref<1x16x1024xf32, #tpu.memory_space<vmem>> -> memref<16x1024xf32, #tpu.memory_space<vmem>>
      %dma_start3A_223 = arith.constant 0 : i32
      %dma_start3A_224 = tpu.memref_slice %arg4[%add3A_218, %dma_start3A_223] : memref<32768x1024xf32, #tpu.memory_space<hbm>> -> memref<16x1024xf32, #tpu.memory_space<hbm>>
      %dma_start3A_225 = tpu.memref_slice %arg8[%rem3A_156] : memref<6x!tpu.dma_semaphore, #tpu.memory_space<semaphore_mem>> -> memref<1x!tpu.dma_semaphore, #tpu.memory_space<semaphore_mem>>
      %dma_start3A_226 = tpu.memref_squeeze %dma_start3A_225 : memref<1x!tpu.dma_semaphore, #tpu.memory_space<semaphore_mem>> -> memref<!tpu.dma_semaphore, #tpu.memory_space<semaphore_mem>>
      %dma_start3A_227 = arith.constant 0 : i32
      %dma_start3A_228 = tpu.memref_slice %arg4[%add3A_218, %dma_start3A_227] : memref<32768x1024xf32, #tpu.memory_space<hbm>> -> memref<16x1024xf32, #tpu.memory_space<hbm>>
      %dma_start3A_229 = arith.constant 0 : i32
      %dma_start3A_230 = arith.constant 0 : i32
      %dma_start3A_231 = tpu.memref_slice %arg6[%rem3A_156, %dma_start3A_229, %dma_start3A_230] : memref<6x16x1024xf32, #tpu.memory_space<vmem>> -> memref<1x16x1024xf32, #tpu.memory_space<vmem>>
      %dma_start3A_232 = tpu.memref_squeeze %dma_start3A_231 : memref<1x16x1024xf32, #tpu.memory_space<vmem>> -> memref<16x1024xf32, #tpu.memory_space<vmem>>
      tpu.enqueue_dma source(%dma_start3A_232 : memref<16x1024xf32, #tpu.memory_space<vmem>>) target(%dma_start3A_228 : memref<16x1024xf32, #tpu.memory_space<hbm>>) target_semaphore(%dma_start3A_226 : memref<!tpu.dma_semaphore, #tpu.memory_space<semaphore_mem>>)
      %add3A_233 = arith.constant 3 : i32
      %add3A_234 = arith.addi %scan3A_154, %add3A_233 : i32
      %rem3A_235 = arith.constant 6 : i32
      %rem3A_236 = arith.remsi %add3A_234, %rem3A_235 : i32
      %lt3A = arith.constant 64 : i32
      %lt3A_237 = arith.cmpi slt, %add3A_234, %lt3A : i32
      %convert_element_type3A = arith.extui %lt3A_237 : i1 to i32
      %cond3A = arith.constant 0 : i32
      %cond3A_238 = arith.cmpi ne, %convert_element_type3A, %cond3A : i32
      scf.if %cond3A_238 {
        %ge3A = arith.constant 6 : i32
        %ge3A_240 = arith.cmpi sge, %add3A_234, %ge3A : i32
        %convert_element_type3A_241 = arith.extui %ge3A_240 : i1 to i32
        %cond3A_242 = arith.constant 0 : i32
        %cond3A_243 = arith.cmpi ne, %convert_element_type3A_241, %cond3A_242 : i32
        scf.if %cond3A_243 {
          %dma_wait3A_256 = arith.constant 0 : i32
          %dma_wait3A_257 = arith.constant 0 : i32
          %dma_wait3A_258 = tpu.memref_slice %arg6[%rem3A_236, %dma_wait3A_256, %dma_wait3A_257] : memref<6x16x1024xf32, #tpu.memory_space<vmem>> -> memref<1x16x1024xf32, #tpu.memory_space<vmem>>
          %dma_wait3A_259 = tpu.memref_squeeze %dma_wait3A_258 : memref<1x16x1024xf32, #tpu.memory_space<vmem>> -> memref<16x1024xf32, #tpu.memory_space<vmem>>
          %dma_wait3A_260 = arith.constant 0 : i32
          %dma_wait3A_261 = arith.constant 0 : i32
          %dma_wait3A_262 = tpu.memref_slice %arg4[%dma_wait3A_260, %dma_wait3A_261] : memref<32768x1024xf32, #tpu.memory_space<hbm>> -> memref<16x1024xf32, #tpu.memory_space<hbm>>
          %dma_wait3A_263 = tpu.memref_slice %arg8[%rem3A_236] : memref<6x!tpu.dma_semaphore, #tpu.memory_space<semaphore_mem>> -> memref<1x!tpu.dma_semaphore, #tpu.memory_space<semaphore_mem>>
          %dma_wait3A_264 = tpu.memref_squeeze %dma_wait3A_263 : memref<1x!tpu.dma_semaphore, #tpu.memory_space<semaphore_mem>> -> memref<!tpu.dma_semaphore, #tpu.memory_space<semaphore_mem>>
          %dma_wait3A_265 = arith.constant 0 : i32
          %dma_wait3A_266 = arith.constant 0 : i32
          %dma_wait3A_267 = tpu.memref_slice %arg4[%dma_wait3A_265, %dma_wait3A_266] : memref<32768x1024xf32, #tpu.memory_space<hbm>> -> memref<16x1024xf32, #tpu.memory_space<hbm>>
          %dma_wait3A_268 = arith.constant 0 : i32
          %dma_wait3A_269 = arith.constant 0 : i32
          %dma_wait3A_270 = tpu.memref_slice %arg6[%rem3A_236, %dma_wait3A_268, %dma_wait3A_269] : memref<6x16x1024xf32, #tpu.memory_space<vmem>> -> memref<1x16x1024xf32, #tpu.memory_space<vmem>>
          %dma_wait3A_271 = tpu.memref_squeeze %dma_wait3A_270 : memref<1x16x1024xf32, #tpu.memory_space<vmem>> -> memref<16x1024xf32, #tpu.memory_space<vmem>>
          tpu.wait_dma2 semaphore(%dma_wait3A_264 : memref<!tpu.dma_semaphore, #tpu.memory_space<semaphore_mem>>) src(%dma_wait3A_271 : memref<16x1024xf32, #tpu.memory_space<vmem>>) dst(%dma_wait3A_267 : memref<16x1024xf32, #tpu.memory_space<hbm>>)
        } else {
        }
        %mul3A_244 = arith.constant 16 : i32
        %mul3A_245 = arith.muli %add3A_234, %mul3A_244 : i32
        %dma_start3A_246 = arith.constant 0 : i32
        %dma_start3A_247 = arith.constant 0 : i32
        %dma_start3A_248 = tpu.memref_slice %arg6[%rem3A_236, %dma_start3A_246, %dma_start3A_247] : memref<6x16x1024xf32, #tpu.memory_space<vmem>> -> memref<1x16x1024xf32, #tpu.memory_space<vmem>>
        %dma_start3A_249 = tpu.memref_squeeze %dma_start3A_248 : memref<1x16x1024xf32, #tpu.memory_space<vmem>> -> memref<16x1024xf32, #tpu.memory_space<vmem>>
        %dma_start3A_250 = tpu.memref_slice %arg5[%mul3A_245] : memref<1024xi32, #tpu.memory_space<vmem>> -> memref<16xi32, #tpu.memory_space<vmem>>
        %dma_start3A_251 = arith.constant 0 : i32
        %dma_start3A_252 = arith.constant 0 : i32
        %dma_start3A_253 = tpu.memref_slice %arg3[%dma_start3A_251, %dma_start3A_252] : memref<8192x1024xf32, #tpu.memory_space<hbm>> -> memref<8192x1024xf32, #tpu.memory_space<hbm>>
        %dma_start3A_254 = tpu.memref_slice %arg7[%rem3A_236] : memref<6x!tpu.dma_semaphore, #tpu.memory_space<semaphore_mem>> -> memref<1x!tpu.dma_semaphore, #tpu.memory_space<semaphore_mem>>
        %dma_start3A_255 = tpu.memref_squeeze %dma_start3A_254 : memref<1x!tpu.dma_semaphore, #tpu.memory_space<semaphore_mem>> -> memref<!tpu.dma_semaphore, #tpu.memory_space<semaphore_mem>>
        tpu.enqueue_indirect_dma source(%dma_start3A_253 : memref<8192x1024xf32, #tpu.memory_space<hbm>>) target(%dma_start3A_249 : memref<16x1024xf32, #tpu.memory_space<vmem>>) offsets(%dma_start3A_250 : memref<16xi32, #tpu.memory_space<vmem>>) semaphore(%dma_start3A_255 : memref<!tpu.dma_semaphore, #tpu.memory_space<semaphore_mem>>)
      } else {
      }
      %scan3A_239 = arith.constant 0 : i32
      scf.yield %scan3A_239 : i32
    }
    %scan3A_46 = arith.constant 64 : i32
    %dma_wait3A = arith.constant 0 : i32
    %dma_wait3A_47 = arith.constant 0 : i32
    %dma_wait3A_48 = arith.constant 0 : i32
    %dma_wait3A_49 = arith.constant 0 : i32
    %dma_wait3A_50 = tpu.memref_slice %arg6[%dma_wait3A, %dma_wait3A_48, %dma_wait3A_49] : memref<6x16x1024xf32, #tpu.memory_space<vmem>> -> memref<1x16x1024xf32, #tpu.memory_space<vmem>>
    %dma_wait3A_51 = tpu.memref_squeeze %dma_wait3A_50 : memref<1x16x1024xf32, #tpu.memory_space<vmem>> -> memref<16x1024xf32, #tpu.memory_space<vmem>>
    %dma_wait3A_52 = arith.constant 0 : i32
    %dma_wait3A_53 = arith.constant 0 : i32
    %dma_wait3A_54 = tpu.memref_slice %arg4[%dma_wait3A_52, %dma_wait3A_53] : memref<32768x1024xf32, #tpu.memory_space<hbm>> -> memref<16x1024xf32, #tpu.memory_space<hbm>>
    %dma_wait3A_55 = tpu.memref_slice %arg8[%dma_wait3A_47] : memref<6x!tpu.dma_semaphore, #tpu.memory_space<semaphore_mem>> -> memref<1x!tpu.dma_semaphore, #tpu.memory_space<semaphore_mem>>
    %dma_wait3A_56 = tpu.memref_squeeze %dma_wait3A_55 : memref<1x!tpu.dma_semaphore, #tpu.memory_space<semaphore_mem>> -> memref<!tpu.dma_semaphore, #tpu.memory_space<semaphore_mem>>
    %dma_wait3A_57 = arith.constant 0 : i32
    %dma_wait3A_58 = arith.constant 0 : i32
    %dma_wait3A_59 = tpu.memref_slice %arg4[%dma_wait3A_57, %dma_wait3A_58] : memref<32768x1024xf32, #tpu.memory_space<hbm>> -> memref<16x1024xf32, #tpu.memory_space<hbm>>
    %dma_wait3A_60 = arith.constant 0 : i32
    %dma_wait3A_61 = arith.constant 0 : i32
    %dma_wait3A_62 = tpu.memref_slice %arg6[%dma_wait3A, %dma_wait3A_60, %dma_wait3A_61] : memref<6x16x1024xf32, #tpu.memory_space<vmem>> -> memref<1x16x1024xf32, #tpu.memory_space<vmem>>
    %dma_wait3A_63 = tpu.memref_squeeze %dma_wait3A_62 : memref<1x16x1024xf32, #tpu.memory_space<vmem>> -> memref<16x1024xf32, #tpu.memory_space<vmem>>
    tpu.wait_dma2 semaphore(%dma_wait3A_56 : memref<!tpu.dma_semaphore, #tpu.memory_space<semaphore_mem>>) src(%dma_wait3A_63 : memref<16x1024xf32, #tpu.memory_space<vmem>>) dst(%dma_wait3A_59 : memref<16x1024xf32, #tpu.memory_space<hbm>>)
    %dma_wait3A_64 = arith.constant 1 : i32
    %dma_wait3A_65 = arith.constant 1 : i32
    %dma_wait3A_66 = arith.constant 0 : i32
    %dma_wait3A_67 = arith.constant 0 : i32
    %dma_wait3A_68 = tpu.memref_slice %arg6[%dma_wait3A_64, %dma_wait3A_66, %dma_wait3A_67] : memref<6x16x1024xf32, #tpu.memory_space<vmem>> -> memref<1x16x1024xf32, #tpu.memory_space<vmem>>
    %dma_wait3A_69 = tpu.memref_squeeze %dma_wait3A_68 : memref<1x16x1024xf32, #tpu.memory_space<vmem>> -> memref<16x1024xf32, #tpu.memory_space<vmem>>
    %dma_wait3A_70 = arith.constant 0 : i32
    %dma_wait3A_71 = arith.constant 0 : i32
    %dma_wait3A_72 = tpu.memref_slice %arg4[%dma_wait3A_70, %dma_wait3A_71] : memref<32768x1024xf32, #tpu.memory_space<hbm>> -> memref<16x1024xf32, #tpu.memory_space<hbm>>
    %dma_wait3A_73 = tpu.memref_slice %arg8[%dma_wait3A_65] : memref<6x!tpu.dma_semaphore, #tpu.memory_space<semaphore_mem>> -> memref<1x!tpu.dma_semaphore, #tpu.memory_space<semaphore_mem>>
    %dma_wait3A_74 = tpu.memref_squeeze %dma_wait3A_73 : memref<1x!tpu.dma_semaphore, #tpu.memory_space<semaphore_mem>> -> memref<!tpu.dma_semaphore, #tpu.memory_space<semaphore_mem>>
    %dma_wait3A_75 = arith.constant 0 : i32
    %dma_wait3A_76 = arith.constant 0 : i32
    %dma_wait3A_77 = tpu.memref_slice %arg4[%dma_wait3A_75, %dma_wait3A_76] : memref<32768x1024xf32, #tpu.memory_space<hbm>> -> memref<16x1024xf32, #tpu.memory_space<hbm>>
    %dma_wait3A_78 = arith.constant 0 : i32
    %dma_wait3A_79 = arith.constant 0 : i32
    %dma_wait3A_80 = tpu.memref_slice %arg6[%dma_wait3A_64, %dma_wait3A_78, %dma_wait3A_79] : memref<6x16x1024xf32, #tpu.memory_space<vmem>> -> memref<1x16x1024xf32, #tpu.memory_space<vmem>>
    %dma_wait3A_81 = tpu.memref_squeeze %dma_wait3A_80 : memref<1x16x1024xf32, #tpu.memory_space<vmem>> -> memref<16x1024xf32, #tpu.memory_space<vmem>>
    tpu.wait_dma2 semaphore(%dma_wait3A_74 : memref<!tpu.dma_semaphore, #tpu.memory_space<semaphore_mem>>) src(%dma_wait3A_81 : memref<16x1024xf32, #tpu.memory_space<vmem>>) dst(%dma_wait3A_77 : memref<16x1024xf32, #tpu.memory_space<hbm>>)
    %dma_wait3A_82 = arith.constant 2 : i32
    %dma_wait3A_83 = arith.constant 2 : i32
    %dma_wait3A_84 = arith.constant 0 : i32
    %dma_wait3A_85 = arith.constant 0 : i32
    %dma_wait3A_86 = tpu.memref_slice %arg6[%dma_wait3A_82, %dma_wait3A_84, %dma_wait3A_85] : memref<6x16x1024xf32, #tpu.memory_space<vmem>> -> memref<1x16x1024xf32, #tpu.memory_space<vmem>>
    %dma_wait3A_87 = tpu.memref_squeeze %dma_wait3A_86 : memref<1x16x1024xf32, #tpu.memory_space<vmem>> -> memref<16x1024xf32, #tpu.memory_space<vmem>>
    %dma_wait3A_88 = arith.constant 0 : i32
    %dma_wait3A_89 = arith.constant 0 : i32
    %dma_wait3A_90 = tpu.memref_slice %arg4[%dma_wait3A_88, %dma_wait3A_89] : memref<32768x1024xf32, #tpu.memory_space<hbm>> -> memref<16x1024xf32, #tpu.memory_space<hbm>>
    %dma_wait3A_91 = tpu.memref_slice %arg8[%dma_wait3A_83] : memref<6x!tpu.dma_semaphore, #tpu.memory_space<semaphore_mem>> -> memref<1x!tpu.dma_semaphore, #tpu.memory_space<semaphore_mem>>
    %dma_wait3A_92 = tpu.memref_squeeze %dma_wait3A_91 : memref<1x!tpu.dma_semaphore, #tpu.memory_space<semaphore_mem>> -> memref<!tpu.dma_semaphore, #tpu.memory_space<semaphore_mem>>
    %dma_wait3A_93 = arith.constant 0 : i32
    %dma_wait3A_94 = arith.constant 0 : i32
    %dma_wait3A_95 = tpu.memref_slice %arg4[%dma_wait3A_93, %dma_wait3A_94] : memref<32768x1024xf32, #tpu.memory_space<hbm>> -> memref<16x1024xf32, #tpu.memory_space<hbm>>
    %dma_wait3A_96 = arith.constant 0 : i32
    %dma_wait3A_97 = arith.constant 0 : i32
    %dma_wait3A_98 = tpu.memref_slice %arg6[%dma_wait3A_82, %dma_wait3A_96, %dma_wait3A_97] : memref<6x16x1024xf32, #tpu.memory_space<vmem>> -> memref<1x16x1024xf32, #tpu.memory_space<vmem>>
    %dma_wait3A_99 = tpu.memref_squeeze %dma_wait3A_98 : memref<1x16x1024xf32, #tpu.memory_space<vmem>> -> memref<16x1024xf32, #tpu.memory_space<vmem>>
    tpu.wait_dma2 semaphore(%dma_wait3A_92 : memref<!tpu.dma_semaphore, #tpu.memory_space<semaphore_mem>>) src(%dma_wait3A_99 : memref<16x1024xf32, #tpu.memory_space<vmem>>) dst(%dma_wait3A_95 : memref<16x1024xf32, #tpu.memory_space<hbm>>)
    %dma_wait3A_100 = arith.constant 3 : i32
    %dma_wait3A_101 = arith.constant 3 : i32
    %dma_wait3A_102 = arith.constant 0 : i32
    %dma_wait3A_103 = arith.constant 0 : i32
    %dma_wait3A_104 = tpu.memref_slice %arg6[%dma_wait3A_100, %dma_wait3A_102, %dma_wait3A_103] : memref<6x16x1024xf32, #tpu.memory_space<vmem>> -> memref<1x16x1024xf32, #tpu.memory_space<vmem>>
    %dma_wait3A_105 = tpu.memref_squeeze %dma_wait3A_104 : memref<1x16x1024xf32, #tpu.memory_space<vmem>> -> memref<16x1024xf32, #tpu.memory_space<vmem>>
    %dma_wait3A_106 = arith.constant 0 : i32
    %dma_wait3A_107 = arith.constant 0 : i32
    %dma_wait3A_108 = tpu.memref_slice %arg4[%dma_wait3A_106, %dma_wait3A_107] : memref<32768x1024xf32, #tpu.memory_space<hbm>> -> memref<16x1024xf32, #tpu.memory_space<hbm>>
    %dma_wait3A_109 = tpu.memref_slice %arg8[%dma_wait3A_101] : memref<6x!tpu.dma_semaphore, #tpu.memory_space<semaphore_mem>> -> memref<1x!tpu.dma_semaphore, #tpu.memory_space<semaphore_mem>>
    %dma_wait3A_110 = tpu.memref_squeeze %dma_wait3A_109 : memref<1x!tpu.dma_semaphore, #tpu.memory_space<semaphore_mem>> -> memref<!tpu.dma_semaphore, #tpu.memory_space<semaphore_mem>>
    %dma_wait3A_111 = arith.constant 0 : i32
    %dma_wait3A_112 = arith.constant 0 : i32
    %dma_wait3A_113 = tpu.memref_slice %arg4[%dma_wait3A_111, %dma_wait3A_112] : memref<32768x1024xf32, #tpu.memory_space<hbm>> -> memref<16x1024xf32, #tpu.memory_space<hbm>>
    %dma_wait3A_114 = arith.constant 0 : i32
    %dma_wait3A_115 = arith.constant 0 : i32
    %dma_wait3A_116 = tpu.memref_slice %arg6[%dma_wait3A_100, %dma_wait3A_114, %dma_wait3A_115] : memref<6x16x1024xf32, #tpu.memory_space<vmem>> -> memref<1x16x1024xf32, #tpu.memory_space<vmem>>
    %dma_wait3A_117 = tpu.memref_squeeze %dma_wait3A_116 : memref<1x16x1024xf32, #tpu.memory_space<vmem>> -> memref<16x1024xf32, #tpu.memory_space<vmem>>
    tpu.wait_dma2 semaphore(%dma_wait3A_110 : memref<!tpu.dma_semaphore, #tpu.memory_space<semaphore_mem>>) src(%dma_wait3A_117 : memref<16x1024xf32, #tpu.memory_space<vmem>>) dst(%dma_wait3A_113 : memref<16x1024xf32, #tpu.memory_space<hbm>>)
    %dma_wait3A_118 = arith.constant 4 : i32
    %dma_wait3A_119 = arith.constant 4 : i32
    %dma_wait3A_120 = arith.constant 0 : i32
    %dma_wait3A_121 = arith.constant 0 : i32
    %dma_wait3A_122 = tpu.memref_slice %arg6[%dma_wait3A_118, %dma_wait3A_120, %dma_wait3A_121] : memref<6x16x1024xf32, #tpu.memory_space<vmem>> -> memref<1x16x1024xf32, #tpu.memory_space<vmem>>
    %dma_wait3A_123 = tpu.memref_squeeze %dma_wait3A_122 : memref<1x16x1024xf32, #tpu.memory_space<vmem>> -> memref<16x1024xf32, #tpu.memory_space<vmem>>
    %dma_wait3A_124 = arith.constant 0 : i32
    %dma_wait3A_125 = arith.constant 0 : i32
    %dma_wait3A_126 = tpu.memref_slice %arg4[%dma_wait3A_124, %dma_wait3A_125] : memref<32768x1024xf32, #tpu.memory_space<hbm>> -> memref<16x1024xf32, #tpu.memory_space<hbm>>
    %dma_wait3A_127 = tpu.memref_slice %arg8[%dma_wait3A_119] : memref<6x!tpu.dma_semaphore, #tpu.memory_space<semaphore_mem>> -> memref<1x!tpu.dma_semaphore, #tpu.memory_space<semaphore_mem>>
    %dma_wait3A_128 = tpu.memref_squeeze %dma_wait3A_127 : memref<1x!tpu.dma_semaphore, #tpu.memory_space<semaphore_mem>> -> memref<!tpu.dma_semaphore, #tpu.memory_space<semaphore_mem>>
    %dma_wait3A_129 = arith.constant 0 : i32
    %dma_wait3A_130 = arith.constant 0 : i32
    %dma_wait3A_131 = tpu.memref_slice %arg4[%dma_wait3A_129, %dma_wait3A_130] : memref<32768x1024xf32, #tpu.memory_space<hbm>> -> memref<16x1024xf32, #tpu.memory_space<hbm>>
    %dma_wait3A_132 = arith.constant 0 : i32
    %dma_wait3A_133 = arith.constant 0 : i32
    %dma_wait3A_134 = tpu.memref_slice %arg6[%dma_wait3A_118, %dma_wait3A_132, %dma_wait3A_133] : memref<6x16x1024xf32, #tpu.memory_space<vmem>> -> memref<1x16x1024xf32, #tpu.memory_space<vmem>>
    %dma_wait3A_135 = tpu.memref_squeeze %dma_wait3A_134 : memref<1x16x1024xf32, #tpu.memory_space<vmem>> -> memref<16x1024xf32, #tpu.memory_space<vmem>>
    tpu.wait_dma2 semaphore(%dma_wait3A_128 : memref<!tpu.dma_semaphore, #tpu.memory_space<semaphore_mem>>) src(%dma_wait3A_135 : memref<16x1024xf32, #tpu.memory_space<vmem>>) dst(%dma_wait3A_131 : memref<16x1024xf32, #tpu.memory_space<hbm>>)
    %dma_wait3A_136 = arith.constant 5 : i32
    %dma_wait3A_137 = arith.constant 5 : i32
    %dma_wait3A_138 = arith.constant 0 : i32
    %dma_wait3A_139 = arith.constant 0 : i32
    %dma_wait3A_140 = tpu.memref_slice %arg6[%dma_wait3A_136, %dma_wait3A_138, %dma_wait3A_139] : memref<6x16x1024xf32, #tpu.memory_space<vmem>> -> memref<1x16x1024xf32, #tpu.memory_space<vmem>>
    %dma_wait3A_141 = tpu.memref_squeeze %dma_wait3A_140 : memref<1x16x1024xf32, #tpu.memory_space<vmem>> -> memref<16x1024xf32, #tpu.memory_space<vmem>>
    %dma_wait3A_142 = arith.constant 0 : i32
    %dma_wait3A_143 = arith.constant 0 : i32
    %dma_wait3A_144 = tpu.memref_slice %arg4[%dma_wait3A_142, %dma_wait3A_143] : memref<32768x1024xf32, #tpu.memory_space<hbm>> -> memref<16x1024xf32, #tpu.memory_space<hbm>>
    %dma_wait3A_145 = tpu.memref_slice %arg8[%dma_wait3A_137] : memref<6x!tpu.dma_semaphore, #tpu.memory_space<semaphore_mem>> -> memref<1x!tpu.dma_semaphore, #tpu.memory_space<semaphore_mem>>
    %dma_wait3A_146 = tpu.memref_squeeze %dma_wait3A_145 : memref<1x!tpu.dma_semaphore, #tpu.memory_space<semaphore_mem>> -> memref<!tpu.dma_semaphore, #tpu.memory_space<semaphore_mem>>
    %dma_wait3A_147 = arith.constant 0 : i32
    %dma_wait3A_148 = arith.constant 0 : i32
    %dma_wait3A_149 = tpu.memref_slice %arg4[%dma_wait3A_147, %dma_wait3A_148] : memref<32768x1024xf32, #tpu.memory_space<hbm>> -> memref<16x1024xf32, #tpu.memory_space<hbm>>
    %dma_wait3A_150 = arith.constant 0 : i32
    %dma_wait3A_151 = arith.constant 0 : i32
    %dma_wait3A_152 = tpu.memref_slice %arg6[%dma_wait3A_136, %dma_wait3A_150, %dma_wait3A_151] : memref<6x16x1024xf32, #tpu.memory_space<vmem>> -> memref<1x16x1024xf32, #tpu.memory_space<vmem>>
    %dma_wait3A_153 = tpu.memref_squeeze %dma_wait3A_152 : memref<1x16x1024xf32, #tpu.memory_space<vmem>> -> memref<16x1024xf32, #tpu.memory_space<vmem>>
    tpu.wait_dma2 semaphore(%dma_wait3A_146 : memref<!tpu.dma_semaphore, #tpu.memory_space<semaphore_mem>>) src(%dma_wait3A_153 : memref<16x1024xf32, #tpu.memory_space<vmem>>) dst(%dma_wait3A_149 : memref<16x1024xf32, #tpu.memory_space<hbm>>)
    return
  }
}

</mosaic_0001>

<sc_bundles>
// kernel: kernel.3.cloned.1.call-start
scs
__scs_entry_jumppad:
0x0: {  	(pc) =	sbr.rel $0x88, $3  }
0x1: {  	(tag) =	ssettag $0x0;
	lr =	simm.s32 $0x1  }
0x2: {  	[smem:$0x3F9F] =	sst lr;
	_ =	strace $0xD0000000  }
0x3: {  	_ = 	snop  }
0x4: {  	_ = 	snop  }
0x5: {  	_ = 	snop  }
0x6: {  	_ = 	snop  }
0x7: {  	_ = 	snop  }
__scs_overlays_trampoline_lowered:
0x8: {  	[smem:$0x3FAE] =	sst s0  }
0x9: {  	[smem:$0x3FAF] =	sst s1  }
0xa: {  	[smem:$0x3FB0] =	sst s2  }
0xb: {  	[smem:$0x3FB1] =	sst s3  }
0xc: {  	[smem:$0x3FB2] =	sst s4  }
0xd: {  	[smem:$0x3FB3] =	sst s5  }
0xe: {  	[smem:$0x3FB4] =	sst s6  }
0xf: {  	[smem:$0x3FB5] =	sst s7  }
0x10: {  	[smem:$0x3FB6] =	sst s8  }
0x11: {  	[smem:$0x3FB7] =	sst s9;
	s0 =	simm.s32 @!p0 $0x0  }
0x12: {  	s1 =	sld [smem:$0x3F9D];
	s0 =	simm.s32 @p0 $0x1  }
0x13: {  	[smem:$0x3FB8] =	sst s0;
	s0 =	simm.s32 @!p1 $0x0  }
0x14: {  	s2 =	sld [smem:$0x3F9C];
	s0 =	simm.s32 @p1 $0x1  }
0x15: {  	[smem:$0x3FB9] =	sst s0;
	s0 =	simm.s32 @!p2 $0x0  }
0x16: {  	s3 =	sld [smem:$0x3FDB];
	s0 =	simm.s32 @p2 $0x1  }
0x17: {  	s4 =	simm.s32 $0x1BF5;
	[smem:$0x3FBB] =	sst s0  }
0x18: {  	s0 =	sld [smem:$0x3F9E];
	_ =	swait.ge [sflag:s4], $0x0  }
0x19: {  	s7 =	sld [smem:$0x3F9F]  }
0x1a: {  	s8 =	sadd.s32 $0xFFFFE003, lr  }
0x1b: {  	s9 =	sadd.s32 $0xFFFFFEF7, lr;
	s5 =	simm.s32 $0xFFFFFFFF;
	p2 =	slt.u32 s8, $0xFFFFF086  }
0x1c: {  	p1 =	slt.u32 s9, $0xF7A;
	s5 =	simm.s32 @!p2 $0x0  }
0x1d: {  	s5 =	simm.s32 @p1 $0x1;
	p0 =	seq.s32 s7, s2  }
0x1e: {  	s7 =	smul.u32 @!p0 $0xF7A, s2;
	p2 =	seq.s32 @!p0 s5, $0x0  }
0x1f: {  	s9 =	smul.u32 $0xF7A, s1;
	s8 =	simm.s32 @!p0 $0x1BF5;
	p2 =	por !p2, p0  }
0x20: {  	[sflag:s8] =	ssyncset.s32 @!p0 $0xFFFFF086;
	s6 =	sadd.s32 @!p0 s3, s7;
	s7 =	simm.s32 @!p0 $0x108  }
0x21: {  	s3 =	sadd.s32 s3, s9;
	s6 =	sadd.s32 @!p0 $0x88, s6;
	s7 =	simm.s32 @p2 $0x1082  }
0x22: {  	[simem:s7], [sflag:s8] =	dma.local @!p0 [hbm:s6], $0xF7A  }
0x23: {  	s9 =	sor.u32 $0xD0000000, s2;
	s6 =	simm.s32 $0x108;
	_ =	swait.ge @!p0 [sflag:s8], $0x0  }
0x24: {  	s3 =	sadd.s32 $0x88, s3;
	s6 =	simm.s32 @!p1 $0x1082;
	[sflag:s4] =	ssyncset.s32 $0xFFFFF086  }
0x25: {  	[simem:s6], [sflag:s4] =	dma.local [hbm:s3], $0xF7A  }
0x26: {  	[smem:$0x3F9F] =	sst s1;
	(tag) =	ssettag s2;
	_ =	strace s9  }
0x27: {  	s1 =	sld [smem:$0x3FAF]  }
0x28: {  	s2 =	sld [smem:$0x3FB0]  }
0x29: {  	s4 =	sld [smem:$0x3FB2]  }
0x2a: {  	p0 =	seq.s32 s5, $0x0;
	s5 =	sld [smem:$0x3FB3]  }
0x2b: {  	s6 =	sld [smem:$0x3FB4]  }
0x2c: {  	s7 =	sld [smem:$0x3FB5]  }
0x2d: {  	s3 =	simm.s32 $0x108;
	s8 =	sld [smem:$0x3FB6]  }
0x2e: {  	s3 =	simm.s32 @!p0 $0x1082;
	s9 =	sld [smem:$0x3FB7]  }
0x2f: {  	lr =	sadd.s32 s0, s3;
	s0 =	sld [smem:$0x3FAE]  }
0x30: {  	s3 =	sld [smem:$0x3FB1]  }
0x31: {  	[smem:$0x3FBA] =	sst s10  }
0x32: {  	s10 =	sld [smem:$0x3FB8];
	_ =	sdelay $0x3  }
0x33: {  	p0 =	seq.s32 s10, $0x1;
	s10 =	sld [smem:$0x3FBA];
	_ =	sdelay $0x3  }
0x34: {  	[smem:$0x3FBA] =	sst s10  }
0x35: {  	s10 =	sld [smem:$0x3FB9];
	_ =	sdelay $0x3  }
0x36: {  	p1 =	seq.s32 s10, $0x1;
	s10 =	sld [smem:$0x3FBA];
	_ =	sdelay $0x3  }
0x37: {  	[smem:$0x3FBA] =	sst s10  }
0x38: {  	s10 =	sld [smem:$0x3FBB]  }
0x39: {  	_ = 	snop;
	(pc) =	sbr.ind lr, $3  }
0x3a: {  	_ = 	snop  }
0x3b: {  	_ = 	snop  }
0x3c: {  	p2 =	seq.s32 s10, $0x1;
	s10 =	sld [smem:$0x3FBA]  }
0x3d: {  	_ =	shalt  }
0x3e: {  	_ =	shalt  }
0x3f: {  	_ =	shalt  }
0x40: {  	_ =	shalt  }
0x41: {  	_ =	shalt  }
0x42: {  	_ =	shalt  }
0x43: {  	_ =	shalt  }
0x44: {  	_ =	shalt  }
0x45: {  	_ =	shalt  }
0x46: {  	_ =	shalt  }
0x47: {  	_ =	shalt  }
0x48: {  	_ =	shalt  }
0x49: {  	_ =	shalt  }
0x4a: {  	_ =	shalt  }
0x4b: {  	_ =	shalt  }
0x4c: {  	_ =	shalt  }
0x4d: {  	_ =	shalt  }
0x4e: {  	_ =	shalt  }
0x4f: {  	_ =	shalt  }
0x50: {  	_ =	shalt  }
0x51: {  	_ =	shalt  }
0x52: {  	_ =	shalt  }
0x53: {  	_ =	shalt  }
0x54: {  	_ =	shalt  }
0x55: {  	_ =	shalt  }
0x56: {  	_ =	shalt  }
0x57: {  	_ =	shalt  }
0x58: {  	_ =	shalt  }
0x59: {  	_ =	shalt  }
0x5a: {  	_ =	shalt  }
0x5b: {  	_ =	shalt  }
0x5c: {  	_ =	shalt  }
0x5d: {  	_ =	shalt  }
0x5e: {  	_ =	shalt  }
0x5f: {  	_ =	shalt  }
0x60: {  	_ =	shalt  }
0x61: {  	_ =	shalt  }
0x62: {  	_ =	shalt  }
0x63: {  	_ =	shalt  }
0x64: {  	_ =	shalt  }
0x65: {  	_ =	shalt  }
0x66: {  	_ =	shalt  }
0x67: {  	_ =	shalt  }
0x68: {  	_ =	shalt  }
0x69: {  	_ =	shalt  }
0x6a: {  	_ =	shalt  }
0x6b: {  	_ =	shalt  }
0x6c: {  	_ =	shalt  }
0x6d: {  	_ =	shalt  }
0x6e: {  	_ =	shalt  }
0x6f: {  	_ =	shalt  }
0x70: {  	_ =	shalt  }
0x71: {  	_ =	shalt  }
0x72: {  	_ =	shalt  }
0x73: {  	_ =	shalt  }
0x74: {  	_ =	shalt  }
0x75: {  	_ =	shalt  }
0x76: {  	_ =	shalt  }
0x77: {  	_ =	shalt  }
0x78: {  	_ =	shalt  }
0x79: {  	_ =	shalt  }
0x7a: {  	_ =	shalt  }
0x7b: {  	_ =	shalt  }
0x7c: {  	_ =	shalt  }
0x7d: {  	_ =	shalt  }
0x7e: {  	_ =	shalt  }
0x7f: {  	_ =	shalt  }
0x80: {  	_ =	shalt  }
0x81: {  	_ =	shalt  }
0x82: {  	_ =	shalt  }
0x83: {  	_ =	shalt  }
0x84: {  	_ =	shalt  }
0x85: {  	_ =	shalt  }
0x86: {  	_ =	shalt  }
0x87: {  	_ =	shalt  }
.Lfunc_end0:
.L_simem_size_0:
called_computation_lowered:
.L_overlay_start_0:
0x88: {  	s2 =	sld [smem:$0x3FD9]  }
0x89: {  	s3 =	sld [smem:$0x3FFE];
	_ =	sdelay $0x1  }
0x8a: {  	s1 =	srdreg.scid  }
0x8b: {  	s0 =	sand.u32 $0x1, s1  }
0x8c: {  	s17 =	sshll.u32 s0, $0xA;
	s2 =	sadd.s32 s3, s2  }
0x8d: {  	s2 =	sadd.s32 s2, s17  }
0x8e: {  	[smem:$0x3FC6] =	sst s2  }
0x8f: {  	_ = 	snop  }
0x90: {  	s2 =	sld [smem:$0x3FC8]  }
0x91: {  	s18 =	sld [smem:$0x3FD0];
	(tm) =	ssettm $0x1  }
0x92: {  	s4 =	sld [smem:$0x3FFB];
	_ =	sdelay $0x3  }
0x93: {  	_ =	strace s4  }
0x94: {  	s4 =	sld [smem:$0x3FFC];
	_ =	sdelay $0x3  }
0x95: {  	_ =	strace s4  }
0x96: {  	s4 =	sld [smem:$0x3FFD];
	_ =	sdelay $0x3  }
0x97: {  	_ =	strace s4  }
0x98: {  	_ =	strace $0x8FFFFFFF  }
0x99: {  	s19 =	sld [smem:$0x3FDB];
	_ =	sdelay $0x1  }
0x9a: {  	s5 =	simm.s32 $_scs_section_size  }
0x9b: {  	s6 =	simm.s32 $_size__tile_overlayer_lowered;
	s7 =	simm.s32 $_tile_overlayer_lowered  }
0x9c: {  	s22 =	simm.s32 $0x1BFF;
	s21 =	sshll.u32 s7, $0x1;
	s4 =	sadd.s32 s5, s19  }
0x9d: {  	s8 =	simm.s32 $0x0;
	s20 =	sshll.u32 s6, $0x1;
	s6 =	sadd.s32 s21, s4  }
0x9e: {  	[timem:s8], [sflag:s22] =	dma.local [hbm:s6], s20  }
0x9f: {  	_ =	swait.ge [sflag:s22], s20  }
0xa0: {  	s5 =	ssub.s32 $0x0, s20;
	[sflag:s22] =	ssyncset.done $0x0  }
0xa1: {  	[sflag:s22] =	ssyncadd.s32 s5;
	_ =	sdelay $0x1  }
0xa2: {  	s23 =	simm.s32 $0x1B8B  }
0xa3: {  	_ =	swait.ge [sflag:s23], $0x1  }
0xa4: {  	[sflag:s23] =	ssyncset.done $0x0  }
0xa5: {  	s25 =	simm.s32 $0x1B8E;
	s24 =	sld [smem:$0x3FFE];
	[sflag:s23] =	ssyncadd.s32 $0xFFFFFFFF  }
0xa6: {  	s26 =	simm.s32 $execute0_lowered;
	[smem:$0x3FD2] =	sst s25  }
0xa7: {  	s6 =	sshll.u32 s26, $0x1;
	_ =	strace $0x80000046;
	[dreg:$0x1] =	wrdreg $0xFFFFFFFF  }
0xa8: {  	s28 =	simm.s32 $_size_execute0_lowered;
	s4 =	sadd.s32 s4, s6;
	[dreg:$0x0] =	wrdreg $0x0  }
0xa9: {  	s6 =	sshll.u32 s28, $0x1;
	[dreg:$0x2] =	wrdreg s4  }
0xaa: {  	[dreg:$0x3] =	wrdreg s6  }
0xab: {  	[dreg:$0x4] =	wrdreg $0xC0  }
0xac: {  	_ =	task [dreg:s8], $0x5FFFF  }
0xad: {  	[dreg:$0x1] =	wrdreg $0xFFFFFFFF  }
0xae: {  	[dreg:$0x0] =	wrdreg $0x60  }
0xaf: {  	[dreg:$0x2] =	wrdreg s24  }
0xb0: {  	[dreg:$0x3] =	wrdreg s2  }
0xb1: {  	[dreg:$0x4] =	wrdreg s18  }
0xb2: {  	[dreg:$0x5] =	wrdreg $0x9  }
0xb3: {  	_ =	task.clear_ibuf [dreg:s8], $0x6FFFF;
	_ =	strace $0x90000046  }
0xb4: {  	s29 =	simm.s32 $0x9;
	_ =	strace $0x80000048  }
0xb5: {  	_ =	swait.ge [sflag:s29], $0x1  }
0xb6: {  	[sflag:s29] =	ssyncadd.s32 $0xFFFFFFFF  }
0xb7: {  	_ =	strace $0x90000048  }
0xb8: {  	_ =	sfence  }
0xb9: {  	s30 =	sld [smem:$0x0];
	_ =	sdelay $0x2  }
0xba: {  	s31 =	sshll.u32 s1, $0xD;
	s1 =	sshrl.u32 s1, $0x2  }
0xbb: {  	s3 =	sand.u32 $0x4000, s31;
	s1 =	sadd.s32 s1, s30  }
0xbc: {  	s0 =	sor.u32 s3, s0;
	s1 =	sshll.u32 s1, $0x11  }
0xbd: {  	s0 =	sor.u32 s1, s0  }
0xbe: {  	s0 =	sadd.s32 $0x8F2B, s0  }
0xbf: {  	[sflag:s0] =	ssyncadd.remote.s32 $0x1  }
0xc0: {  	_ =	sfence.sel $0xFFFF  }
0xc1: {  	[dreg:$0x0] =	wrdreg $0xFFFFFFFF;
	(pc) =	sbr.abs _section_cstart, $3  }
0xc2: {  	[dreg:$0x1] =	wrdreg $0xFFFFFFFF  }
0xc3: {  	_ =	task.clear_ibuf [dreg:s8], $0x2FFFF;
	_ =	strace $0x9FFFFFFF  }
0xc4: {  	(tm) =	ssettm $0x7FFFFFFF  }
0xc5: {  	_ =	shalt  }
tec
execute0_lowered:
.L_overlay_start_1:
0x0: {  	(tag) =	ssettag $0x1  }
0x1: {  	s0 =	rddreg [dreg:$0x0]  }
0x2: {  	s2 =	rddreg [dreg:$0x1];
	s1 =	srdreg.scid;
	v0 =	vimm.s32 $0xFEDCBA98;
	v1 =	vimm.s32 $0x76543210  }
0x3: {  	s9 =	rddreg [dreg:$0x2];
	s3 =	stileid.u32;
	v2 =	vimm.s32 $0xBA98FEDC;
	v3 =	vimm.s32 $0x32107654;
	v0 =	vunpack.c.l.s4.s8 v0  }
0x4: {  	v5 =	vimm.s32 $0x54761032;
	v6 =	vimm.s32 $0xEFCDAB89;
	s10 =	simm.s32 $0xBC00;
	s11 =	simm.s32 $0x7;
	s12 =	simm.s32 $0x8;
	v1 =	vunpack.c.l.s4.s8 v1  }
0x5: {  	v7 =	vimm.s32 $0x67452301;
	vm0 =	vmmov $0xffff;
	s13 =	simm.s32 $0x9;
	s14 =	simm.s32 $0xA;
	s15 =	simm.s32 $0xB;
	v0 =	vunpack.c.0.s8.s32 v0  }
0x6: {  	s16 =	simm.s32 $0xC;
	s17 =	simm.s32 $0x0;
	s1 =	sand.u32 $0x1, s1;
	v2 =	vunpack.c.l.s4.s8 v2;
	v3 =	vunpack.c.l.s4.s8 v3;
	v1 =	vunpack.c.0.s8.s32 v1  }
0x7: {  	s4 =	sshll.u32 s3, $0xB;
	s3 =	simm.s32 $0x0;
	s6 =	sadd.s32 $0x200, s2;
	v5 =	vunpack.c.l.s4.s8 v5;
	v6 =	vunpack.c.l.s4.s8 v6;
	v4 =	vand.u32 $0xF, v0  }
0x8: {  	s7 =	sadd.s32 $0x300, s2;
	v7 =	vunpack.c.l.s4.s8 v7;
	s5 =	sshll.u32 s1, $0xA;
	s1 =	ssub.s32 $0x2, s1;
	v1 =	vcombine.low v4, v1;
	v4 =	vimm.s32 $0xDCFE98BA  }
0x9: {  	[smem:$0x7FF] =	sst s3;
	s8 =	sor.u32 s5, s4;
	s30 =	sshrl.u32 s1, $0x1;
	v2 =	vunpack.c.0.s8.s32 v2;
	v3 =	vunpack.c.0.s8.s32 v3;
	v4 =	vunpack.c.l.s4.s8 v4  }
0xa: {  	_ =	strace $0x80000047;
	s5 =	sadd.s32 $0x100, s2;
	v5 =	vunpack.c.0.s8.s32 v5;
	v10 =	vunpack.c.0.s8.s32 v6;
	v7 =	vunpack.c.0.s8.s32 v7;
	s4 =	sshrl.u32 s8, $0x3  }
0xb: {  	s1 =	ssub.s32 s1, s30;
	s31 =	sshll.u32 s8, $0x7;
	s8 =	simm.s32 $0xD;
	v0 =	vlaneseq.u32;
	v2 =	vcombine.low v3, v2;
	v9 =	vunpack.c.0.s8.s32 v4  }
0xc: {  	s0 =	sadd.s32 s4, s0;
	s21 =	sadd.s32 s9, s31;
	s24 =	smax.u32 s1, $0x1;
	v7 =	vcombine.low v7, v10;
	v8 =	vshrl.u32 v0, $0x3;
	v3 =	vand.u32 $0x7, v0  }
0xd: {  	s1 =	simm.s32 $0xAC00;
	s9 =	simm.s32 $0xB400;
	s4 =	sadd.s32 $0x400, s0;
	v6 =	vor.u32 $0x8, v0;
	v4 =	vmul.u32 $0x8, v8;
	v5 =	vcombine.low v5, v9  }
.LBB2_1:
0xe: {  	[tilespmem:s3], [sflag:$0xD] =	stream.linear.gather [hbm4b:s4+s3], $0x400, $0x38;
	[tilespmem:$0x18400] =	vst v63  }
0xf: {  	_ =	swait.ge [sflag:s8], $0x400  }
0x10: {  	[sflag:s8] =	ssyncset.done $0x0  }
0x11: {  	[sflag:s8] =	ssyncadd.s32 $0xFFFFFC00  }
0x12: {  	v8 =	vld [tilespmem:$0x0];
	_ =	sdelay $0x4  }
0x13: {  	v9 =	vshll.u32 v8, $0x3  }
0x14: {  	v8 =	vand.u32 $0x7, v8;
	v9 =	vand.u32 $0xFFFFFFC0, v9  }
0x15: {  	v8 =	vor.u32 v8, v9  }
0x16: {  	v9 =	vperm.xlane v8, v3;
	_ =	sdelay $0x1  }
0x17: {  	v9 =	vadd.s32 v4, v9;
	_ =	sdelay $0x3  }
0x18: {  	s0 =	simm.s32 $0x400  }
0x19: {  	[tilespmem:s0], [sflag:$0x1] =	stream.indirect_vreg.gather [hbm4b:s2+s3], $0x80, v9, vm0, $0xb8;
	[tilespmem:$0x18400] =	vst v63  }
0x1a: {  	s20 =	simm.s32 $0xC00;
	v8 =	vperm.xlane v8, v6  }
0x1b: {  	[tilespmem:s20], [sflag:$0x1] =	stream.indirect_vreg.gather [hbm4b:s5+s3], $0x80, v9, vm0, $0xb8;
	[tilespmem:$0x18400] =	vst v63  }
0x1c: {  	s22 =	simm.s32 $0x1400;
	v8 =	vadd.s32 v4, v8  }
0x1d: {  	[tilespmem:s22], [sflag:$0x1] =	stream.indirect_vreg.gather [hbm4b:s6+s3], $0x80, v9, vm0, $0xb8;
	[tilespmem:$0x18400] =	vst v63  }
0x1e: {  	s23 =	simm.s32 $0x1C00  }
0x1f: {  	[tilespmem:s23], [sflag:$0x1] =	stream.indirect_vreg.gather [hbm4b:s7+s3], $0x80, v9, vm0, $0xb8;
	[tilespmem:$0x18400] =	vst v63  }
0x20: {  	s25 =	simm.s32 $0x2400  }
0x21: {  	[tilespmem:s25], [sflag:$0x1] =	stream.indirect_vreg.gather [hbm4b:s2+s3], $0x80, v8, vm0, $0xb8;
	[tilespmem:$0x18400] =	vst v63  }
0x22: {  	s26 =	simm.s32 $0x2C00  }
0x23: {  	[tilespmem:s26], [sflag:$0x1] =	stream.indirect_vreg.gather [hbm4b:s5+s3], $0x80, v8, vm0, $0xb8;
	[tilespmem:$0x18400] =	vst v63  }
0x24: {  	s28 =	simm.s32 $0x3400  }
0x25: {  	[tilespmem:s28], [sflag:$0x1] =	stream.indirect_vreg.gather [hbm4b:s6+s3], $0x80, v8, vm0, $0xb8;
	[tilespmem:$0x18400] =	vst v63  }
0x26: {  	s29 =	simm.s32 $0x3C00  }
0x27: {  	[tilespmem:s29], [sflag:$0x1] =	stream.indirect_vreg.gather [hbm4b:s7+s3], $0x80, v8, vm0, $0xb8;
	[tilespmem:$0x18400] =	vst v63  }
0x28: {  	v8 =	vld [tilespmem:$0x10];
	_ =	sdelay $0x4  }
0x29: {  	v62 =	vshll.u32 v8, $0x3  }
0x2a: {  	v8 =	vand.u32 $0x7, v8;
	v9 =	vand.u32 $0xFFFFFFC0, v62  }
0x2b: {  	v8 =	vor.u32 v8, v9  }
0x2c: {  	v9 =	vperm.xlane v8, v3;
	_ =	sdelay $0x1  }
0x2d: {  	v9 =	vadd.s32 v4, v9;
	_ =	sdelay $0x3  }
0x2e: {  	s30 =	simm.s32 $0x4400  }
0x2f: {  	[tilespmem:s30], [sflag:$0x2] =	stream.indirect_vreg.gather [hbm4b:s2+s3], $0x80, v9, vm0, $0xb8;
	[tilespmem:$0x18400] =	vst v63  }
0x30: {  	s31 =	simm.s32 $0x4C00;
	v8 =	vperm.xlane v8, v6  }
0x31: {  	[tilespmem:s31], [sflag:$0x2] =	stream.indirect_vreg.gather [hbm4b:s5+s3], $0x80, v9, vm0, $0xb8;
	[tilespmem:$0x18400] =	vst v63  }
0x32: {  	s18 =	simm.s32 $0x5400;
	v8 =	vadd.s32 v4, v8  }
0x33: {  	[tilespmem:s18], [sflag:$0x2] =	stream.indirect_vreg.gather [hbm4b:s6+s3], $0x80, v9, vm0, $0xb8;
	[tilespmem:$0x18400] =	vst v63  }
0x34: {  	s19 =	simm.s32 $0x5C00  }
0x35: {  	[tilespmem:s19], [sflag:$0x2] =	stream.indirect_vreg.gather [hbm4b:s7+s3], $0x80, v9, vm0, $0xb8;
	[tilespmem:$0x18400] =	vst v63  }
0x36: {  	s20 =	simm.s32 $0x6400  }
0x37: {  	[tilespmem:s20], [sflag:$0x2] =	stream.indirect_vreg.gather [hbm4b:s2+s3], $0x80, v8, vm0, $0xb8;
	[tilespmem:$0x18400] =	vst v63  }
0x38: {  	s22 =	simm.s32 $0x6C00  }
0x39: {  	[tilespmem:s22], [sflag:$0x2] =	stream.indirect_vreg.gather [hbm4b:s5+s3], $0x80, v8, vm0, $0xb8;
	[tilespmem:$0x18400] =	vst v63  }
0x3a: {  	s23 =	simm.s32 $0x7400  }
0x3b: {  	[tilespmem:s23], [sflag:$0x2] =	stream.indirect_vreg.gather [hbm4b:s6+s3], $0x80, v8, vm0, $0xb8;
	[tilespmem:$0x18400] =	vst v63  }
0x3c: {  	s25 =	simm.s32 $0x7C00  }
0x3d: {  	[tilespmem:s25], [sflag:$0x2] =	stream.indirect_vreg.gather [hbm4b:s7+s3], $0x80, v8, vm0, $0xb8;
	[tilespmem:$0x18400] =	vst v63  }
0x3e: {  	v8 =	vld [tilespmem:$0x20];
	_ =	sdelay $0x4  }
0x3f: {  	v63 =	vshll.u32 v8, $0x3  }
0x40: {  	v8 =	vand.u32 $0x7, v8;
	v9 =	vand.u32 $0xFFFFFFC0, v63  }
0x41: {  	v8 =	vor.u32 v8, v9  }
0x42: {  	v9 =	vperm.xlane v8, v3;
	_ =	sdelay $0x1  }
0x43: {  	v9 =	vadd.s32 v4, v9;
	_ =	sdelay $0x3  }
0x44: {  	s26 =	simm.s32 $0x8400  }
0x45: {  	[tilespmem:s26], [sflag:$0x3] =	stream.indirect_vreg.gather [hbm4b:s2+s3], $0x80, v9, vm0, $0xb8;
	[tilespmem:$0x18400] =	vst v63  }
0x46: {  	s28 =	simm.s32 $0x8C00;
	v8 =	vperm.xlane v8, v6  }
0x47: {  	[tilespmem:s28], [sflag:$0x3] =	stream.indirect_vreg.gather [hbm4b:s5+s3], $0x80, v9, vm0, $0xb8;
	[tilespmem:$0x18400] =	vst v63  }
0x48: {  	s29 =	simm.s32 $0x9400;
	v8 =	vadd.s32 v4, v8  }
0x49: {  	[tilespmem:s29], [sflag:$0x3] =	stream.indirect_vreg.gather [hbm4b:s6+s3], $0x80, v9, vm0, $0xb8;
	[tilespmem:$0x18400] =	vst v63  }
0x4a: {  	s30 =	simm.s32 $0x9C00  }
0x4b: {  	[tilespmem:s30], [sflag:$0x3] =	stream.indirect_vreg.gather [hbm4b:s7+s3], $0x80, v9, vm0, $0xb8;
	[tilespmem:$0x18400] =	vst v63  }
0x4c: {  	s31 =	simm.s32 $0xA400  }
0x4d: {  	[tilespmem:s31], [sflag:$0x3] =	stream.indirect_vreg.gather [hbm4b:s2+s3], $0x80, v8, vm0, $0xb8;
	[tilespmem:$0x18400] =	vst v63  }
0x4e: {  	_ = 	snop  }
0x4f: {  	[tilespmem:s1], [sflag:$0x3] =	stream.indirect_vreg.gather [hbm4b:s5+s3], $0x80, v8, vm0, $0xb8;
	[tilespmem:$0x18400] =	vst v63  }
0x50: {  	_ = 	snop  }
0x51: {  	[tilespmem:s9], [sflag:$0x3] =	stream.indirect_vreg.gather [hbm4b:s6+s3], $0x80, v8, vm0, $0xb8;
	[tilespmem:$0x18400] =	vst v63  }
0x52: {  	s18 =	simm.s32 $0x0  }
0x53: {  	[tilespmem:s10], [sflag:$0x3] =	stream.indirect_vreg.gather [hbm4b:s7+s3], $0x80, v8, vm0, $0xb8;
	[tilespmem:$0x18400] =	vst v63  }
.LBB2_2:
0x54: {  	s19 =	smul.u32 $0xAB, s18;
	_ =	sdelay $0x1  }
0x55: {  	s19 =	sshrl.u32 s19, $0xA  }
0x56: {  	s19 =	sand.u32 $0x3F, s19  }
0x57: {  	s19 =	smul.u32 $0x6, s19;
	_ =	sdelay $0x1  }
0x58: {  	s19 =	ssub.s32 s18, s19  }
0x59: {  	s19 =	sand.u32 $0xFF, s19  }
0x5a: {  	s20 =	sshll.u32 s19, $0xE  }
0x5b: {  	v8 =	vmov s20  }
0x5c: {  	s22 =	sadd.s32 $0x1, s19  }
0x5d: {  	s25 =	simm.s32 $0x0;
	_ =	swait.ge [sflag:s22], $0x4000  }
0x5e: {  	s23 =	sand.u32 $0x2000, s25;
	s26 =	sand.u32 $0x380, s25;
	[sflag:s22] =	ssyncset.done $0x0  }
0x5f: {  	[sflag:s22] =	ssyncadd.s32 $0xFFFFC000;
	s22 =	sor.u32 s26, s23  }
0x60: {  	v9 =	vld.idx.msk [tilespmem:v8+s22+$0x2040 ss:$0x1], $0xffff  }
0x61: {  	v11 =	vld.idx.msk [tilespmem:v8+s22+$0x2050 ss:$0x1], $0xffff  }
0x62: {  	v12 =	vld.idx.msk [tilespmem:v8+s22+$0x2000 ss:$0x1], $0xffff  }
0x63: {  	v13 =	vld.idx.msk [tilespmem:v8+s22+$0x2010 ss:$0x1], $0xffff  }
0x64: {  	v14 =	vld.idx.msk [tilespmem:v8+s22+$0x1C40 ss:$0x1], $0xffff  }
0x65: {  	v15 =	vld.idx.msk [tilespmem:v8+s22+$0x1C50 ss:$0x1], $0xffff  }
0x66: {  	v16 =	vld.idx.msk [tilespmem:v8+s22+$0x1C00 ss:$0x1], $0xffff  }
0x67: {  	v17 =	vld.idx.msk [tilespmem:v8+s22+$0x1C10 ss:$0x1], $0xffff  }
0x68: {  	v18 =	vld.idx.msk [tilespmem:v8+s22+$0x1840 ss:$0x1], $0xffff  }
0x69: {  	v19 =	vld.idx.msk [tilespmem:v8+s22+$0x1850 ss:$0x1], $0xffff  }
0x6a: {  	v20 =	vld.idx.msk [tilespmem:v8+s22+$0x1800 ss:$0x1], $0xffff  }
0x6b: {  	v21 =	vld.idx.msk [tilespmem:v8+s22+$0x1810 ss:$0x1], $0xffff  }
0x6c: {  	v22 =	vld.idx.msk [tilespmem:v8+s22+$0x1440 ss:$0x1], $0xffff  }
0x6d: {  	v23 =	vld.idx.msk [tilespmem:v8+s22+$0x1450 ss:$0x1], $0xffff  }
0x6e: {  	v24 =	vld.idx.msk [tilespmem:v8+s22+$0x1400 ss:$0x1], $0xffff  }
0x6f: {  	v25 =	vld.idx.msk [tilespmem:v8+s22+$0x1410 ss:$0x1], $0xffff  }
0x70: {  	v26 =	vld.idx.msk [tilespmem:v8+s22+$0x1040 ss:$0x1], $0xffff  }
0x71: {  	v27 =	vld.idx.msk [tilespmem:v8+s22+$0x1050 ss:$0x1], $0xffff  }
0x72: {  	v28 =	vld.idx.msk [tilespmem:v8+s22+$0x1000 ss:$0x1], $0xffff  }
0x73: {  	v29 =	vld.idx.msk [tilespmem:v8+s22+$0x1010 ss:$0x1], $0xffff  }
0x74: {  	v30 =	vld.idx.msk [tilespmem:v8+s22+$0xC40 ss:$0x1], $0xffff  }
0x75: {  	v32 =	vld.idx.msk [tilespmem:v8+s22+$0xC50 ss:$0x1], $0xffff  }
0x76: {  	v31 =	vld.idx.msk [tilespmem:v8+s22+$0xC00 ss:$0x1], $0xffff  }
0x77: {  	v33 =	vld.idx.msk [tilespmem:v8+s22+$0xC10 ss:$0x1], $0xffff  }
0x78: {  	v34 =	vld.idx.msk [tilespmem:v8+s22+$0x840 ss:$0x1], $0xffff;
	v10 =	vmul.f32 v9, v9;
	v12 =	vmul.f32 v12, v12  }
0x79: {  	v35 =	vld.idx.msk [tilespmem:v8+s22+$0x850 ss:$0x1], $0xffff;
	v11 =	vmul.f32 v11, v11;
	v13 =	vmul.f32 v13, v13  }
0x7a: {  	v36 =	vld.idx.msk [tilespmem:v8+s22+$0x800 ss:$0x1], $0xffff;
	v14 =	vmul.f32 v14, v14;
	v15 =	vmul.f32 v15, v15  }
0x7b: {  	v37 =	vld.idx.msk [tilespmem:v8+s22+$0x810 ss:$0x1], $0xffff;
	v16 =	vmul.f32 v16, v16;
	v17 =	vmul.f32 v17, v17  }
0x7c: {  	v38 =	vld.idx.msk [tilespmem:v8+s22+$0x400 ss:$0x1], $0xffff;
	v18 =	vmul.f32 v18, v18;
	v19 =	vmul.f32 v19, v19  }
0x7d: {  	v39 =	vld.idx.msk [tilespmem:v8+s22+$0x410 ss:$0x1], $0xffff;
	v20 =	vmul.f32 v20, v20;
	v21 =	vmul.f32 v21, v21  }
0x7e: {  	v40 =	vld.idx.msk [tilespmem:v8+s22+$0x420 ss:$0x1], $0xffff;
	v22 =	vmul.f32 v22, v22;
	v23 =	vmul.f32 v23, v23  }
0x7f: {  	v41 =	vld.idx.msk [tilespmem:v8+s22+$0x430 ss:$0x1], $0xffff;
	v24 =	vmul.f32 v24, v24;
	v25 =	vmul.f32 v25, v25  }
0x80: {  	v42 =	vld.idx.msk [tilespmem:v8+s22+$0x440 ss:$0x1], $0xffff;
	v26 =	vmul.f32 v26, v26;
	v27 =	vmul.f32 v27, v27  }
0x81: {  	s28 =	simm.s32 $0x0;
	s26 =	simm.s32 $0x1;
	s23 =	simm.s32 $0x0;
	v43 =	vld.idx.msk [tilespmem:v8+s22+$0x450 ss:$0x1], $0xffff;
	v9 =	vimm.f32 $0.0e+00;
	v28 =	vmul.f32 v28, v28;
	v29 =	vmul.f32 v29, v29  }
.LBB2_3:
0x82: {  	p0 =	sne.s32 s26, $0xF;
	v44 =	vld.idx.msk [tilespmem:v8+s22+$0x460 ss:$0x1], $0xffff;
	v30 =	vmul.f32 v30, v30;
	v32 =	vmul.f32 v32, v32  }
0x83: {  	v31 =	vmul.f32 v31, v31;
	v33 =	vmul.f32 v33, v33;
	v45 =	vld.idx.msk [tilespmem:v8+s22+$0x470 ss:$0x1], $0xffff  }
0x84: {  	v34 =	vmul.f32 v34, v34;
	v35 =	vmul.f32 v35, v35;
	v46 =	vld.idx.msk [tilespmem:v8+s22+$0x820 ss:$0x1], $0xffff  }
0x85: {  	v36 =	vmul.f32 v36, v36;
	v37 =	vmul.f32 v37, v37;
	v47 =	vld.idx.msk [tilespmem:v8+s22+$0x830 ss:$0x1], $0xffff  }
0x86: {  	v38 =	vmul.f32 v38, v38;
	v39 =	vmul.f32 v39, v39;
	v48 =	vld.idx.msk [tilespmem:v8+s22+$0x860 ss:$0x1], $0xffff  }
0x87: {  	v40 =	vmul.f32 v40, v40;
	v41 =	vmul.f32 v41, v41;
	v49 =	vld.idx.msk [tilespmem:v8+s22+$0x870 ss:$0x1], $0xffff  }
0x88: {  	v42 =	vmul.f32 v42, v42;
	v43 =	vmul.f32 v43, v43;
	v50 =	vld.idx.msk [tilespmem:v8+s22+$0xC20 ss:$0x1], $0xffff  }
0x89: {  	v44 =	vmul.f32 v44, v44;
	v45 =	vmul.f32 v45, v45;
	v51 =	vld.idx.msk [tilespmem:v8+s22+$0xC30 ss:$0x1], $0xffff  }
0x8a: {  	v38 =	vadd.f32 v42, v38;
	v39 =	vadd.f32 v43, v39;
	v42 =	vmul.f32 v46, v46;
	v43 =	vld.idx.msk [tilespmem:v8+s22+$0xC60 ss:$0x1], $0xffff  }
0x8b: {  	v40 =	vadd.f32 v44, v40;
	v41 =	vadd.f32 v45, v41;
	v44 =	vmul.f32 v47, v47;
	v45 =	vld.idx.msk [tilespmem:v8+s22+$0xC70 ss:$0x1], $0xffff  }
0x8c: {  	v36 =	vadd.f32 v36, v38;
	v37 =	vadd.f32 v37, v39;
	v38 =	vmul.f32 v48, v48;
	v39 =	vld.idx.msk [tilespmem:v8+s22+$0x1020 ss:$0x1], $0xffff  }
0x8d: {  	v40 =	vadd.f32 v42, v40;
	v41 =	vadd.f32 v44, v41;
	v42 =	vmul.f32 v49, v49;
	v44 =	vld.idx.msk [tilespmem:v8+s22+$0x1030 ss:$0x1], $0xffff  }
0x8e: {  	v34 =	vadd.f32 v34, v36;
	v35 =	vadd.f32 v35, v37;
	v36 =	vmul.f32 v50, v50;
	v37 =	vld.idx.msk [tilespmem:v8+s22+$0x1060 ss:$0x1], $0xffff  }
0x8f: {  	v38 =	vadd.f32 v38, v40;
	v40 =	vadd.f32 v42, v41;
	v41 =	vmul.f32 v51, v51;
	v42 =	vld.idx.msk [tilespmem:v8+s22+$0x1070 ss:$0x1], $0xffff  }
0x90: {  	v31 =	vadd.f32 v31, v34;
	v33 =	vadd.f32 v33, v35;
	v34 =	vmul.f32 v43, v43;
	v35 =	vld.idx.msk [tilespmem:v8+s22+$0x1420 ss:$0x1], $0xffff  }
0x91: {  	v36 =	vadd.f32 v36, v38;
	v38 =	vadd.f32 v41, v40;
	v40 =	vmul.f32 v45, v45;
	v41 =	vld.idx.msk [tilespmem:v8+s22+$0x1430 ss:$0x1], $0xffff  }
0x92: {  	v30 =	vadd.f32 v30, v31;
	v31 =	vadd.f32 v32, v33;
	v32 =	vmul.f32 v39, v39;
	v33 =	vld.idx.msk [tilespmem:v8+s22+$0x1460 ss:$0x1], $0xffff  }
0x93: {  	v34 =	vadd.f32 v34, v36;
	v36 =	vadd.f32 v40, v38;
	v38 =	vmul.f32 v44, v44;
	v39 =	vld.idx.msk [tilespmem:v8+s22+$0x1470 ss:$0x1], $0xffff  }
0x94: {  	v28 =	vadd.f32 v28, v30;
	v29 =	vadd.f32 v29, v31;
	v30 =	vmul.f32 v37, v37;
	v31 =	vld.idx.msk [tilespmem:v8+s22+$0x1820 ss:$0x1], $0xffff  }
0x95: {  	v32 =	vadd.f32 v32, v34;
	v34 =	vadd.f32 v38, v36;
	v36 =	vmul.f32 v42, v42;
	v37 =	vld.idx.msk [tilespmem:v8+s22+$0x1830 ss:$0x1], $0xffff  }
0x96: {  	v26 =	vadd.f32 v26, v28;
	v27 =	vadd.f32 v27, v29;
	v28 =	vmul.f32 v35, v35;
	v29 =	vld.idx.msk [tilespmem:v8+s22+$0x1860 ss:$0x1], $0xffff  }
0x97: {  	v30 =	vadd.f32 v30, v32;
	v32 =	vadd.f32 v36, v34;
	v34 =	vmul.f32 v41, v41;
	v35 =	vld.idx.msk [tilespmem:v8+s22+$0x1870 ss:$0x1], $0xffff  }
0x98: {  	v24 =	vadd.f32 v24, v26;
	v25 =	vadd.f32 v25, v27;
	v26 =	vmul.f32 v33, v33;
	v27 =	vld.idx.msk [tilespmem:v8+s22+$0x1C20 ss:$0x1], $0xffff  }
0x99: {  	v28 =	vadd.f32 v28, v30;
	v30 =	vadd.f32 v34, v32;
	v32 =	vmul.f32 v39, v39;
	v33 =	vld.idx.msk [tilespmem:v8+s22+$0x1C30 ss:$0x1], $0xffff  }
0x9a: {  	v22 =	vadd.f32 v22, v24;
	v23 =	vadd.f32 v23, v25;
	v24 =	vmul.f32 v31, v31;
	v25 =	vld.idx.msk [tilespmem:v8+s22+$0x1C60 ss:$0x1], $0xffff  }
0x9b: {  	v26 =	vadd.f32 v26, v28;
	v28 =	vadd.f32 v32, v30;
	v30 =	vmul.f32 v37, v37;
	v31 =	vld.idx.msk [tilespmem:v8+s22+$0x1C70 ss:$0x1], $0xffff  }
0x9c: {  	v20 =	vadd.f32 v20, v22;
	v21 =	vadd.f32 v21, v23;
	v22 =	vmul.f32 v29, v29;
	v23 =	vld.idx.msk [tilespmem:v8+s22+$0x2020 ss:$0x1], $0xffff  }
0x9d: {  	s25 =	sadd.s32 $0x80, s25;
	s28 =	sadd.s32 $0x400, s28;
	v24 =	vadd.f32 v24, v26;
	v26 =	vadd.f32 v30, v28;
	v28 =	vmul.f32 v35, v35;
	v29 =	vld.idx.msk [tilespmem:v8+s22+$0x2030 ss:$0x1], $0xffff  }
0x9e: {  	s29 =	sand.u32 $0x2000, s28;
	s30 =	sand.u32 $0x380, s25;
	v18 =	vadd.f32 v18, v20;
	v19 =	vadd.f32 v19, v21;
	v20 =	vmul.f32 v27, v27;
	v21 =	vld.idx.msk [tilespmem:v8+s22+$0x2060 ss:$0x1], $0xffff  }
0x9f: {  	v22 =	vadd.f32 v22, v24;
	v24 =	vadd.f32 v28, v26;
	v26 =	vmul.f32 v33, v33;
	v27 =	vld.idx.msk [tilespmem:v8+s22+$0x2070 ss:$0x1], $0xffff;
	s22 =	sor.u32 s30, s29  }
0xa0: {  	v16 =	vadd.f32 v16, v18;
	v17 =	vadd.f32 v17, v19;
	v18 =	vmul.f32 v25, v25;
	v28 =	vld.idx.msk [tilespmem:v8+s22+$0x2040 ss:$0x1], $0xffff  }
0xa1: {  	v20 =	vadd.f32 v20, v22;
	v22 =	vadd.f32 v26, v24;
	v24 =	vmul.f32 v31, v31;
	v19 =	vld.idx.msk [tilespmem:v8+s22+$0x2050 ss:$0x1], $0xffff  }
0xa2: {  	v14 =	vadd.f32 v14, v16;
	v15 =	vadd.f32 v15, v17;
	v16 =	vmul.f32 v23, v23;
	v25 =	vld.idx.msk [tilespmem:v8+s22+$0x2000 ss:$0x1], $0xffff  }
0xa3: {  	v18 =	vadd.f32 v18, v20;
	v20 =	vadd.f32 v24, v22;
	v22 =	vmul.f32 v29, v29;
	v17 =	vld.idx.msk [tilespmem:v8+s22+$0x2010 ss:$0x1], $0xffff  }
0xa4: {  	v12 =	vadd.f32 v12, v14;
	v13 =	vadd.f32 v13, v15;
	v14 =	vmul.f32 v21, v21;
	v23 =	vld.idx.msk [tilespmem:v8+s22+$0x1C40 ss:$0x1], $0xffff  }
0xa5: {  	v16 =	vadd.f32 v16, v18;
	v18 =	vadd.f32 v22, v20;
	v20 =	vmul.f32 v27, v27;
	v15 =	vld.idx.msk [tilespmem:v8+s22+$0x1C50 ss:$0x1], $0xffff  }
0xa6: {  	v10 =	vadd.f32 v10, v12;
	v11 =	vadd.f32 v11, v13;
	v21 =	vld.idx.msk [tilespmem:v8+s22+$0x1C00 ss:$0x1], $0xffff  }
0xa7: {  	v12 =	vadd.f32 v14, v16;
	v13 =	vadd.f32 v20, v18;
	v22 =	vld.idx.msk [tilespmem:v8+s22+$0x1C10 ss:$0x1], $0xffff  }
0xa8: {  	v18 =	vld.idx.msk [tilespmem:v8+s22+$0x1840 ss:$0x1], $0xffff  }
0xa9: {  	v10 =	vadd.f32 v11, v10;
	v11 =	vadd.f32 v13, v12;
	v20 =	vld.idx.msk [tilespmem:v8+s22+$0x1850 ss:$0x1], $0xffff  }
0xaa: {  	v24 =	vld.idx.msk [tilespmem:v8+s22+$0x1800 ss:$0x1], $0xffff  }
0xab: {  	v10 =	vadd.f32 v11, v10;
	v26 =	vld.idx.msk [tilespmem:v8+s22+$0x1810 ss:$0x1], $0xffff  }
0xac: {  	v27 =	vld.idx.msk [tilespmem:v8+s22+$0x1440 ss:$0x1], $0xffff  }
0xad: {  	v11 =	vperm.xlane v10, v1;
	v29 =	vld.idx.msk [tilespmem:v8+s22+$0x1450 ss:$0x1], $0xffff  }
0xae: {  	v42 =	vld.idx.msk [tilespmem:v8+s22+$0x1400 ss:$0x1], $0xffff  }
0xaf: {  	v10 =	vadd.f32 v10, v11;
	v43 =	vld.idx.msk [tilespmem:v8+s22+$0x1410 ss:$0x1], $0xffff  }
0xb0: {  	v44 =	vld.idx.msk [tilespmem:v8+s22+$0x1040 ss:$0x1], $0xffff  }
0xb1: {  	v11 =	vperm.xlane v10, v2;
	v45 =	vld.idx.msk [tilespmem:v8+s22+$0x1050 ss:$0x1], $0xffff  }
0xb2: {  	v46 =	vld.idx.msk [tilespmem:v8+s22+$0x1000 ss:$0x1], $0xffff  }
0xb3: {  	v11 =	vadd.f32 v10, v11;
	v47 =	vld.idx.msk [tilespmem:v8+s22+$0x1010 ss:$0x1], $0xffff  }
0xb4: {  	v30 =	vld.idx.msk [tilespmem:v8+s22+$0xC40 ss:$0x1], $0xffff  }
0xb5: {  	v12 =	vperm.xlane v11, v5;
	v32 =	vld.idx.msk [tilespmem:v8+s22+$0xC50 ss:$0x1], $0xffff  }
0xb6: {  	v31 =	vld.idx.msk [tilespmem:v8+s22+$0xC00 ss:$0x1], $0xffff  }
0xb7: {  	v10 =	vmul.f32 v28, v28;
	v28 =	vadd.f32 v11, v12;
	v33 =	vld.idx.msk [tilespmem:v8+s22+$0xC10 ss:$0x1], $0xffff  }
0xb8: {  	v12 =	vmul.f32 v25, v25;
	v11 =	vmul.f32 v19, v19;
	v34 =	vld.idx.msk [tilespmem:v8+s22+$0x840 ss:$0x1], $0xffff  }
0xb9: {  	v13 =	vmul.f32 v17, v17;
	v19 =	vperm.xlane v28, v7;
	v35 =	vld.idx.msk [tilespmem:v8+s22+$0x850 ss:$0x1], $0xffff  }
0xba: {  	v14 =	vmul.f32 v23, v23;
	v23 =	vmov s23;
	s23 =	smov.u32 s26;
	v15 =	vmul.f32 v15, v15;
	v36 =	vld.idx.msk [tilespmem:v8+s22+$0x800 ss:$0x1], $0xffff  }
0xbb: {  	v16 =	vmul.f32 v21, v21;
	v17 =	vmul.f32 v22, v22;
	v22 =	vadd.f32 v28, v19;
	v37 =	vld.idx.msk [tilespmem:v8+s22+$0x810 ss:$0x1], $0xffff  }
0xbc: {  	vm1 =	veq.s32 v23, v0;
	v18 =	vmul.f32 v18, v18;
	v19 =	vmul.f32 v20, v20;
	v38 =	vld.idx.msk [tilespmem:v8+s22+$0x400 ss:$0x1], $0xffff  }
.Ltmp0:
0xbd: {  	v21 =	vmul.f32 v26, v26;
	v20 =	vmul.f32 v24, v24;
	v9 =	vsel vm1, v22, v9;
	v39 =	vld.idx.msk [tilespmem:v8+s22+$0x410 ss:$0x1], $0xffff;
	(pc) =	sbr.rel @p0 .LBB2_3-.Ltmp0, $4  }
0xbe: {  	v23 =	vmul.f32 v29, v29;
	v22 =	vmul.f32 v27, v27;
	v40 =	vld.idx.msk [tilespmem:v8+s22+$0x420 ss:$0x1], $0xffff  }
0xbf: {  	v25 =	vmul.f32 v43, v43;
	v24 =	vmul.f32 v42, v42;
	v41 =	vld.idx.msk [tilespmem:v8+s22+$0x430 ss:$0x1], $0xffff  }
0xc0: {  	v26 =	vmul.f32 v44, v44;
	v27 =	vmul.f32 v45, v45;
	v42 =	vld.idx.msk [tilespmem:v8+s22+$0x440 ss:$0x1], $0xffff  }
0xc1: {  	s26 =	sadd.s32 $0x1, s26;
	v29 =	vmul.f32 v47, v47;
	v28 =	vmul.f32 v46, v46;
	v43 =	vld.idx.msk [tilespmem:v8+s22+$0x450 ss:$0x1], $0xffff  }
0xc2: {  	_ =	sdelay $0x2  }
0xc3: {  	v30 =	vmul.f32 v30, v30;
	v32 =	vmul.f32 v32, v32  }
0xc4: {  	v44 =	vld.idx.msk [tilespmem:v8+s22+$0x460 ss:$0x1], $0xffff;
	v31 =	vmul.f32 v31, v31;
	v33 =	vmul.f32 v33, v33  }
0xc5: {  	v45 =	vld.idx.msk [tilespmem:v8+s22+$0x470 ss:$0x1], $0xffff;
	v34 =	vmul.f32 v34, v34;
	v35 =	vmul.f32 v35, v35  }
0xc6: {  	v46 =	vld.idx.msk [tilespmem:v8+s22+$0x820 ss:$0x1], $0xffff;
	v36 =	vmul.f32 v36, v36;
	v37 =	vmul.f32 v37, v37  }
0xc7: {  	v47 =	vld.idx.msk [tilespmem:v8+s22+$0x830 ss:$0x1], $0xffff;
	v38 =	vmul.f32 v38, v38;
	v39 =	vmul.f32 v39, v39  }
0xc8: {  	v48 =	vld.idx.msk [tilespmem:v8+s22+$0x860 ss:$0x1], $0xffff;
	v40 =	vmul.f32 v40, v40;
	v41 =	vmul.f32 v41, v41  }
0xc9: {  	v49 =	vld.idx.msk [tilespmem:v8+s22+$0x870 ss:$0x1], $0xffff;
	v42 =	vmul.f32 v42, v42;
	v43 =	vmul.f32 v43, v43  }
0xca: {  	v50 =	vld.idx.msk [tilespmem:v8+s22+$0xC20 ss:$0x1], $0xffff;
	v44 =	vmul.f32 v44, v44;
	v45 =	vmul.f32 v45, v45  }
0xcb: {  	v51 =	vld.idx.msk [tilespmem:v8+s22+$0xC30 ss:$0x1], $0xffff;
	v38 =	vadd.f32 v42, v38;
	v53 =	vmul.f32 v46, v46;
	v39 =	vadd.f32 v43, v39  }
0xcc: {  	v54 =	vld.idx.msk [tilespmem:v8+s22+$0xC60 ss:$0x1], $0xffff;
	v55 =	vmul.f32 v47, v47;
	v40 =	vadd.f32 v44, v40;
	v41 =	vadd.f32 v45, v41  }
0xcd: {  	v56 =	vld.idx.msk [tilespmem:v8+s22+$0xC70 ss:$0x1], $0xffff;
	v57 =	vmul.f32 v48, v48;
	v36 =	vadd.f32 v36, v38;
	v37 =	vadd.f32 v37, v39  }
0xce: {  	v58 =	vld.idx.msk [tilespmem:v8+s22+$0x1020 ss:$0x1], $0xffff;
	v59 =	vmul.f32 v49, v49;
	v40 =	vadd.f32 v53, v40;
	v41 =	vadd.f32 v55, v41  }
0xcf: {  	v60 =	vld.idx.msk [tilespmem:v8+s22+$0x1030 ss:$0x1], $0xffff;
	v61 =	vmul.f32 v50, v50;
	v34 =	vadd.f32 v34, v36;
	v35 =	vadd.f32 v35, v37  }
0xd0: {  	v62 =	vld.idx.msk [tilespmem:v8+s22+$0x1060 ss:$0x1], $0xffff;
	v46 =	vmul.f32 v51, v51;
	v38 =	vadd.f32 v57, v40;
	v63 =	vadd.f32 v59, v41  }
0xd1: {  	v47 =	vld.idx.msk [tilespmem:v8+s22+$0x1070 ss:$0x1], $0xffff;
	v48 =	vmul.f32 v54, v54;
	v31 =	vadd.f32 v31, v34;
	v33 =	vadd.f32 v33, v35  }
0xd2: {  	v52 =	vld.idx.msk [tilespmem:v8+s22+$0x1430 ss:$0x1], $0xffff;
	v51 =	vmul.f32 v56, v56;
	v36 =	vadd.f32 v61, v38;
	v50 =	vadd.f32 v46, v63  }
0xd3: {  	v49 =	vld.idx.msk [tilespmem:v8+s22+$0x1420 ss:$0x1], $0xffff;
	v54 =	vmul.f32 v58, v58;
	v30 =	vadd.f32 v30, v31;
	v53 =	vadd.f32 v32, v33  }
0xd4: {  	v58 =	vld.idx.msk [tilespmem:v8+s22+$0x1470 ss:$0x1], $0xffff;
	v57 =	vmul.f32 v60, v60;
	v34 =	vadd.f32 v48, v36;
	v56 =	vadd.f32 v51, v50  }
0xd5: {  	v55 =	vld.idx.msk [tilespmem:v8+s22+$0x1460 ss:$0x1], $0xffff;
	v59 =	vmul.f32 v62, v62;
	v28 =	vadd.f32 v28, v30;
	v29 =	vadd.f32 v29, v53  }
0xd6: {  	v60 =	vld.idx.msk [tilespmem:v8+s22+$0x1820 ss:$0x1], $0xffff;
	v62 =	vmul.f32 v47, v47;
	v32 =	vadd.f32 v54, v34;
	v61 =	vadd.f32 v57, v56  }
0xd7: {  	v44 =	vmul.f32 v52, v52;
	v63 =	vld.idx.msk [tilespmem:v8+s22+$0x1830 ss:$0x1], $0xffff;
	v26 =	vadd.f32 v26, v28;
	v27 =	vadd.f32 v27, v29  }
0xd8: {  	v45 =	vld.idx.msk [tilespmem:v8+s22+$0x1870 ss:$0x1], $0xffff;
	v40 =	vmul.f32 v49, v49;
	v30 =	vadd.f32 v59, v32;
	v43 =	vadd.f32 v62, v61  }
0xd9: {  	v42 =	vld.idx.msk [tilespmem:v8+s22+$0x1860 ss:$0x1], $0xffff;
	v49 =	vmul.f32 v58, v58;
	v24 =	vadd.f32 v24, v26;
	v25 =	vadd.f32 v25, v27  }
0xda: {  	v46 =	vmul.f32 v55, v55;
	v50 =	vld.idx.msk [tilespmem:v8+s22+$0x1C30 ss:$0x1], $0xffff;
	v28 =	vadd.f32 v40, v30;
	v48 =	vadd.f32 v44, v43  }
0xdb: {  	v47 =	vld.idx.msk [tilespmem:v8+s22+$0x1C20 ss:$0x1], $0xffff;
	v51 =	vmul.f32 v60, v60;
	v22 =	vadd.f32 v22, v24;
	v23 =	vadd.f32 v23, v25  }
0xdc: {  	v52 =	vld.idx.msk [tilespmem:v8+s22+$0x1C60 ss:$0x1], $0xffff;
	v54 =	vmul.f32 v63, v63;
	v26 =	vadd.f32 v46, v28;
	v53 =	vadd.f32 v49, v48  }
0xdd: {  	v55 =	vld.idx.msk [tilespmem:v8+s22+$0x1C70 ss:$0x1], $0xffff;
	v57 =	vmul.f32 v45, v45;
	v20 =	vadd.f32 v20, v22;
	v21 =	vadd.f32 v21, v23  }
0xde: {  	v22 =	vmul.f32 v42, v42;
	v23 =	vld.idx.msk [tilespmem:v8+s22+$0x2020 ss:$0x1], $0xffff;
	v24 =	vadd.f32 v51, v26;
	v56 =	vadd.f32 v54, v53  }
0xdf: {  	v58 =	vld.idx.msk [tilespmem:v8+s22+$0x2030 ss:$0x1], $0xffff;
	v60 =	vmul.f32 v50, v50;
	v18 =	vadd.f32 v18, v20;
	v19 =	vadd.f32 v19, v21  }
0xe0: {  	v20 =	vmul.f32 v47, v47;
	v21 =	vld.idx.msk [tilespmem:v8+s22+$0x2060 ss:$0x1], $0xffff;
	v22 =	vadd.f32 v22, v24;
	v59 =	vadd.f32 v57, v56  }
0xe1: {  	v61 =	vld.idx.msk [tilespmem:v8+s22+$0x2070 ss:$0x1], $0xffff;
	v16 =	vadd.f32 v16, v18;
	v18 =	vmul.f32 v52, v52;
	v17 =	vadd.f32 v17, v19  }
0xe2: {  	v19 =	vadd.f32 v20, v22;
	v20 =	vadd.f32 v60, v59;
	v22 =	vmul.f32 v55, v55  }
0xe3: {  	v14 =	vadd.f32 v14, v16;
	v16 =	vmul.f32 v23, v23;
	v15 =	vadd.f32 v15, v17  }
0xe4: {  	v17 =	vadd.f32 v18, v19;
	v18 =	vadd.f32 v22, v20;
	v19 =	vmul.f32 v58, v58  }
0xe5: {  	v12 =	vadd.f32 v12, v14;
	v14 =	vmul.f32 v21, v21;
	v13 =	vadd.f32 v13, v15  }
0xe6: {  	v15 =	vadd.f32 v16, v17;
	v16 =	vadd.f32 v19, v18;
	v17 =	vmul.f32 v61, v61  }
0xe7: {  	v10 =	vadd.f32 v10, v12;
	v11 =	vadd.f32 v11, v13  }
0xe8: {  	v12 =	vadd.f32 v14, v15;
	v13 =	vadd.f32 v17, v16;
	_ =	sdelay $0x1  }
0xe9: {  	v10 =	vadd.f32 v11, v10;
	v11 =	vadd.f32 v13, v12;
	_ =	sdelay $0x1  }
0xea: {  	v10 =	vadd.f32 v11, v10;
	_ =	sdelay $0x1  }
0xeb: {  	v11 =	vperm.xlane v10, v1;
	_ =	sdelay $0x1  }
0xec: {  	v10 =	vadd.f32 v10, v11;
	_ =	sdelay $0x1  }
0xed: {  	v11 =	vperm.xlane v10, v2;
	_ =	sdelay $0x1  }
0xee: {  	v10 =	vadd.f32 v10, v11;
	_ =	sdelay $0x1  }
0xef: {  	v11 =	vperm.xlane v10, v5;
	_ =	sdelay $0x1  }
0xf0: {  	v10 =	vadd.f32 v10, v11;
	_ =	sdelay $0x1  }
0xf1: {  	v11 =	vperm.xlane v10, v7;
	_ =	sdelay $0x1  }
0xf2: {  	v12 =	vmov s23;
	v10 =	vadd.f32 v10, v11  }
0xf3: {  	vm1 =	veq.s32 v12, v0  }
0xf4: {  	v9 =	vsel vm1, v10, v9  }
0xf5: {  	v9 =	vmax.f32 v9, $1.000000020e-24  }
0xf6: {  	v10 =	vshra.s32 v9, $0x1;
	v9 =	vmul.f32 $5.000000000e-01, v9  }
0xf7: {  	v10 =	vsub.s32 $0x5F3759DF, v10  }
0xf8: {  	v11 =	vmul.f32 v10, v9;
	_ =	sdelay $0x1  }
0xf9: {  	v11 =	vmul.f32 v10, v11;
	_ =	sdelay $0x1  }
0xfa: {  	v11 =	vsub.f32 $1.500000000e+00, v11;
	_ =	sdelay $0x1  }
0xfb: {  	v10 =	vmul.f32 v10, v11;
	_ =	sdelay $0x1  }
0xfc: {  	v11 =	vmul.f32 v10, v9;
	_ =	sdelay $0x1  }
0xfd: {  	v11 =	vmul.f32 v11, v10;
	_ =	sdelay $0x1  }
0xfe: {  	v11 =	vsub.f32 $1.500000000e+00, v11;
	_ =	sdelay $0x1  }
0xff: {  	v10 =	vmul.f32 v11, v10;
	_ =	sdelay $0x1  }
0x100: {  	v9 =	vmul.f32 v10, v9;
	_ =	sdelay $0x1  }
0x101: {  	s0 =	simm.s32 $0x0;
	v9 =	vmul.f32 v9, v10  }
0x102: {  	s26 =	sand.u32 $0x2000, s0;
	s25 =	sand.u32 $0x380, s0  }
0x103: {  	s23 =	sor.u32 s25, s26;
	v9 =	vsub.f32 $1.500000000e+00, v9  }
0x104: {  	v12 =	vld.idx.msk [tilespmem:v8+s23+$0xC00 ss:$0x1], $0xffff  }
0x105: {  	v11 =	vmul.f32 v9, v10;
	v10 =	vld.idx.msk [tilespmem:v8+s23+$0x800 ss:$0x1], $0xffff  }
0x106: {  	v13 =	vld.idx.msk [tilespmem:v8+s23+$0x1400 ss:$0x1], $0xffff;
	v9 =	vmov s0  }
0x107: {  	v14 =	vld.idx.msk [tilespmem:v8+s23+$0x1C00 ss:$0x1], $0xffff;
	v9 =	vperm.xlane v11, v9  }
0x108: {  	v15 =	vld.idx.msk [tilespmem:v8+s23+$0x1800 ss:$0x1], $0xffff  }
0x109: {  	v16 =	vld.idx.msk [tilespmem:v8+s23+$0x400 ss:$0x1], $0xffff;
	v12 =	vmul.f32 v12, v9  }
0x10a: {  	v10 =	vmul.f32 v10, v9  }
0x10b: {  	v17 =	vld.idx.msk [tilespmem:v8+s23+$0x1000 ss:$0x1], $0xffff;
	[tilespmem:v8+s23+$0xC00 ss:$0x1] =	vst.idx.msk $0xffff, v12;
	v12 =	vmul.f32 v13, v9  }
0x10c: {  	v14 =	vmul.f32 v14, v9;
	[tilespmem:v8+s23+$0x800 ss:$0x1] =	vst.idx.msk $0xffff, v10;
	v10 =	vld.idx.msk [tilespmem:v8+s23+$0xC10 ss:$0x1], $0xffff  }
0x10d: {  	v13 =	vld.idx.msk [tilespmem:v8+s23+$0x810 ss:$0x1], $0xffff;
	[tilespmem:v8+s23+$0x1400 ss:$0x1] =	vst.idx.msk $0xffff, v12;
	v12 =	vmul.f32 v15, v9  }
0x10e: {  	[tilespmem:v8+s23+$0x1C00 ss:$0x1] =	vst.idx.msk $0xffff, v14;
	v15 =	vmul.f32 v16, v9;
	v16 =	vld.idx.msk [tilespmem:v8+s23+$0x1410 ss:$0x1], $0xffff  }
0x10f: {  	[tilespmem:v8+s23+$0x1800 ss:$0x1] =	vst.idx.msk $0xffff, v12  }
0x110: {  	v17 =	vmul.f32 v17, v9;
	v12 =	vld.idx.msk [tilespmem:v8+s23+$0x1C10 ss:$0x1], $0xffff;
	[tilespmem:v8+s23+$0x400 ss:$0x1] =	vst.idx.msk $0xffff, v15  }
0x111: {  	v15 =	vld.idx.msk [tilespmem:v8+s23+$0x410 ss:$0x1], $0xffff;
	v10 =	vmul.f32 v10, v9  }
0x112: {  	[tilespmem:v8+s23+$0x1000 ss:$0x1] =	vst.idx.msk $0xffff, v17;
	v14 =	vld.idx.msk [tilespmem:v8+s23+$0x1810 ss:$0x1], $0xffff;
	v13 =	vmul.f32 v13, v9  }
0x113: {  	v17 =	vld.idx.msk [tilespmem:v8+s23+$0x1010 ss:$0x1], $0xffff;
	[tilespmem:v8+s23+$0xC10 ss:$0x1] =	vst.idx.msk $0xffff, v10;
	v16 =	vmul.f32 v16, v9  }
0x114: {  	[tilespmem:v8+s23+$0x810 ss:$0x1] =	vst.idx.msk $0xffff, v13;
	v10 =	vld.idx.msk [tilespmem:v8+s23+$0xC20 ss:$0x1], $0xffff  }
0x115: {  	v12 =	vmul.f32 v12, v9;
	v13 =	vld.idx.msk [tilespmem:v8+s23+$0x820 ss:$0x1], $0xffff;
	[tilespmem:v8+s23+$0x1410 ss:$0x1] =	vst.idx.msk $0xffff, v16  }
0x116: {  	v15 =	vmul.f32 v15, v9;
	v18 =	vld.idx.msk [tilespmem:v8+s23+$0x1420 ss:$0x1], $0xffff  }
0x117: {  	v16 =	vld.idx.msk [tilespmem:v8+s23+$0x2000 ss:$0x1], $0xffff;
	v14 =	vmul.f32 v14, v9;
	[tilespmem:v8+s23+$0x1C10 ss:$0x1] =	vst.idx.msk $0xffff, v12  }
0x118: {  	[tilespmem:v8+s23+$0x410 ss:$0x1] =	vst.idx.msk $0xffff, v15;
	v15 =	vmul.f32 v17, v9  }
0x119: {  	[tilespmem:v8+s23+$0x1810 ss:$0x1] =	vst.idx.msk $0xffff, v14;
	v12 =	vld.idx.msk [tilespmem:v8+s23+$0x1C20 ss:$0x1], $0xffff;
	v10 =	vmul.f32 v10, v9  }
0x11a: {  	v14 =	vld.idx.msk [tilespmem:v8+s23+$0x1820 ss:$0x1], $0xffff;
	[tilespmem:v8+s23+$0x1010 ss:$0x1] =	vst.idx.msk $0xffff, v15;
	v13 =	vmul.f32 v13, v9  }
0x11b: {  	[tilespmem:v8+s23+$0xC20 ss:$0x1] =	vst.idx.msk $0xffff, v10;
	v10 =	vld.idx.msk [tilespmem:v8+s23+$0x420 ss:$0x1], $0xffff;
	v18 =	vmul.f32 v18, v9  }
0x11c: {  	[tilespmem:v8+s23+$0x820 ss:$0x1] =	vst.idx.msk $0xffff, v13;
	v13 =	vmul.f32 v16, v9;
	v16 =	vld.idx.msk [tilespmem:v8+s23+$0xC30 ss:$0x1], $0xffff  }
0x11d: {  	v17 =	vld.idx.msk [tilespmem:v8+s23+$0x830 ss:$0x1], $0xffff;
	[tilespmem:v8+s23+$0x1420 ss:$0x1] =	vst.idx.msk $0xffff, v18  }
0x11e: {  	v12 =	vmul.f32 v12, v9;
	[tilespmem:v8+s23+$0x2000 ss:$0x1] =	vst.idx.msk $0xffff, v13;
	v13 =	vld.idx.msk [tilespmem:v8+s23+$0x1020 ss:$0x1], $0xffff  }
0x11f: {  	v14 =	vmul.f32 v14, v9;
	v18 =	vld.idx.msk [tilespmem:v8+s23+$0x1430 ss:$0x1], $0xffff  }
0x120: {  	[tilespmem:v8+s23+$0x1C20 ss:$0x1] =	vst.idx.msk $0xffff, v12;
	v15 =	vld.idx.msk [tilespmem:v8+s23+$0x2010 ss:$0x1], $0xffff;
	v10 =	vmul.f32 v10, v9  }
0x121: {  	[tilespmem:v8+s23+$0x1820 ss:$0x1] =	vst.idx.msk $0xffff, v14;
	v12 =	vld.idx.msk [tilespmem:v8+s23+$0x1C30 ss:$0x1], $0xffff;
	v14 =	vmul.f32 v16, v9  }
0x122: {  	s29 =	simm.s32 $0x80;
	s30 =	simm.s32 $0x400;
	v16 =	vld.idx.msk [tilespmem:v8+s23+$0x1830 ss:$0x1], $0xffff;
	[tilespmem:v8+s23+$0x420 ss:$0x1] =	vst.idx.msk $0xffff, v10  }
0x123: {  	s22 =	sand.u32 $0x380, s29;
	s25 =	sand.u32 $0x2000, s30;
	v10 =	vmul.f32 v13, v9;
	v13 =	vld.idx.msk [tilespmem:v8+s23+$0x430 ss:$0x1], $0xffff;
	[tilespmem:v8+s23+$0xC30 ss:$0x1] =	vst.idx.msk $0xffff, v14  }
0x124: {  	s22 =	sor.u32 s22, s25;
	v14 =	vmul.f32 v17, v9;
	v17 =	vld.idx.msk [tilespmem:v8+s23+$0xC40 ss:$0x1], $0xffff  }
0x125: {  	v19 =	vld.idx.msk [tilespmem:v8+s22+$0xC00 ss:$0x1], $0xffff;
	[tilespmem:v8+s23+$0x1020 ss:$0x1] =	vst.idx.msk $0xffff, v10  }
0x126: {  	[tilespmem:v8+s23+$0x830 ss:$0x1] =	vst.idx.msk $0xffff, v14;
	v10 =	vmul.f32 v18, v9;
	v14 =	vld.idx.msk [tilespmem:v8+s23+$0x1030 ss:$0x1], $0xffff  }
0x127: {  	v15 =	vmul.f32 v15, v9;
	v18 =	vld.idx.msk [tilespmem:v8+s23+$0x840 ss:$0x1], $0xffff  }
0x128: {  	v20 =	vld.idx.msk [tilespmem:v8+s22+$0x800 ss:$0x1], $0xffff;
	v16 =	vmul.f32 v16, v9;
	[tilespmem:v8+s23+$0x1430 ss:$0x1] =	vst.idx.msk $0xffff, v10  }
0x129: {  	[tilespmem:v8+s23+$0x2010 ss:$0x1] =	vst.idx.msk $0xffff, v15;
	v13 =	vmul.f32 v13, v9;
	v21 =	vld.idx.msk [tilespmem:v8+s22+$0x1400 ss:$0x1], $0xffff  }
0x12a: {  	[tilespmem:v8+s23+$0x1830 ss:$0x1] =	vst.idx.msk $0xffff, v16;
	v16 =	vld.idx.msk [tilespmem:v8+s23+$0x2020 ss:$0x1], $0xffff  }
0x12b: {  	s31 =	simm.s32 $0x1;
	v10 =	vmul.f32 v17, v9;
	[tilespmem:v8+s23+$0x430 ss:$0x1] =	vst.idx.msk $0xffff, v13;
	v13 =	vld.idx.msk [tilespmem:v8+s23+$0x1440 ss:$0x1], $0xffff  }
0x12c: {  	v12 =	vmul.f32 v12, v9;
	v17 =	vmov s31;
	v22 =	vld.idx.msk [tilespmem:v8+s23+$0x440 ss:$0x1], $0xffff  }
0x12d: {  	[tilespmem:v8+s23+$0xC40 ss:$0x1] =	vst.idx.msk $0xffff, v10;
	v10 =	vperm.xlane v11, v17;
	v14 =	vmul.f32 v14, v9;
	v17 =	vld.idx.msk [tilespmem:v8+s22+$0x1800 ss:$0x1], $0xffff  }
0x12e: {  	[tilespmem:v8+s23+$0x1C30 ss:$0x1] =	vst.idx.msk $0xffff, v12;
	v18 =	vmul.f32 v18, v9;
	v15 =	vld.idx.msk [tilespmem:v8+s23+$0xC50 ss:$0x1], $0xffff  }
0x12f: {  	[tilespmem:v8+s23+$0x1030 ss:$0x1] =	vst.idx.msk $0xffff, v14;
	v14 =	vmul.f32 v20, v10;
	v20 =	vmul.f32 v21, v10;
	v21 =	vld.idx.msk [tilespmem:v8+s22+$0x400 ss:$0x1], $0xffff  }
0x130: {  	[tilespmem:v8+s23+$0x840 ss:$0x1] =	vst.idx.msk $0xffff, v18;
	v12 =	vld.idx.msk [tilespmem:v8+s23+$0x1040 ss:$0x1], $0xffff  }
0x131: {  	[tilespmem:v8+s22+$0x800 ss:$0x1] =	vst.idx.msk $0xffff, v14;
	v14 =	vld.idx.msk [tilespmem:v8+s23+$0x1C40 ss:$0x1], $0xffff;
	v13 =	vmul.f32 v13, v9  }
0x132: {  	[tilespmem:v8+s22+$0x1400 ss:$0x1] =	vst.idx.msk $0xffff, v20;
	v20 =	vld.idx.msk [tilespmem:v8+s23+$0x850 ss:$0x1], $0xffff;
	v18 =	vmul.f32 v22, v9  }
0x133: {  	v22 =	vld.idx.msk [tilespmem:v8+s22+$0x810 ss:$0x1], $0xffff;
	[tilespmem:v8+s23+$0x1440 ss:$0x1] =	vst.idx.msk $0xffff, v13;
	v13 =	vmul.f32 v16, v9  }
0x134: {  	v15 =	vmul.f32 v15, v9;
	v16 =	vld.idx.msk [tilespmem:v8+s23+$0x1840 ss:$0x1], $0xffff;
	[tilespmem:v8+s23+$0x440 ss:$0x1] =	vst.idx.msk $0xffff, v18  }
0x135: {  	v18 =	vld.idx.msk [tilespmem:v8+s22+$0x1000 ss:$0x1], $0xffff;
	v12 =	vmul.f32 v12, v9;
	[tilespmem:v8+s23+$0x2020 ss:$0x1] =	vst.idx.msk $0xffff, v13  }
0x136: {  	[tilespmem:v8+s23+$0xC50 ss:$0x1] =	vst.idx.msk $0xffff, v15;
	v15 =	vmul.f32 v17, v10;
	v17 =	vmul.f32 v19, v10;
	v19 =	vld.idx.msk [tilespmem:v8+s23+$0x450 ss:$0x1], $0xffff  }
0x137: {  	v13 =	vmul.f32 v14, v9;
	v14 =	vld.idx.msk [tilespmem:v8+s23+$0x2030 ss:$0x1], $0xffff;
	[tilespmem:v8+s23+$0x1040 ss:$0x1] =	vst.idx.msk $0xffff, v12  }
0x138: {  	v12 =	vld.idx.msk [tilespmem:v8+s23+$0x1450 ss:$0x1], $0xffff;
	[tilespmem:v8+s22+$0x1800 ss:$0x1] =	vst.idx.msk $0xffff, v15  }
0x139: {  	v20 =	vmul.f32 v20, v9;
	[tilespmem:v8+s22+$0xC00 ss:$0x1] =	vst.idx.msk $0xffff, v17;
	v17 =	vld.idx.msk [tilespmem:v8+s22+$0x1C00 ss:$0x1], $0xffff  }
0x13a: {  	[tilespmem:v8+s23+$0x1C40 ss:$0x1] =	vst.idx.msk $0xffff, v13;
	v13 =	vmul.f32 v21, v10;
	v15 =	vld.idx.msk [tilespmem:v8+s23+$0x1050 ss:$0x1], $0xffff  }
0x13b: {  	v21 =	vmul.f32 v22, v10;
	v22 =	vld.idx.msk [tilespmem:v8+s22+$0x1410 ss:$0x1], $0xffff;
	[tilespmem:v8+s23+$0x850 ss:$0x1] =	vst.idx.msk $0xffff, v20  }
0x13c: {  	v16 =	vmul.f32 v16, v9;
	[tilespmem:v8+s22+$0x400 ss:$0x1] =	vst.idx.msk $0xffff, v13;
	v13 =	vld.idx.msk [tilespmem:v8+s23+$0xC60 ss:$0x1], $0xffff  }
0x13d: {  	[tilespmem:v8+s22+$0x810 ss:$0x1] =	vst.idx.msk $0xffff, v21;
	v21 =	vld.idx.msk [tilespmem:v8+s22+$0xC10 ss:$0x1], $0xffff;
	v19 =	vmul.f32 v19, v9  }
0x13e: {  	[tilespmem:v8+s23+$0x1840 ss:$0x1] =	vst.idx.msk $0xffff, v16;
	v20 =	vld.idx.msk [tilespmem:v8+s22+$0x410 ss:$0x1], $0xffff;
	v14 =	vmul.f32 v14, v9  }
0x13f: {  	v16 =	vld.idx.msk [tilespmem:v8+s22+$0x820 ss:$0x1], $0xffff;
	v12 =	vmul.f32 v12, v9;
	[tilespmem:v8+s23+$0x450 ss:$0x1] =	vst.idx.msk $0xffff, v19  }
0x140: {  	v15 =	vmul.f32 v15, v9;
	v19 =	vmul.f32 v22, v10;
	v22 =	vld.idx.msk [tilespmem:v8+s22+$0x1810 ss:$0x1], $0xffff;
	[tilespmem:v8+s23+$0x2030 ss:$0x1] =	vst.idx.msk $0xffff, v14  }
0x141: {  	[tilespmem:v8+s23+$0x1450 ss:$0x1] =	vst.idx.msk $0xffff, v12;
	v12 =	vmul.f32 v17, v10;
	v17 =	vld.idx.msk [tilespmem:v8+s23+$0x860 ss:$0x1], $0xffff  }
0x142: {  	v13 =	vmul.f32 v13, v9;
	[tilespmem:v8+s23+$0x1050 ss:$0x1] =	vst.idx.msk $0xffff, v15;
	v15 =	vld.idx.msk [tilespmem:v8+s23+$0x1C50 ss:$0x1], $0xffff  }
0x143: {  	[tilespmem:v8+s22+$0x1C00 ss:$0x1] =	vst.idx.msk $0xffff, v12;
	v12 =	vld.idx.msk [tilespmem:v8+s23+$0x1460 ss:$0x1], $0xffff  }
0x144: {  	v18 =	vmul.f32 v18, v10;
	v14 =	vmul.f32 v16, v10;
	v16 =	vld.idx.msk [tilespmem:v8+s22+$0x2000 ss:$0x1], $0xffff;
	[tilespmem:v8+s23+$0xC60 ss:$0x1] =	vst.idx.msk $0xffff, v13  }
0x145: {  	[tilespmem:v8+s22+$0x1410 ss:$0x1] =	vst.idx.msk $0xffff, v19;
	v19 =	vmul.f32 v21, v10;
	v13 =	vld.idx.msk [tilespmem:v8+s23+$0xC70 ss:$0x1], $0xffff  }
0x146: {  	[tilespmem:v8+s22+$0x1000 ss:$0x1] =	vst.idx.msk $0xffff, v18;
	v18 =	vld.idx.msk [tilespmem:v8+s23+$0x1060 ss:$0x1], $0xffff  }
0x147: {  	v21 =	vld.idx.msk [tilespmem:v8+s22+$0x1C10 ss:$0x1], $0xffff;
	[tilespmem:v8+s22+$0xC10 ss:$0x1] =	vst.idx.msk $0xffff, v19;
	v15 =	vmul.f32 v15, v9  }
0x148: {  	[tilespmem:v8+s22+$0x820 ss:$0x1] =	vst.idx.msk $0xffff, v14;
	v14 =	vld.idx.msk [tilespmem:v8+s23+$0x1850 ss:$0x1], $0xffff;
	v12 =	vmul.f32 v12, v9  }
0x149: {  	v19 =	vld.idx.msk [tilespmem:v8+s23+$0x2040 ss:$0x1], $0xffff;
	[tilespmem:v8+s23+$0x1C50 ss:$0x1] =	vst.idx.msk $0xffff, v15;
	v15 =	vmul.f32 v16, v10  }
0x14a: {  	v16 =	vld.idx.msk [tilespmem:v8+s22+$0x1010 ss:$0x1], $0xffff;
	v13 =	vmul.f32 v13, v9;
	[tilespmem:v8+s23+$0x1460 ss:$0x1] =	vst.idx.msk $0xffff, v12  }
0x14b: {  	v12 =	vmul.f32 v22, v10;
	v22 =	vld.idx.msk [tilespmem:v8+s23+$0x460 ss:$0x1], $0xffff;
	[tilespmem:v8+s22+$0x2000 ss:$0x1] =	vst.idx.msk $0xffff, v15  }
0x14c: {  	v23 =	vld.idx.msk [tilespmem:v8+s23+$0x1470 ss:$0x1], $0xffff;
	[tilespmem:v8+s23+$0xC70 ss:$0x1] =	vst.idx.msk $0xffff, v13;
	v13 =	vmul.f32 v17, v9  }
0x14d: {  	v15 =	vld.idx.msk [tilespmem:v8+s22+$0x1420 ss:$0x1], $0xffff;
	[tilespmem:v8+s22+$0x1810 ss:$0x1] =	vst.idx.msk $0xffff, v12;
	v12 =	vmul.f32 v14, v9  }
0x14e: {  	v14 =	vld.idx.msk [tilespmem:v8+s23+$0x1C60 ss:$0x1], $0xffff;
	[tilespmem:v8+s23+$0x860 ss:$0x1] =	vst.idx.msk $0xffff, v13;
	v13 =	vmul.f32 v19, v9  }
0x14f: {  	v17 =	vld.idx.msk [tilespmem:v8+s22+$0xC20 ss:$0x1], $0xffff;
	[tilespmem:v8+s23+$0x1850 ss:$0x1] =	vst.idx.msk $0xffff, v12;
	v12 =	vmul.f32 v18, v9  }
0x150: {  	v19 =	vmul.f32 v22, v9;
	v18 =	vld.idx.msk [tilespmem:v8+s22+$0x830 ss:$0x1], $0xffff;
	[tilespmem:v8+s23+$0x2040 ss:$0x1] =	vst.idx.msk $0xffff, v13  }
0x151: {  	v62 =	vld.idx.msk [tilespmem:v8+s23+$0x870 ss:$0x1], $0xffff;
	v13 =	vmul.f32 v21, v10;
	[tilespmem:v8+s23+$0x1060 ss:$0x1] =	vst.idx.msk $0xffff, v12  }
0x152: {  	v21 =	vld.idx.msk [tilespmem:v8+s22+$0x1820 ss:$0x1], $0xffff;
	[tilespmem:v8+s23+$0x460 ss:$0x1] =	vst.idx.msk $0xffff, v19;
	v19 =	vmul.f32 v20, v10  }
0x153: {  	v20 =	vld.idx.msk [tilespmem:v8+s22+$0x2010 ss:$0x1], $0xffff;
	v12 =	vmul.f32 v14, v9;
	[tilespmem:v8+s22+$0x1C10 ss:$0x1] =	vst.idx.msk $0xffff, v13  }
0x154: {  	v14 =	vld.idx.msk [tilespmem:v8+s23+$0x2050 ss:$0x1], $0xffff;
	v17 =	vmul.f32 v17, v10;
	[tilespmem:v8+s22+$0x410 ss:$0x1] =	vst.idx.msk $0xffff, v19  }
0x155: {  	v13 =	vmul.f32 v16, v10;
	v16 =	vld.idx.msk [tilespmem:v8+s23+$0x1070 ss:$0x1], $0xffff;
	[tilespmem:v8+s23+$0x1C60 ss:$0x1] =	vst.idx.msk $0xffff, v12  }
0x156: {  	v12 =	vmul.f32 v15, v10;
	v15 =	vld.idx.msk [tilespmem:v8+s23+$0x1860 ss:$0x1], $0xffff;
	[tilespmem:v8+s22+$0xC20 ss:$0x1] =	vst.idx.msk $0xffff, v17  }
0x157: {  	v19 =	vld.idx.msk [tilespmem:v8+s22+$0x1C20 ss:$0x1], $0xffff;
	[tilespmem:v8+s22+$0x1010 ss:$0x1] =	vst.idx.msk $0xffff, v13;
	v13 =	vmul.f32 v18, v10  }
0x158: {  	v22 =	vld.idx.msk [tilespmem:v8+s23+$0x470 ss:$0x1], $0xffff;
	[tilespmem:v8+s22+$0x1420 ss:$0x1] =	vst.idx.msk $0xffff, v12;
	v21 =	vmul.f32 v21, v10  }
0x159: {  	v17 =	vld.idx.msk [tilespmem:v8+s22+$0x420 ss:$0x1], $0xffff;
	v12 =	vmul.f32 v14, v9;
	[tilespmem:v8+s22+$0x830 ss:$0x1] =	vst.idx.msk $0xffff, v13  }
0x15a: {  	v14 =	vld.idx.msk [tilespmem:v8+s22+$0xC30 ss:$0x1], $0xffff;
	v18 =	vmul.f32 v16, v9;
	[tilespmem:v8+s22+$0x1820 ss:$0x1] =	vst.idx.msk $0xffff, v21  }
0x15b: {  	v13 =	vld.idx.msk [tilespmem:v8+s22+$0x1430 ss:$0x1], $0xffff;
	v16 =	vmul.f32 v20, v10;
	[tilespmem:v8+s23+$0x2050 ss:$0x1] =	vst.idx.msk $0xffff, v12;
	v63 =	vmul.f32 v15, v9  }
0x15c: {  	v21 =	vmul.f32 v23, v9;
	v20 =	vmul.f32 v19, v10;
	v19 =	vld.idx.msk [tilespmem:v8+s23+$0x1C70 ss:$0x1], $0xffff;
	[tilespmem:v8+s23+$0x1070 ss:$0x1] =	vst.idx.msk $0xffff, v18  }
0x15d: {  	s28 =	simm.s32 $0x2;
	s26 =	simm.s32 $0x800;
	s25 =	simm.s32 $0x100;
	v12 =	vmul.f32 v22, v9;
	v15 =	vmul.f32 v62, v9;
	v18 =	vld.idx.msk [tilespmem:v8+s22+$0x1020 ss:$0x1], $0xffff;
	[tilespmem:v8+s23+$0x1860 ss:$0x1] =	vst.idx.msk $0xffff, v63  }
.LBB2_5:
0x15e: {  	s29 =	sand.u32 $0x2000, s26  }
0x15f: {  	s31 =	sand.u32 $0x380, s25;
	[tilespmem:v8+s22+$0x1C20 ss:$0x1] =	vst.idx.msk $0xffff, v20;
	v20 =	vld.idx.msk [tilespmem:v8+s23+$0x2060 ss:$0x1], $0xffff;
	s0 =	smov.u32 s28;
	s30 =	sadd.s32 $0x1, s28  }
0x160: {  	p0 =	sne.s32 s28, $0xF;
	v17 =	vmul.f32 v17, v10;
	s29 =	sor.u32 s31, s29;
	v22 =	vld.idx.msk [tilespmem:v8+s22+$0x1C30 ss:$0x1], $0xffff;
	[tilespmem:v8+s23+$0x1470 ss:$0x1] =	vst.idx.msk $0xffff, v21  }
0x161: {  	v14 =	vmul.f32 v14, v10;
	v21 =	vld.idx.msk [tilespmem:v8+s22+$0x1830 ss:$0x1], $0xffff;
	[tilespmem:v8+s22+$0x2010 ss:$0x1] =	vst.idx.msk $0xffff, v16  }
0x162: {  	v13 =	vmul.f32 v13, v10;
	v16 =	vmul.f32 v18, v10;
	[tilespmem:v8+s22+$0x420 ss:$0x1] =	vst.idx.msk $0xffff, v17;
	v17 =	vld.idx.msk [tilespmem:v8+s23+$0x1870 ss:$0x1], $0xffff  }
0x163: {  	v18 =	vld.idx.msk [tilespmem:v8+s22+$0x430 ss:$0x1], $0xffff;
	[tilespmem:v8+s22+$0xC30 ss:$0x1] =	vst.idx.msk $0xffff, v14;
	v14 =	vmul.f32 v19, v9  }
0x164: {  	v19 =	vld.idx.msk [tilespmem:v8+s22+$0xC40 ss:$0x1], $0xffff;
	[tilespmem:v8+s22+$0x1020 ss:$0x1] =	vst.idx.msk $0xffff, v16  }
0x165: {  	v16 =	vld.idx.msk [tilespmem:v8+s29+$0xC00 ss:$0x1], $0xffff;
	[tilespmem:v8+s23+$0x1C70 ss:$0x1] =	vst.idx.msk $0xffff, v14;
	v14 =	vmul.f32 v20, v9  }
0x166: {  	v20 =	vmov s0;
	v22 =	vmul.f32 v22, v10;
	v23 =	vld.idx.msk [tilespmem:v8+s22+$0x1030 ss:$0x1], $0xffff;
	[tilespmem:v8+s23+$0x870 ss:$0x1] =	vst.idx.msk $0xffff, v15  }
0x167: {  	v15 =	vperm.xlane v11, v20;
	v21 =	vmul.f32 v21, v10;
	v20 =	vld.idx.msk [tilespmem:v8+s22+$0x840 ss:$0x1], $0xffff;
	[tilespmem:v8+s23+$0x2060 ss:$0x1] =	vst.idx.msk $0xffff, v14  }
0x168: {  	[tilespmem:v8+s23+$0x470 ss:$0x1] =	vst.idx.msk $0xffff, v12;
	v12 =	vmul.f32 v17, v9;
	v14 =	vld.idx.msk [tilespmem:v8+s23+$0x2070 ss:$0x1], $0xffff  }
0x169: {  	v18 =	vmul.f32 v18, v10;
	v17 =	vld.idx.msk [tilespmem:v8+s29+$0x800 ss:$0x1], $0xffff;
	[tilespmem:v8+s22+$0x1430 ss:$0x1] =	vst.idx.msk $0xffff, v13  }
0x16a: {  	v19 =	vmul.f32 v19, v10;
	v13 =	vld.idx.msk [tilespmem:v8+s29+$0x1400 ss:$0x1], $0xffff;
	[tilespmem:v8+s23+$0x1870 ss:$0x1] =	vst.idx.msk $0xffff, v12  }
0x16b: {  	[tilespmem:v8+s22+$0x430 ss:$0x1] =	vst.idx.msk $0xffff, v18;
	v12 =	vld.idx.msk [tilespmem:v8+s22+$0x1440 ss:$0x1], $0xffff  }
0x16c: {  	v18 =	vld.idx.msk [tilespmem:v8+s22+$0x440 ss:$0x1], $0xffff;
	[tilespmem:v8+s22+$0xC40 ss:$0x1] =	vst.idx.msk $0xffff, v19;
	v19 =	vmul.f32 v23, v10  }
0x16d: {  	v20 =	vmul.f32 v20, v10;
	v23 =	vld.idx.msk [tilespmem:v8+s22+$0xC50 ss:$0x1], $0xffff;
	[tilespmem:v8+s22+$0x1830 ss:$0x1] =	vst.idx.msk $0xffff, v21  }
0x16e: {  	v14 =	vmul.f32 v14, v9;
	v9 =	vmov v10;
	v10 =	vmov v15;
	[tilespmem:v8+s22+$0x1030 ss:$0x1] =	vst.idx.msk $0xffff, v19;
	v19 =	vld.idx.msk [tilespmem:v8+s22+$0x2020 ss:$0x1], $0xffff  }
0x16f: {  	v15 =	vmul.f32 v17, v10;
	v17 =	vld.idx.msk [tilespmem:v8+s29+$0x1800 ss:$0x1], $0xffff;
	[tilespmem:v8+s22+$0x1C30 ss:$0x1] =	vst.idx.msk $0xffff, v22  }
0x170: {  	v13 =	vmul.f32 v13, v10;
	v21 =	vld.idx.msk [tilespmem:v8+s22+$0x1040 ss:$0x1], $0xffff;
	[tilespmem:v8+s23+$0x2070 ss:$0x1] =	vst.idx.msk $0xffff, v14;
	s23 =	smov.u32 s22;
	s22 =	smov.u32 s29  }
0x171: {  	v14 =	vmul.f32 v16, v10;
	v12 =	vmul.f32 v12, v9;
	[tilespmem:v8+s22+$0x800 ss:$0x1] =	vst.idx.msk $0xffff, v15;
	v15 =	vld.idx.msk [tilespmem:v8+s23+$0x1C40 ss:$0x1], $0xffff  }
0x172: {  	v18 =	vmul.f32 v18, v9;
	v16 =	vld.idx.msk [tilespmem:v8+s22+$0x400 ss:$0x1], $0xffff;
	[tilespmem:v8+s23+$0x840 ss:$0x1] =	vst.idx.msk $0xffff, v20  }
0x173: {  	v20 =	vld.idx.msk [tilespmem:v8+s22+$0x810 ss:$0x1], $0xffff;
	[tilespmem:v8+s22+$0x1400 ss:$0x1] =	vst.idx.msk $0xffff, v13;
	v13 =	vmul.f32 v23, v9  }
0x174: {  	v22 =	vld.idx.msk [tilespmem:v8+s23+$0x850 ss:$0x1], $0xffff;
	[tilespmem:v8+s23+$0x1440 ss:$0x1] =	vst.idx.msk $0xffff, v12;
	v12 =	vmul.f32 v19, v9  }
0x175: {  	[tilespmem:v8+s23+$0x440 ss:$0x1] =	vst.idx.msk $0xffff, v18;
	v18 =	vld.idx.msk [tilespmem:v8+s23+$0x1840 ss:$0x1], $0xffff  }
0x176: {  	v21 =	vmul.f32 v21, v9;
	v19 =	vld.idx.msk [tilespmem:v8+s22+$0x1000 ss:$0x1], $0xffff;
	[tilespmem:v8+s23+$0x2020 ss:$0x1] =	vst.idx.msk $0xffff, v12  }
0x177: {  	v12 =	vmul.f32 v15, v9;
	[tilespmem:v8+s23+$0xC50 ss:$0x1] =	vst.idx.msk $0xffff, v13;
	v13 =	vld.idx.msk [tilespmem:v8+s23+$0x2030 ss:$0x1], $0xffff  }
0x178: {  	v15 =	vmul.f32 v17, v10;
	[tilespmem:v8+s23+$0x1040 ss:$0x1] =	vst.idx.msk $0xffff, v21;
	v17 =	vld.idx.msk [tilespmem:v8+s23+$0x1450 ss:$0x1], $0xffff  }
0x179: {  	v16 =	vmul.f32 v16, v10;
	v20 =	vmul.f32 v20, v10;
	v21 =	vld.idx.msk [tilespmem:v8+s23+$0x450 ss:$0x1], $0xffff;
	[tilespmem:v8+s23+$0x1C40 ss:$0x1] =	vst.idx.msk $0xffff, v12  }
0x17a: {  	v12 =	vmul.f32 v22, v9;
	[tilespmem:v8+s22+$0x1800 ss:$0x1] =	vst.idx.msk $0xffff, v15;
	v15 =	vld.idx.msk [tilespmem:v8+s23+$0x1050 ss:$0x1], $0xffff  }
0x17b: {  	v18 =	vmul.f32 v18, v9;
	[tilespmem:v8+s22+$0xC00 ss:$0x1] =	vst.idx.msk $0xffff, v14;
	v14 =	vld.idx.msk [tilespmem:v8+s22+$0x1C00 ss:$0x1], $0xffff  }
0x17c: {  	[tilespmem:v8+s22+$0x400 ss:$0x1] =	vst.idx.msk $0xffff, v16;
	v16 =	vld.idx.msk [tilespmem:v8+s23+$0xC60 ss:$0x1], $0xffff  }
0x17d: {  	[tilespmem:v8+s22+$0x810 ss:$0x1] =	vst.idx.msk $0xffff, v20;
	v20 =	vld.idx.msk [tilespmem:v8+s22+$0xC10 ss:$0x1], $0xffff  }
0x17e: {  	v22 =	vld.idx.msk [tilespmem:v8+s22+$0x1410 ss:$0x1], $0xffff;
	[tilespmem:v8+s23+$0x850 ss:$0x1] =	vst.idx.msk $0xffff, v12;
	v12 =	vmul.f32 v17, v9  }
0x17f: {  	v21 =	vmul.f32 v21, v9;
	v17 =	vld.idx.msk [tilespmem:v8+s22+$0x410 ss:$0x1], $0xffff;
	[tilespmem:v8+s23+$0x1840 ss:$0x1] =	vst.idx.msk $0xffff, v18  }
0x180: {  	v15 =	vmul.f32 v15, v9;
	v18 =	vld.idx.msk [tilespmem:v8+s22+$0x820 ss:$0x1], $0xffff;
	[tilespmem:v8+s23+$0x1450 ss:$0x1] =	vst.idx.msk $0xffff, v12  }
0x181: {  	v12 =	vmul.f32 v14, v10;
	[tilespmem:v8+s23+$0x450 ss:$0x1] =	vst.idx.msk $0xffff, v21;
	v14 =	vld.idx.msk [tilespmem:v8+s23+$0x860 ss:$0x1], $0xffff  }
0x182: {  	v16 =	vmul.f32 v16, v9;
	[tilespmem:v8+s23+$0x1050 ss:$0x1] =	vst.idx.msk $0xffff, v15;
	v15 =	vld.idx.msk [tilespmem:v8+s23+$0x1C50 ss:$0x1], $0xffff  }
0x183: {  	v13 =	vmul.f32 v13, v9;
	v20 =	vmul.f32 v20, v10;
	[tilespmem:v8+s22+$0x1C00 ss:$0x1] =	vst.idx.msk $0xffff, v12;
	v12 =	vld.idx.msk [tilespmem:v8+s23+$0x1460 ss:$0x1], $0xffff  }
0x184: {  	v21 =	vmul.f32 v22, v10;
	v22 =	vld.idx.msk [tilespmem:v8+s22+$0x1810 ss:$0x1], $0xffff;
	[tilespmem:v8+s23+$0xC60 ss:$0x1] =	vst.idx.msk $0xffff, v16  }
0x185: {  	v16 =	vld.idx.msk [tilespmem:v8+s23+$0xC70 ss:$0x1], $0xffff;
	[tilespmem:v8+s23+$0x2030 ss:$0x1] =	vst.idx.msk $0xffff, v13  }
0x186: {  	v13 =	vmul.f32 v18, v10;
	[tilespmem:v8+s22+$0x1410 ss:$0x1] =	vst.idx.msk $0xffff, v21;
	v18 =	vld.idx.msk [tilespmem:v8+s22+$0x2000 ss:$0x1], $0xffff  }
0x187: {  	v19 =	vmul.f32 v19, v10;
	v14 =	vmul.f32 v14, v9;
	v21 =	vld.idx.msk [tilespmem:v8+s22+$0x1C10 ss:$0x1], $0xffff  }
0x188: {  	v15 =	vmul.f32 v15, v9;
	[tilespmem:v8+s22+$0x820 ss:$0x1] =	vst.idx.msk $0xffff, v13;
	v13 =	vld.idx.msk [tilespmem:v8+s23+$0x1850 ss:$0x1], $0xffff  }
0x189: {  	v12 =	vmul.f32 v12, v9;
	[tilespmem:v8+s22+$0x1000 ss:$0x1] =	vst.idx.msk $0xffff, v19;
	v19 =	vld.idx.msk [tilespmem:v8+s23+$0x1060 ss:$0x1], $0xffff  }
0x18a: {  	[tilespmem:v8+s22+$0xC10 ss:$0x1] =	vst.idx.msk $0xffff, v20;
	v20 =	vmul.f32 v22, v10;
	v22 =	vld.idx.msk [tilespmem:v8+s23+$0x2040 ss:$0x1], $0xffff  }
0x18b: {  	v16 =	vmul.f32 v16, v9;
	v23 =	vld.idx.msk [tilespmem:v8+s23+$0x460 ss:$0x1], $0xffff;
	[tilespmem:v8+s23+$0x1460 ss:$0x1] =	vst.idx.msk $0xffff, v12  }
0x18c: {  	v12 =	vmul.f32 v18, v10;
	v24 =	vld.idx.msk [tilespmem:v8+s23+$0x1470 ss:$0x1], $0xffff;
	[tilespmem:v8+s23+$0x1C50 ss:$0x1] =	vst.idx.msk $0xffff, v15  }
0x18d: {  	v15 =	vld.idx.msk [tilespmem:v8+s22+$0x1010 ss:$0x1], $0xffff;
	[tilespmem:v8+s23+$0xC70 ss:$0x1] =	vst.idx.msk $0xffff, v16  }
0x18e: {  	v13 =	vmul.f32 v13, v9;
	[tilespmem:v8+s22+$0x1810 ss:$0x1] =	vst.idx.msk $0xffff, v20;
	v16 =	vld.idx.msk [tilespmem:v8+s23+$0x1C60 ss:$0x1], $0xffff  }
0x18f: {  	v17 =	vmul.f32 v17, v10;
	v18 =	vld.idx.msk [tilespmem:v8+s22+$0x1420 ss:$0x1], $0xffff;
	[tilespmem:v8+s22+$0x2000 ss:$0x1] =	vst.idx.msk $0xffff, v12;
	v12 =	vmul.f32 v19, v9  }
0x190: {  	v19 =	vld.idx.msk [tilespmem:v8+s22+$0xC20 ss:$0x1], $0xffff;
	[tilespmem:v8+s23+$0x860 ss:$0x1] =	vst.idx.msk $0xffff, v14;
	v14 =	vmul.f32 v22, v9  }
0x191: {  	v21 =	vmul.f32 v21, v10;
	v22 =	vmul.f32 v23, v9;
	v20 =	vld.idx.msk [tilespmem:v8+s22+$0x830 ss:$0x1], $0xffff;
	[tilespmem:v8+s23+$0x1850 ss:$0x1] =	vst.idx.msk $0xffff, v13  }
0x192: {  	v13 =	vld.idx.msk [tilespmem:v8+s22+$0x1820 ss:$0x1], $0xffff;
	[tilespmem:v8+s23+$0x2040 ss:$0x1] =	vst.idx.msk $0xffff, v14  }
0x193: {  	v14 =	vmul.f32 v15, v10;
	v15 =	vld.idx.msk [tilespmem:v8+s22+$0x2010 ss:$0x1], $0xffff;
	[tilespmem:v8+s23+$0x460 ss:$0x1] =	vst.idx.msk $0xffff, v22  }
0x194: {  	[tilespmem:v8+s23+$0x1060 ss:$0x1] =	vst.idx.msk $0xffff, v12;
	v12 =	vmul.f32 v16, v9;
	v16 =	vld.idx.msk [tilespmem:v8+s23+$0x2050 ss:$0x1], $0xffff  }
0x195: {  	v18 =	vmul.f32 v18, v10;
	[tilespmem:v8+s22+$0x1C10 ss:$0x1] =	vst.idx.msk $0xffff, v21;
	v21 =	vld.idx.msk [tilespmem:v8+s23+$0x1070 ss:$0x1], $0xffff  }
0x196: {  	[tilespmem:v8+s22+$0x410 ss:$0x1] =	vst.idx.msk $0xffff, v17;
	v17 =	vmul.f32 v19, v10;
	v19 =	vld.idx.msk [tilespmem:v8+s22+$0x1C20 ss:$0x1], $0xffff  }
0x197: {  	v20 =	vmul.f32 v20, v10;
	v22 =	vld.idx.msk [tilespmem:v8+s23+$0x1860 ss:$0x1], $0xffff;
	[tilespmem:v8+s23+$0x1C60 ss:$0x1] =	vst.idx.msk $0xffff, v12  }
0x198: {  	[tilespmem:v8+s22+$0x1010 ss:$0x1] =	vst.idx.msk $0xffff, v14;
	v12 =	vld.idx.msk [tilespmem:v8+s23+$0x470 ss:$0x1], $0xffff  }
0x199: {  	[tilespmem:v8+s22+$0xC20 ss:$0x1] =	vst.idx.msk $0xffff, v17;
	v23 =	vld.idx.msk [tilespmem:v8+s23+$0x870 ss:$0x1], $0xffff  }
0x19a: {  	v25 =	vmul.f32 v13, v10;
	v14 =	vld.idx.msk [tilespmem:v8+s22+$0xC30 ss:$0x1], $0xffff;
	[tilespmem:v8+s22+$0x1420 ss:$0x1] =	vst.idx.msk $0xffff, v18;
	v18 =	vmul.f32 v16, v9  }
.Ltmp1:
0x19b: {  	v16 =	vmul.f32 v15, v10;
	v15 =	vmul.f32 v21, v9;
	v17 =	vld.idx.msk [tilespmem:v8+s22+$0x420 ss:$0x1], $0xffff;
	[tilespmem:v8+s22+$0x830 ss:$0x1] =	vst.idx.msk $0xffff, v20;
	(pc) =	sbr.rel @p0 .LBB2_5-.Ltmp1, $4  }
0x19c: {  	v20 =	vmul.f32 v19, v10;
	v13 =	vld.idx.msk [tilespmem:v8+s22+$0x1430 ss:$0x1], $0xffff;
	[tilespmem:v8+s23+$0x2050 ss:$0x1] =	vst.idx.msk $0xffff, v18  }
0x19d: {  	v22 =	vmul.f32 v22, v9;
	v18 =	vld.idx.msk [tilespmem:v8+s22+$0x1020 ss:$0x1], $0xffff;
	[tilespmem:v8+s23+$0x1070 ss:$0x1] =	vst.idx.msk $0xffff, v15  }
0x19e: {  	v12 =	vmul.f32 v12, v9;
	[tilespmem:v8+s22+$0x1820 ss:$0x1] =	vst.idx.msk $0xffff, v25;
	v19 =	vld.idx.msk [tilespmem:v8+s23+$0x1C70 ss:$0x1], $0xffff  }
0x19f: {  	s25 =	sadd.s32 $0x80, s25;
	s26 =	sadd.s32 $0x400, s26;
	s28 =	smov.u32 s30;
	v21 =	vmul.f32 v24, v9;
	v15 =	vmul.f32 v23, v9;
	[tilespmem:v8+s23+$0x1860 ss:$0x1] =	vst.idx.msk $0xffff, v22  }
0x1a0: {  	_ =	sdelay $0x3  }
0x1a1: {  	[tilespmem:v8+s22+$0x1C20 ss:$0x1] =	vst.idx.msk $0xffff, v20  }
0x1a2: {  	[tilespmem:v8+s22+$0x2010 ss:$0x1] =	vst.idx.msk $0xffff, v16  }
0x1a3: {  	v11 =	vld.idx.msk [tilespmem:v8+s23+$0x2060 ss:$0x1], $0xffff;
	[tilespmem:v8+s23+$0x470 ss:$0x1] =	vst.idx.msk $0xffff, v12  }
0x1a4: {  	v17 =	vmul.f32 v17, v10;
	[tilespmem:v8+s23+$0x1470 ss:$0x1] =	vst.idx.msk $0xffff, v21;
	v38 =	vld.idx.msk [tilespmem:v8+s22+$0x2020 ss:$0x1], $0xffff  }
0x1a5: {  	v14 =	vmul.f32 v14, v10;
	[tilespmem:v8+s23+$0x870 ss:$0x1] =	vst.idx.msk $0xffff, v15  }
0x1a6: {  	v41 =	vld.idx.msk [tilespmem:v8+s23+$0x1870 ss:$0x1], $0xffff;
	v13 =	vmul.f32 v13, v10;
	[tilespmem:v8+s22+$0x420 ss:$0x1] =	vst.idx.msk $0xffff, v17  }
0x1a7: {  	v45 =	vld.idx.msk [tilespmem:v8+s22+$0x1830 ss:$0x1], $0xffff;
	v37 =	vmul.f32 v18, v10;
	[tilespmem:v8+s22+$0xC30 ss:$0x1] =	vst.idx.msk $0xffff, v14  }
0x1a8: {  	v42 =	vld.idx.msk [tilespmem:v8+s22+$0x1C30 ss:$0x1], $0xffff;
	[tilespmem:v8+s22+$0x1430 ss:$0x1] =	vst.idx.msk $0xffff, v13;
	v11 =	vmul.f32 v11, v9  }
0x1a9: {  	v43 =	vld.idx.msk [tilespmem:v8+s22+$0x430 ss:$0x1], $0xffff;
	[tilespmem:v8+s22+$0x1020 ss:$0x1] =	vst.idx.msk $0xffff, v37;
	v44 =	vmul.f32 v38, v10  }
0x1aa: {  	v39 =	vmul.f32 v19, v9;
	v40 =	vld.idx.msk [tilespmem:v8+s22+$0x1030 ss:$0x1], $0xffff;
	[tilespmem:v8+s23+$0x2060 ss:$0x1] =	vst.idx.msk $0xffff, v11  }
0x1ab: {  	v47 =	vmul.f32 v41, v9;
	v46 =	vld.idx.msk [tilespmem:v8+s23+$0x2070 ss:$0x1], $0xffff;
	[tilespmem:v8+s22+$0x2020 ss:$0x1] =	vst.idx.msk $0xffff, v44  }
0x1ac: {  	[tilespmem:v8+s23+$0x1C70 ss:$0x1] =	vst.idx.msk $0xffff, v39;
	v52 =	vmul.f32 v45, v10;
	v48 =	vld.idx.msk [tilespmem:v8+s22+$0x2030 ss:$0x1], $0xffff  }
0x1ad: {  	v56 =	vld.idx.msk [tilespmem:v8+s22+$0x840 ss:$0x1], $0xffff;
	v18 =	vmul.f32 v42, v10;
	[tilespmem:v8+s23+$0x1870 ss:$0x1] =	vst.idx.msk $0xffff, v47  }
0x1ae: {  	v49 =	vld.idx.msk [tilespmem:v8+s22+$0xC40 ss:$0x1], $0xffff;
	[tilespmem:v8+s22+$0x1830 ss:$0x1] =	vst.idx.msk $0xffff, v52;
	v50 =	vmul.f32 v43, v10  }
0x1af: {  	v53 =	vld.idx.msk [tilespmem:v8+s22+$0x1440 ss:$0x1], $0xffff;
	[tilespmem:v8+s22+$0x1C30 ss:$0x1] =	vst.idx.msk $0xffff, v18;
	v14 =	vmul.f32 v40, v10  }
0x1b0: {  	v59 =	vld.idx.msk [tilespmem:v8+s22+$0x1840 ss:$0x1], $0xffff;
	[tilespmem:v8+s22+$0x430 ss:$0x1] =	vst.idx.msk $0xffff, v50;
	v54 =	vmul.f32 v46, v9  }
0x1b1: {  	v55 =	vld.idx.msk [tilespmem:v8+s22+$0x1C40 ss:$0x1], $0xffff;
	[tilespmem:v8+s22+$0x1030 ss:$0x1] =	vst.idx.msk $0xffff, v14;
	v13 =	vmul.f32 v48, v10  }
0x1b2: {  	v63 =	vmul.f32 v56, v10;
	v58 =	vld.idx.msk [tilespmem:v8+s22+$0x440 ss:$0x1], $0xffff;
	[tilespmem:v8+s23+$0x2070 ss:$0x1] =	vst.idx.msk $0xffff, v54  }
0x1b3: {  	v57 =	vmul.f32 v49, v10;
	v51 =	vld.idx.msk [tilespmem:v8+s22+$0x1040 ss:$0x1], $0xffff;
	[tilespmem:v8+s22+$0x2030 ss:$0x1] =	vst.idx.msk $0xffff, v13  }
0x1b4: {  	v60 =	vmul.f32 v53, v10;
	[tilespmem:v8+s22+$0x840 ss:$0x1] =	vst.idx.msk $0xffff, v63;
	v61 =	vld.idx.msk [tilespmem:v8+s22+$0x2040 ss:$0x1], $0xffff  }
0x1b5: {  	[tilespmem:v8+s22+$0xC40 ss:$0x1] =	vst.idx.msk $0xffff, v57;
	v24 =	vld.idx.msk [tilespmem:v8+s22+$0x850 ss:$0x1], $0xffff;
	v9 =	vmul.f32 v59, v10  }
0x1b6: {  	v62 =	vld.idx.msk [tilespmem:v8+s22+$0xC50 ss:$0x1], $0xffff;
	[tilespmem:v8+s22+$0x1440 ss:$0x1] =	vst.idx.msk $0xffff, v60;
	v12 =	vmul.f32 v55, v10  }
0x1b7: {  	v22 =	vld.idx.msk [tilespmem:v8+s22+$0x1450 ss:$0x1], $0xffff;
	[tilespmem:v8+s22+$0x1840 ss:$0x1] =	vst.idx.msk $0xffff, v9;
	v21 =	vmul.f32 v58, v10  }
0x1b8: {  	[tilespmem:v8+s22+$0x1C40 ss:$0x1] =	vst.idx.msk $0xffff, v12;
	v29 =	vld.idx.msk [tilespmem:v8+s22+$0x1850 ss:$0x1], $0xffff;
	v11 =	vmul.f32 v51, v10  }
0x1b9: {  	v23 =	vld.idx.msk [tilespmem:v8+s22+$0x1C50 ss:$0x1], $0xffff;
	[tilespmem:v8+s22+$0x440 ss:$0x1] =	vst.idx.msk $0xffff, v21;
	v25 =	vmul.f32 v61, v10  }
0x1ba: {  	v34 =	vmul.f32 v24, v10;
	v27 =	vld.idx.msk [tilespmem:v8+s22+$0x450 ss:$0x1], $0xffff;
	[tilespmem:v8+s22+$0x1040 ss:$0x1] =	vst.idx.msk $0xffff, v11  }
0x1bb: {  	v26 =	vmul.f32 v62, v10;
	v20 =	vld.idx.msk [tilespmem:v8+s22+$0x1050 ss:$0x1], $0xffff;
	[tilespmem:v8+s22+$0x2040 ss:$0x1] =	vst.idx.msk $0xffff, v25  }
0x1bc: {  	v30 =	vmul.f32 v22, v10;
	[tilespmem:v8+s22+$0x850 ss:$0x1] =	vst.idx.msk $0xffff, v34;
	v31 =	vld.idx.msk [tilespmem:v8+s22+$0x2050 ss:$0x1], $0xffff  }
0x1bd: {  	[tilespmem:v8+s22+$0xC50 ss:$0x1] =	vst.idx.msk $0xffff, v26;
	v40 =	vld.idx.msk [tilespmem:v8+s22+$0x860 ss:$0x1], $0xffff;
	v38 =	vmul.f32 v29, v10  }
0x1be: {  	v32 =	vld.idx.msk [tilespmem:v8+s22+$0xC60 ss:$0x1], $0xffff;
	[tilespmem:v8+s22+$0x1450 ss:$0x1] =	vst.idx.msk $0xffff, v30;
	v33 =	vmul.f32 v23, v10  }
0x1bf: {  	v37 =	vld.idx.msk [tilespmem:v8+s22+$0x1460 ss:$0x1], $0xffff;
	[tilespmem:v8+s22+$0x1850 ss:$0x1] =	vst.idx.msk $0xffff, v38;
	v36 =	vmul.f32 v27, v10  }
0x1c0: {  	[tilespmem:v8+s22+$0x1C50 ss:$0x1] =	vst.idx.msk $0xffff, v33;
	v45 =	vld.idx.msk [tilespmem:v8+s22+$0x1860 ss:$0x1], $0xffff;
	v28 =	vmul.f32 v20, v10  }
0x1c1: {  	v39 =	vld.idx.msk [tilespmem:v8+s22+$0x1C60 ss:$0x1], $0xffff;
	[tilespmem:v8+s22+$0x450 ss:$0x1] =	vst.idx.msk $0xffff, v36;
	v41 =	vmul.f32 v31, v10  }
0x1c2: {  	v50 =	vmul.f32 v40, v10;
	v43 =	vld.idx.msk [tilespmem:v8+s22+$0x460 ss:$0x1], $0xffff;
	[tilespmem:v8+s22+$0x1050 ss:$0x1] =	vst.idx.msk $0xffff, v28  }
0x1c3: {  	v42 =	vmul.f32 v32, v10;
	v35 =	vld.idx.msk [tilespmem:v8+s22+$0x1060 ss:$0x1], $0xffff;
	[tilespmem:v8+s22+$0x2050 ss:$0x1] =	vst.idx.msk $0xffff, v41  }
0x1c4: {  	v46 =	vmul.f32 v37, v10;
	[tilespmem:v8+s22+$0x860 ss:$0x1] =	vst.idx.msk $0xffff, v50;
	v47 =	vld.idx.msk [tilespmem:v8+s22+$0x2060 ss:$0x1], $0xffff  }
0x1c5: {  	[tilespmem:v8+s22+$0xC60 ss:$0x1] =	vst.idx.msk $0xffff, v42;
	v54 =	vld.idx.msk [tilespmem:v8+s22+$0x870 ss:$0x1], $0xffff;
	v52 =	vmul.f32 v45, v10  }
0x1c6: {  	v48 =	vld.idx.msk [tilespmem:v8+s22+$0xC70 ss:$0x1], $0xffff;
	[tilespmem:v8+s22+$0x1460 ss:$0x1] =	vst.idx.msk $0xffff, v46;
	v49 =	vmul.f32 v39, v10  }
0x1c7: {  	v14 =	vld.idx.msk [tilespmem:v8+s22+$0x1470 ss:$0x1], $0xffff;
	[tilespmem:v8+s22+$0x1860 ss:$0x1] =	vst.idx.msk $0xffff, v52;
	v16 =	vmul.f32 v43, v10  }
0x1c8: {  	[tilespmem:v8+s22+$0x1C60 ss:$0x1] =	vst.idx.msk $0xffff, v49;
	v58 =	vld.idx.msk [tilespmem:v8+s22+$0x1870 ss:$0x1], $0xffff;
	v44 =	vmul.f32 v35, v10  }
0x1c9: {  	v53 =	vld.idx.msk [tilespmem:v8+s22+$0x1C70 ss:$0x1], $0xffff;
	[tilespmem:v8+s22+$0x460 ss:$0x1] =	vst.idx.msk $0xffff, v16;
	v15 =	vmul.f32 v47, v10  }
0x1ca: {  	v60 =	vmul.f32 v54, v10;
	v56 =	vld.idx.msk [tilespmem:v8+s22+$0x470 ss:$0x1], $0xffff;
	[tilespmem:v8+s22+$0x1060 ss:$0x1] =	vst.idx.msk $0xffff, v44  }
0x1cb: {  	v55 =	vmul.f32 v48, v10;
	v51 =	vld.idx.msk [tilespmem:v8+s22+$0x1070 ss:$0x1], $0xffff;
	[tilespmem:v8+s22+$0x2060 ss:$0x1] =	vst.idx.msk $0xffff, v15  }
0x1cc: {  	v14 =	vmul.f32 v14, v10;
	[tilespmem:v8+s22+$0x870 ss:$0x1] =	vst.idx.msk $0xffff, v60;
	v15 =	vld.idx.msk [tilespmem:v8+s22+$0x2070 ss:$0x1], $0xffff  }
0x1cd: {  	[tilespmem:v8+s22+$0xC70 ss:$0x1] =	vst.idx.msk $0xffff, v55;
	v62 =	vmul.f32 v58, v10  }
0x1ce: {  	[tilespmem:v8+s22+$0x1470 ss:$0x1] =	vst.idx.msk $0xffff, v14;
	v59 =	vmul.f32 v53, v10  }
0x1cf: {  	[tilespmem:v8+s22+$0x1870 ss:$0x1] =	vst.idx.msk $0xffff, v62;
	v61 =	vmul.f32 v56, v10  }
0x1d0: {  	s23 =	sadd.s32 $0x3, s18;
	[tilespmem:v8+s22+$0x1C70 ss:$0x1] =	vst.idx.msk $0xffff, v59;
	v57 =	vmul.f32 v51, v10  }
0x1d1: {  	s30 =	smulhi.u32 $0xAAAAAAAB, s23;
	[tilespmem:v8+s22+$0x470 ss:$0x1] =	vst.idx.msk $0xffff, v61;
	v63 =	vmul.f32 v15, v10  }
0x1d2: {  	s0 =	sadd.s32 $0x400, s20;
	s29 =	sshll.u32 s18, $0xB;
	[tilespmem:v8+s22+$0x1070 ss:$0x1] =	vst.idx.msk $0xffff, v57  }
0x1d3: {  	s19 =	sadd.s32 $0x7, s19;
	s20 =	sadd.s32 s29, s21;
	s31 =	sshrl.u32 s30, $0x2;
	[tilespmem:v8+s22+$0x2070 ss:$0x1] =	vst.idx.msk $0xffff, v63  }
0x1d4: {  	[hbm4b:s20+s3] =	stream.linear.scatter [tilespmem:s0], [sflag:s19], $0x4000, $0x38;
	[tilespmem:$0x18400] =	vst v63  }
0x1d5: {  	p0 =	sgt.u32 s18, $0x3C;
	s0 =	smul.u32 $0x6, s31  }
0x1d6: {  	p1 =	slt.u32 @!p0 s18, $0x3  }
0x1d7: {  	p1 =	por p1, p0;
	s0 =	ssub.s32 s23, s0  }
0x1d8: {  	s19 =	sadd.s32 @!p1 $0x7, s0  }
0x1d9: {  	_ =	swait.ge @!p1 [sflag:s19], $0x4000  }
0x1da: {  	s20 =	sshll.u32 @!p0 s23, $0x4;
	[sflag:s19] =	ssyncset.done @!p1 $0x0  }
0x1db: {  	[sflag:s19] =	ssyncadd.s32 @!p1 $0xFFFFC000;
	s19 =	sand.u32 @!p0 $0x3FFFFFF0, s20  }
0x1dc: {  	v8 =	vld @!p0 [tilespmem:s19+$0x0];
	_ =	sdelay $0x4  }
0x1dd: {  	v9 =	vshll.u32 @!p0 v8, $0x3  }
0x1de: {  	v10 =	vlaneseq.u32 @!p0;
	v8 =	vand.u32 @!p0 $0x7, v8;
	v9 =	vand.u32 @!p0 $0xFFFFFFC0, v9  }
0x1df: {  	v11 =	vshrl.u32 @!p0 v10, $0x3;
	v8 =	vor.u32 @!p0 v8, v9;
	v9 =	vand.u32 @!p0 $0x7, v10  }
0x1e0: {  	v11 =	vmul.u32 @!p0 $0x8, v11;
	v9 =	vperm.xlane @!p0 v8, v9;
	_ =	sdelay $0x1  }
0x1e1: {  	v9 =	vadd.s32 @!p0 v11, v9;
	_ =	sdelay $0x1  }
0x1e2: {  	s19 =	sshll.u32 @!p0 s0, $0xE  }
0x1e3: {  	s19 =	sand.u32 @!p0 $0x3FFFC000, s19  }
0x1e4: {  	vm1 =	vmmov @!p0 $0xffff;
	s22 =	simm.s32 @!p0 $0x0;
	s0 =	sadd.s32 @!p0 $0x1, s0;
	s20 =	sor.u32 @!p0 $0x400, s19  }
0x1e5: {  	v10 =	vor.u32 @!p0 $0x8, v10;
	[tilespmem:s20], [sflag:s0] =	stream.indirect_vreg.gather @!p0 [hbm4b:s2+s22], $0x80, v9, vm1, $0xb8;
	[tilespmem:$0x18400] =	vst v63  }
0x1e6: {  	v8 =	vperm.xlane @!p0 v8, v10;
	s20 =	sor.u32 @!p0 $0xC00, s19  }
0x1e7: {  	[tilespmem:s20], [sflag:s0] =	stream.indirect_vreg.gather @!p0 [hbm4b:s5+s22], $0x80, v9, vm1, $0xb8;
	[tilespmem:$0x18400] =	vst v63  }
0x1e8: {  	v8 =	vadd.s32 @!p0 v11, v8;
	s20 =	sor.u32 @!p0 $0x1400, s19  }
0x1e9: {  	[tilespmem:s20], [sflag:s0] =	stream.indirect_vreg.gather @!p0 [hbm4b:s6+s22], $0x80, v9, vm1, $0xb8;
	[tilespmem:$0x18400] =	vst v63  }
0x1ea: {  	s20 =	sor.u32 @!p0 $0x1C00, s19  }
0x1eb: {  	[tilespmem:s20], [sflag:s0] =	stream.indirect_vreg.gather @!p0 [hbm4b:s7+s22], $0x80, v9, vm1, $0xb8;
	[tilespmem:$0x18400] =	vst v63  }
0x1ec: {  	s20 =	sor.u32 @!p0 $0x2400, s19  }
0x1ed: {  	[tilespmem:s20], [sflag:s0] =	stream.indirect_vreg.gather @!p0 [hbm4b:s2+s22], $0x80, v8, vm1, $0xb8;
	[tilespmem:$0x18400] =	vst v63  }
0x1ee: {  	s20 =	sor.u32 @!p0 $0x2C00, s19  }
0x1ef: {  	[tilespmem:s20], [sflag:s0] =	stream.indirect_vreg.gather @!p0 [hbm4b:s5+s22], $0x80, v8, vm1, $0xb8;
	[tilespmem:$0x18400] =	vst v63  }
0x1f0: {  	s20 =	sor.u32 @!p0 $0x3400, s19  }
0x1f1: {  	[tilespmem:s20], [sflag:s0] =	stream.indirect_vreg.gather @!p0 [hbm4b:s6+s22], $0x80, v8, vm1, $0xb8;
	[tilespmem:$0x18400] =	vst v63  }
0x1f2: {  	s18 =	sadd.s32 $0x1, s18;
	s19 =	sor.u32 @!p0 $0x3C00, s19  }
0x1f3: {  	[tilespmem:s19], [sflag:s0] =	stream.indirect_vreg.gather @!p0 [hbm4b:s7+s22], $0x80, v8, vm1, $0xb8;
	[tilespmem:$0x18400] =	vst v63  }
0x1f4: {  	p0 =	sne.s32 s18, $0x40  }
.Ltmp2:
0x1f5: {  	_ = 	snop;
	(pc) =	sbr.rel @p0 .LBB2_2-.Ltmp2, $1  }
0x1f6: {  	_ =	sdelay $0x3  }
0x1f7: {  	_ =	swait.ge [sflag:s11], $0x4000  }
0x1f8: {  	[sflag:s11] =	ssyncset.done $0x0  }
0x1f9: {  	[sflag:s11] =	ssyncadd.s32 $0xFFFFC000  }
0x1fa: {  	_ =	swait.ge [sflag:s12], $0x4000  }
0x1fb: {  	[sflag:s12] =	ssyncset.done $0x0  }
0x1fc: {  	[sflag:s12] =	ssyncadd.s32 $0xFFFFC000  }
0x1fd: {  	_ =	swait.ge [sflag:s13], $0x4000  }
0x1fe: {  	[sflag:s13] =	ssyncset.done $0x0  }
0x1ff: {  	[sflag:s13] =	ssyncadd.s32 $0xFFFFC000  }
0x200: {  	_ =	swait.ge [sflag:s14], $0x4000  }
0x201: {  	[sflag:s14] =	ssyncset.done $0x0  }
0x202: {  	s17 =	sadd.s32 $0x1, s17;
	[sflag:s14] =	ssyncadd.s32 $0xFFFFC000  }
0x203: {  	p0 =	sne.s32 s17, s24;
	_ =	swait.ge [sflag:s15], $0x4000  }
.Ltmp3:
0x204: {  	[sflag:s15] =	ssyncset.done $0x0;
	(pc) =	sbr.rel @p0 .LBB2_1-.Ltmp3, $4  }
0x205: {  	[sflag:s15] =	ssyncadd.s32 $0xFFFFC000  }
0x206: {  	_ =	swait.ge [sflag:s16], $0x4000  }
0x207: {  	[sflag:s16] =	ssyncset.done $0x0  }
0x208: {  	[sflag:s16] =	ssyncadd.s32 $0xFFFFC000  }
0x209: {  	_ =	sfence.sel $0x180000  }
0x20a: {  	[bflag:$0x0] =	sbarrier.arrive $0xFFFF  }
0x20b: {  	_ =	strace $0x90000047  }
0x20c: {  	s0 =	stileid.u32;
	[bflag:$0x2] =	sbarrier.arrive $0xFFFF  }
0x20d: {  	p0 =	sne.s32 s0, $0x0;
	s0 =	rddreg [dreg:$0x3]  }
0x20e: {  	s0 =	sadd.s32 @!p0 $0x100000, s0  }
0x20f: {  	[sflag:s0] =	ssyncadd.tile.s32 @!p0 $0x1;
	_ =	shalt  }
.Lfunc_end2:
_tile_overlayer_lowered:
.L_overlay_start_2:
0x210: {  	(tag) =	ssettag $0x2  }
0x211: {  	s0 =	rddreg [dreg:$0x0];
	s2 =	stileid.u32  }
0x212: {  	s1 =	rddreg [dreg:$0x1];
	p0 =	sne.s32 s2, $0x0  }
0x213: {  	s3 =	rddreg [dreg:$0x2];
	[bflag:$0x3] =	sbarrier.arrive $0xFFFF;
	s2 =	simm.s32 @!p0 $0x1C0D  }
0x214: {  	[timem:s3], [sflag:s2] =	dma.local @!p0 [hbm:s0], s1  }
0x215: {  	s0 =	simm.s32 @!p0 $0xD  }
0x216: {  	_ =	swait.ge @!p0 [sflag:s0], s1  }
0x217: {  	s1 =	ssub.s32 @!p0 $0x0, s1;
	[sflag:s0] =	ssyncset.done @!p0 $0x0  }
0x218: {  	[sflag:s0] =	ssyncadd.s32 @!p0 s1  }
0x219: {  	[bflag:$0x3] =	sbarrier.arrive $0xFFFF  }
0x21a: {  	_ =	shalt  }

</sc_bundles>
